<compile_context>
chip_gen: v7x
topology: tpu7x:2x2x1
jax: 0.10.2.dev20260603
libtpu: 0.0.44.dev20260713+nightly
codegen_flags: <defaults>
</compile_context>

<pallas_src>
import jax
import jax.numpy as jnp
from jax import lax
from jax.experimental import pallas as pl
from jax.experimental.pallas import tpu as pltpu
from jax.experimental.pallas import tpu_sc as plsc

NC, NS, L = 2, 16, 16
NW = NC * NS
GRID = 14
CELLS = GRID * GRID
C = 30
NB = 256
GROUPS = NB // L


def _sq(x):
    return x * x


def _sqrt16(x):
    i = lax.bitcast_convert_type(x, jnp.int32)
    i = jnp.int32(0x5F3759DF) - lax.shift_right_arithmetic(i, 1)
    y = lax.bitcast_convert_type(i, jnp.float32)
    for _ in range(4):
        y = y * (1.5 - 0.5 * x * y * y)
    return x * y


def _group_loss(pv, tv, b0):
    d = pv[10, pl.ds(b0, L)] - tv[10, pl.ds(b0, L)]
    cls = d * d
    for j in range(11, C):
        d = pv[j, pl.ds(b0, L)] - tv[j, pl.ds(b0, L)]
        cls = cls + d * d

    p = [pv[j, pl.ds(b0, L)] for j in range(10)]
    t = [tv[j, pl.ds(b0, L)] for j in range(10)]
    conf = t[4]
    coo = jnp.where(conf > 0, 1.0, 0.0).astype(jnp.float32)
    noo = jnp.where(conf == 0, 1.0, 0.0).astype(jnp.float32)
    noo_row = _sq(p[4] - t[4]) + _sq(p[9] - t[9])

    t_xmin = t[0] - 0.5 * t[2]
    t_ymin = t[1] - 0.5 * t[3]
    t_xmax = t[0] + 0.5 * t[2]
    t_ymax = t[1] + 0.5 * t[3]
    area2 = t[2] * t[3]

    ious = []
    for k in (0, 5):
        xmin = p[k + 0] - 0.5 * p[k + 2]
        ymin = p[k + 1] - 0.5 * p[k + 3]
        xmax = p[k + 0] + 0.5 * p[k + 2]
        ymax = p[k + 1] + 0.5 * p[k + 3]
        ltx = jnp.maximum(xmin, t_xmin)
        lty = jnp.maximum(ymin, t_ymin)
        rbx = jnp.minimum(xmax, t_xmax)
        rby = jnp.minimum(ymax, t_ymax)
        whx = jnp.where(rbx - ltx < 0, 1.0, 0.0).astype(jnp.float32)
        why = jnp.where(rby - lty < 0, 1.0, 0.0).astype(jnp.float32)
        inter = whx * why
        area1 = p[k + 2] * p[k + 3]
        ious.append(inter / (area1 + area2 - inter))
    iou0, iou1 = ious
    isn0 = iou0 != iou0
    isn1 = iou1 != iou1
    sel = (iou1 > iou0) | (isn1 & (~isn0))

    rp = [jnp.where(sel, p[5 + j], p[j]) for j in range(5)]
    rt = [jnp.where(sel, t[5 + j], t[j]) for j in range(5)]

    contain = _sq(rp[4] - rt[4])
    loc = (_sq(rp[0] - rt[0]) + _sq(rp[1] - rt[1])
           + _sq(_sqrt16(rp[2]) - _sqrt16(rt[2]))
           + _sq(_sqrt16(rp[3]) - _sqrt16(rt[3])))
    return coo * (loc + 2.0 * contain + cls) + noo * noo_row


BLK = 128
UNITS = CELLS * (NB // BLK)
ROUNDS = (UNITS + NW - 1) // NW


def _body(pred_hbm, targ_hbm, out_hbm,
          pv0, tv0, pv1, tv1, acc_v, sp0, st0, sp1, st1):
    w = lax.axis_index("s") * NC + lax.axis_index("c")

    def unit_id(r):
        return jnp.minimum(w + NW * r, UNITS - 1)

    def src_refs(h):
        cell = h // 2
        ci = cell // GRID
        cj = cell - ci * GRID
        b0 = (h - cell * 2) * BLK
        return (pred_hbm.at[ci, cj, :, pl.ds(b0, BLK)],
                targ_hbm.at[ci, cj, :, pl.ds(b0, BLK)])

    def issue(r, pv, tv, sp, st):
        ps, ts = src_refs(unit_id(r))
        pltpu.async_copy(ps, pv, sp)
        pltpu.async_copy(ts, tv, st)

    def wait(pv, tv, sp, st):
        pltpu.make_async_copy(pred_hbm.at[0, 0, :, pl.ds(0, BLK)], pv, sp).wait()
        pltpu.make_async_copy(targ_hbm.at[0, 0, :, pl.ds(0, BLK)], tv, st).wait()

    def compute(r, pv, tv, acc):
        def g_loop(g, s):
            return s + _group_loss(pv, tv, g * L)

        s = lax.fori_loop(0, BLK // L, g_loop, jnp.zeros((L,), jnp.float32))
        active = (w + NW * r) < UNITS
        return acc + jnp.where(active, s, 0.0)

    issue(0, pv0, tv0, sp0, st0)

    def body2(kk, acc):
        r0 = 2 * kk
        wait(pv0, tv0, sp0, st0)
        issue(r0 + 1, pv1, tv1, sp1, st1)
        acc = compute(r0, pv0, tv0, acc)
        wait(pv1, tv1, sp1, st1)
        issue(r0 + 2, pv0, tv0, sp0, st0)
        return compute(r0 + 1, pv1, tv1, acc)

    acc = lax.fori_loop(0, (ROUNDS - 1) // 2, body2,
                        jnp.zeros((L,), jnp.float32))
    wait(pv0, tv0, sp0, st0)
    acc = compute(ROUNDS - 1, pv0, tv0, acc)

    acc_v[pl.ds(0, L)] = acc
    for k in range(1, 8):
        acc_v[pl.ds(k * L, L)] = jnp.zeros((L,), jnp.float32)
    pltpu.sync_copy(acc_v, out_hbm.at[w])


@jax.jit
def _sc_loss(pred_t, targ_t):
    mesh = plsc.VectorSubcoreMesh(core_axis_name="c", subcore_axis_name="s")
    fn = pl.kernel(
        _body,
        out_type=jax.ShapeDtypeStruct((NW, 128), jnp.float32),
        mesh=mesh,
        scratch_types=[
            pltpu.VMEM((C, BLK), jnp.float32),
            pltpu.VMEM((C, BLK), jnp.float32),
            pltpu.VMEM((C, BLK), jnp.float32),
            pltpu.VMEM((C, BLK), jnp.float32),
            pltpu.VMEM((128,), jnp.float32),
            pltpu.SemaphoreType.DMA,
            pltpu.SemaphoreType.DMA,
            pltpu.SemaphoreType.DMA,
            pltpu.SemaphoreType.DMA,
        ],
        compiler_params=pltpu.CompilerParams(
            use_tc_tiling_on_sc=True, needs_layout_passes=False),
    )
    return fn(pred_t, targ_t)


def kernel(pred_tensor, target_tensor):
    n = pred_tensor.shape[0]
    pt = jnp.transpose(pred_tensor, (1, 2, 3, 0))
    tt = jnp.transpose(target_tensor, (1, 2, 3, 0))
    partials = _sc_loss(pt, tt)
    return jnp.sum(partials) / jnp.float32(n)

# --- scband reference (transcript-rebuilt; emitter-appended) ---
"""Pipeline reference for scband-myloss-6408091206114 (READ-ONLY COPY).

The authoritative reference and input builder live on the scoring server;
editing this copy changes nothing except your own understanding.
"""

import jax, jax.numpy as jnp
import numpy as np

B, S, D = 256, 14, 30


def setup_inputs(seed: int = 0) -> dict:
    key = jax.random.key(seed)
    k1, k2 = jax.random.split(key)
    pred = jax.random.uniform(k1, (B, S, S, D), dtype=jnp.float32)
    target = jax.random.uniform(k2, (B, S, S, D), dtype=jnp.float32)
    return {"pred_tensor": pred, "target_tensor": target}


def _loss(P, T, coo_mask, noo_mask, N):
    cols = jnp.array([4, 9])
    noo_row = jnp.sum((P[:, cols] - T[:, cols]) ** 2, axis=1)
    nooobj_loss = jnp.sum(noo_mask * noo_row)

    # per-row version of the per-pair responsibility loop (each row owns 2 boxes)
    bp = P[:, :10].reshape(-1, 2, 5)
    bt = T[:, :10].reshape(-1, 2, 5)
    b1 = jnp.concatenate([bp[..., :2] - 0.5 * bp[..., 2:4], bp[..., :2] + 0.5 * bp[..., 2:4]], axis=-1)  # [R,2,4]
    b2f = bt[:, 0:1, :]
    b2 = jnp.concatenate([b2f[..., :2] - 0.5 * b2f[..., 2:4], b2f[..., :2] + 0.5 * b2f[..., 2:4]], axis=-1)  # [R,1,4]

    lt = jnp.maximum(b1[..., :2], b2[..., :2])
    rb = jnp.minimum(b1[..., 2:4], b2[..., 2:4])
    # faithful to the original (buggy) code: wh = (wh < 0).float()
    wh = (rb - lt < 0).astype(jnp.float32)
    inter = wh[..., 0] * wh[..., 1]  # [R,2]
    area1 = (b1[..., 2] - b1[..., 0]) * (b1[..., 3] - b1[..., 1])  # [R,2]
    area2 = (b2[..., 2] - b2[..., 0]) * (b2[..., 3] - b2[..., 1])  # [R,1]
    iou = inter / (area1 + area2 - inter)  # [R,2]
    max_index = jnp.argmax(iou, axis=1)  # [R], first max like torch .max

    resp_p = jnp.take_along_axis(bp, max_index[:, None, None], axis=1)[:, 0, :]
    resp_t = jnp.take_along_axis(bt, max_index[:, None, None], axis=1)[:, 0, :]

    contain_row = (resp_p[:, 4] - resp_t[:, 4]) ** 2
    loc_row = jnp.sum((resp_p[:, :2] - resp_t[:, :2]) ** 2, axis=1) + jnp.sum(
        (jnp.sqrt(resp_p[:, 2:4]) - jnp.sqrt(resp_t[:, 2:4])) ** 2, axis=1)
    class_row = jnp.sum((P[:, 10:] - T[:, 10:]) ** 2, axis=1)

    contain_loss = jnp.sum(coo_mask * contain_row)
    loc_loss = jnp.sum(coo_mask * loc_row)
    # faithful to original bug: not_contain_loss recomputes the response mse
    not_contain_loss = jnp.sum(coo_mask * contain_row)
    class_loss = jnp.sum(coo_mask * class_row)

    return (loc_loss + contain_loss + not_contain_loss + nooobj_loss + class_loss) / N


def reference(pred_tensor, target_tensor):
    N = pred_tensor.shape[0]
    P = pred_tensor.reshape(-1, 30)
    T = target_tensor.reshape(-1, 30)
    conf = T[:, 4]
    coo_mask = (conf > 0).astype(P.dtype)
    noo_mask = (conf == 0).astype(P.dtype)
    return _loss(P, T, coo_mask, noo_mask, N)

if __name__ == "__main__":
    import jax
    _d = setup_inputs()
    print(jax.jit(kernel)(*tuple(_d.values())))

</pallas_src>

<mosaic_0001>
#map = affine_map<(d0, d1) -> (0, 0, 0, 0)>
#map1 = affine_map<(d0, d1) -> (0, 0)>
module attributes {stable_mosaic.version = 14 : i64} {
  func.func @_body(%arg0: i32, %arg1: i32, %arg2: memref<14x14x30x256xf32, #tpu.memory_space<hbm>>, %arg3: memref<14x14x30x256xf32, #tpu.memory_space<hbm>>, %arg4: memref<32x128xf32, #tpu.memory_space<hbm>>, %arg5: memref<30x128xf32, #tpu.memory_space<vmem>>, %arg6: memref<30x128xf32, #tpu.memory_space<vmem>>, %arg7: memref<30x128xf32, #tpu.memory_space<vmem>>, %arg8: memref<30x128xf32, #tpu.memory_space<vmem>>, %arg9: memref<128xf32, #tpu.memory_space<vmem>>, %arg10: memref<!tpu.dma_semaphore, #tpu.memory_space<semaphore_mem>>, %arg11: memref<!tpu.dma_semaphore, #tpu.memory_space<semaphore_mem>>, %arg12: memref<!tpu.dma_semaphore, #tpu.memory_space<semaphore_mem>>, %arg13: memref<!tpu.dma_semaphore, #tpu.memory_space<semaphore_mem>>) attributes {dimension_semantics = [#tpu.dimension_semantics<core_parallel>, #tpu.dimension_semantics<subcore_parallel>], iteration_bounds = array<i64: 2, 16>, scalar_prefetch = 0 : i64, scratch_operands = 9 : i64, tpu.core_type = #tpu.core_type<sc_vector_subcore>, window_params = [{transform_indices = #map}, {transform_indices = #map}, {transform_indices = #map1}]} {
    %mul3A = arith.constant 2 : i32
    %mul3A_0 = arith.muli %arg1, %mul3A : i32
    %add3A = arith.addi %mul3A_0, %arg0 : i32
    %add3A_1 = arith.constant 0 : i32
    %add3A_2 = arith.addi %add3A, %add3A_1 : i32
    %min3A = arith.constant 391 : i32
    %min3A_3 = arith.minsi %add3A_2, %min3A : i32
    %jit3A = arith.constant 2 : i32
    %div3A = arith.divsi %min3A_3, %jit3A : i32
    %sign3A = arith.constant 0 : i32
    %sign3A_4 = arith.cmpi sgt, %min3A_3, %sign3A : i32
    %sign3A_5 = arith.extui %sign3A_4 : i1 to i32
    %sign3A_6 = arith.constant 0 : i32
    %sign3A_7 = arith.cmpi slt, %min3A_3, %sign3A_6 : i32
    %sign3A_8 = arith.extui %sign3A_7 : i1 to i32
    %sign3A_9 = arith.subi %sign3A_5, %sign3A_8 : i32
    %sign3A_10 = arith.constant 0 : i32
    %sign3A_11 = arith.cmpi sgt, %jit3A, %sign3A_10 : i32
    %sign3A_12 = arith.extui %sign3A_11 : i1 to i32
    %sign3A_13 = arith.constant 0 : i32
    %sign3A_14 = arith.cmpi slt, %jit3A, %sign3A_13 : i32
    %sign3A_15 = arith.extui %sign3A_14 : i1 to i32
    %sign3A_16 = arith.subi %sign3A_12, %sign3A_15 : i32
    %ne3A = arith.cmpi ne, %sign3A_9, %sign3A_16 : i32
    %rem3A = arith.remsi %min3A_3, %jit3A : i32
    %ne3A_17 = arith.constant 0 : i32
    %ne3A_18 = arith.cmpi ne, %rem3A, %ne3A_17 : i32
    %and3A = arith.andi %ne3A, %ne3A_18 : i1
    %sub3A = arith.constant 1 : i32
    %sub3A_19 = arith.subi %div3A, %sub3A : i32
    %select_n3A = arith.select %and3A, %sub3A_19, %div3A : i32
    %jit3A_20 = arith.constant 14 : i32
    %div3A_21 = arith.divsi %select_n3A, %jit3A_20 : i32
    %sign3A_22 = arith.constant 0 : i32
    %sign3A_23 = arith.cmpi sgt, %select_n3A, %sign3A_22 : i32
    %sign3A_24 = arith.extui %sign3A_23 : i1 to i32
    %sign3A_25 = arith.constant 0 : i32
    %sign3A_26 = arith.cmpi slt, %select_n3A, %sign3A_25 : i32
    %sign3A_27 = arith.extui %sign3A_26 : i1 to i32
    %sign3A_28 = arith.subi %sign3A_24, %sign3A_27 : i32
    %sign3A_29 = arith.constant 0 : i32
    %sign3A_30 = arith.cmpi sgt, %jit3A_20, %sign3A_29 : i32
    %sign3A_31 = arith.extui %sign3A_30 : i1 to i32
    %sign3A_32 = arith.constant 0 : i32
    %sign3A_33 = arith.cmpi slt, %jit3A_20, %sign3A_32 : i32
    %sign3A_34 = arith.extui %sign3A_33 : i1 to i32
    %sign3A_35 = arith.subi %sign3A_31, %sign3A_34 : i32
    %ne3A_36 = arith.cmpi ne, %sign3A_28, %sign3A_35 : i32
    %rem3A_37 = arith.remsi %select_n3A, %jit3A_20 : i32
    %ne3A_38 = arith.constant 0 : i32
    %ne3A_39 = arith.cmpi ne, %rem3A_37, %ne3A_38 : i32
    %and3A_40 = arith.andi %ne3A_36, %ne3A_39 : i1
    %sub3A_41 = arith.constant 1 : i32
    %sub3A_42 = arith.subi %div3A_21, %sub3A_41 : i32
    %select_n3A_43 = arith.select %and3A_40, %sub3A_42, %div3A_21 : i32
    %mul3A_44 = arith.constant 14 : i32
    %mul3A_45 = arith.muli %select_n3A_43, %mul3A_44 : i32
    %sub3A_46 = arith.subi %select_n3A, %mul3A_45 : i32
    %mul3A_47 = arith.constant 2 : i32
    %mul3A_48 = arith.muli %select_n3A, %mul3A_47 : i32
    %sub3A_49 = arith.subi %min3A_3, %mul3A_48 : i32
    %mul3A_50 = arith.constant 128 : i32
    %mul3A_51 = arith.muli %sub3A_49, %mul3A_50 : i32
    %dma_start3A = arith.constant 0 : i32
    %dma_start3A_52 = tpu.memref_slice %arg2[%select_n3A_43, %sub3A_46, %dma_start3A, %mul3A_51] : memref<14x14x30x256xf32, #tpu.memory_space<hbm>> -> memref<1x1x30x128xf32, #tpu.memory_space<hbm>>
    %dma_start3A_53 = tpu.memref_squeeze %dma_start3A_52 : memref<1x1x30x128xf32, #tpu.memory_space<hbm>> -> memref<30x128xf32, #tpu.memory_space<hbm>>
    %dma_start3A_54 = arith.constant 0 : i32
    %dma_start3A_55 = tpu.memref_slice %arg2[%select_n3A_43, %sub3A_46, %dma_start3A_54, %mul3A_51] : memref<14x14x30x256xf32, #tpu.memory_space<hbm>> -> memref<1x1x30x128xf32, #tpu.memory_space<hbm>>
    %dma_start3A_56 = tpu.memref_squeeze %dma_start3A_55 : memref<1x1x30x128xf32, #tpu.memory_space<hbm>> -> memref<30x128xf32, #tpu.memory_space<hbm>>
    tpu.enqueue_dma source(%dma_start3A_56 : memref<30x128xf32, #tpu.memory_space<hbm>>) target(%arg5 : memref<30x128xf32, #tpu.memory_space<vmem>>) target_semaphore(%arg10 : memref<!tpu.dma_semaphore, #tpu.memory_space<semaphore_mem>>)
    %dma_start3A_57 = arith.constant 0 : i32
    %dma_start3A_58 = tpu.memref_slice %arg3[%select_n3A_43, %sub3A_46, %dma_start3A_57, %mul3A_51] : memref<14x14x30x256xf32, #tpu.memory_space<hbm>> -> memref<1x1x30x128xf32, #tpu.memory_space<hbm>>
    %dma_start3A_59 = tpu.memref_squeeze %dma_start3A_58 : memref<1x1x30x128xf32, #tpu.memory_space<hbm>> -> memref<30x128xf32, #tpu.memory_space<hbm>>
    %dma_start3A_60 = arith.constant 0 : i32
    %dma_start3A_61 = tpu.memref_slice %arg3[%select_n3A_43, %sub3A_46, %dma_start3A_60, %mul3A_51] : memref<14x14x30x256xf32, #tpu.memory_space<hbm>> -> memref<1x1x30x128xf32, #tpu.memory_space<hbm>>
    %dma_start3A_62 = tpu.memref_squeeze %dma_start3A_61 : memref<1x1x30x128xf32, #tpu.memory_space<hbm>> -> memref<30x128xf32, #tpu.memory_space<hbm>>
    tpu.enqueue_dma source(%dma_start3A_62 : memref<30x128xf32, #tpu.memory_space<hbm>>) target(%arg6 : memref<30x128xf32, #tpu.memory_space<vmem>>) target_semaphore(%arg11 : memref<!tpu.dma_semaphore, #tpu.memory_space<semaphore_mem>>)
    %broadcast_in_dim3A = arith.constant 0.000000e+00 : f32
    %broadcast_in_dim3A_63 = vector.broadcast %broadcast_in_dim3A : f32 to vector<16xf32>
    %scan3A = arith.constant 0 : i32
    %scan3A_64 = arith.constant 6 : i32
    %scan3A_65 = arith.addi %scan3A, %scan3A_64 : i32
    %scan3A_66 = arith.constant 1 : i32
    %scan3A_67 = scf.for %scan3A_132 = %scan3A to %scan3A_65 step %scan3A_66 iter_args(%scan3A_133 = %broadcast_in_dim3A_63) -> (vector<16xf32>)  : i32 {
      %mul3A_134 = arith.constant 2 : i32
      %mul3A_135 = arith.muli %mul3A_134, %scan3A_132 : i32
      %dma_wait3A_136 = arith.constant 0 : i32
      %dma_wait3A_137 = arith.constant 0 : i32
      %dma_wait3A_138 = arith.constant 0 : i32
      %dma_wait3A_139 = arith.constant 0 : i32
      %dma_wait3A_140 = tpu.memref_slice %arg2[%dma_wait3A_136, %dma_wait3A_137, %dma_wait3A_138, %dma_wait3A_139] : memref<14x14x30x256xf32, #tpu.memory_space<hbm>> -> memref<1x1x30x128xf32, #tpu.memory_space<hbm>>
      %dma_wait3A_141 = tpu.memref_squeeze %dma_wait3A_140 : memref<1x1x30x128xf32, #tpu.memory_space<hbm>> -> memref<30x128xf32, #tpu.memory_space<hbm>>
      %dma_wait3A_142 = arith.constant 0 : i32
      %dma_wait3A_143 = arith.constant 0 : i32
      %dma_wait3A_144 = tpu.memref_slice %arg2[%dma_wait3A_136, %dma_wait3A_137, %dma_wait3A_142, %dma_wait3A_143] : memref<14x14x30x256xf32, #tpu.memory_space<hbm>> -> memref<1x1x30x128xf32, #tpu.memory_space<hbm>>
      %dma_wait3A_145 = tpu.memref_squeeze %dma_wait3A_144 : memref<1x1x30x128xf32, #tpu.memory_space<hbm>> -> memref<30x128xf32, #tpu.memory_space<hbm>>
      tpu.wait_dma2 semaphore(%arg10 : memref<!tpu.dma_semaphore, #tpu.memory_space<semaphore_mem>>) src(%dma_wait3A_145 : memref<30x128xf32, #tpu.memory_space<hbm>>) dst(%arg5 : memref<30x128xf32, #tpu.memory_space<vmem>>)
      %dma_wait3A_146 = arith.constant 0 : i32
      %dma_wait3A_147 = arith.constant 0 : i32
      %dma_wait3A_148 = arith.constant 0 : i32
      %dma_wait3A_149 = arith.constant 0 : i32
      %dma_wait3A_150 = tpu.memref_slice %arg3[%dma_wait3A_146, %dma_wait3A_147, %dma_wait3A_148, %dma_wait3A_149] : memref<14x14x30x256xf32, #tpu.memory_space<hbm>> -> memref<1x1x30x128xf32, #tpu.memory_space<hbm>>
      %dma_wait3A_151 = tpu.memref_squeeze %dma_wait3A_150 : memref<1x1x30x128xf32, #tpu.memory_space<hbm>> -> memref<30x128xf32, #tpu.memory_space<hbm>>
      %dma_wait3A_152 = arith.constant 0 : i32
      %dma_wait3A_153 = arith.constant 0 : i32
      %dma_wait3A_154 = tpu.memref_slice %arg3[%dma_wait3A_146, %dma_wait3A_147, %dma_wait3A_152, %dma_wait3A_153] : memref<14x14x30x256xf32, #tpu.memory_space<hbm>> -> memref<1x1x30x128xf32, #tpu.memory_space<hbm>>
      %dma_wait3A_155 = tpu.memref_squeeze %dma_wait3A_154 : memref<1x1x30x128xf32, #tpu.memory_space<hbm>> -> memref<30x128xf32, #tpu.memory_space<hbm>>
      tpu.wait_dma2 semaphore(%arg11 : memref<!tpu.dma_semaphore, #tpu.memory_space<semaphore_mem>>) src(%dma_wait3A_155 : memref<30x128xf32, #tpu.memory_space<hbm>>) dst(%arg6 : memref<30x128xf32, #tpu.memory_space<vmem>>)
      %add3A_156 = arith.constant 1 : i32
      %add3A_157 = arith.addi %mul3A_135, %add3A_156 : i32
      %mul3A_158 = arith.constant 32 : i32
      %mul3A_159 = arith.muli %mul3A_158, %add3A_157 : i32
      %add3A_160 = arith.addi %add3A, %mul3A_159 : i32
      %min3A_161 = arith.constant 391 : i32
      %min3A_162 = arith.minsi %add3A_160, %min3A_161 : i32
      %jit3A_163 = arith.constant 2 : i32
      %div3A_164 = arith.divsi %min3A_162, %jit3A_163 : i32
      %sign3A_165 = arith.constant 0 : i32
      %sign3A_166 = arith.cmpi sgt, %min3A_162, %sign3A_165 : i32
      %sign3A_167 = arith.extui %sign3A_166 : i1 to i32
      %sign3A_168 = arith.constant 0 : i32
      %sign3A_169 = arith.cmpi slt, %min3A_162, %sign3A_168 : i32
      %sign3A_170 = arith.extui %sign3A_169 : i1 to i32
      %sign3A_171 = arith.subi %sign3A_167, %sign3A_170 : i32
      %sign3A_172 = arith.constant 0 : i32
      %sign3A_173 = arith.cmpi sgt, %jit3A_163, %sign3A_172 : i32
      %sign3A_174 = arith.extui %sign3A_173 : i1 to i32
      %sign3A_175 = arith.constant 0 : i32
      %sign3A_176 = arith.cmpi slt, %jit3A_163, %sign3A_175 : i32
      %sign3A_177 = arith.extui %sign3A_176 : i1 to i32
      %sign3A_178 = arith.subi %sign3A_174, %sign3A_177 : i32
      %ne3A_179 = arith.cmpi ne, %sign3A_171, %sign3A_178 : i32
      %rem3A_180 = arith.remsi %min3A_162, %jit3A_163 : i32
      %ne3A_181 = arith.constant 0 : i32
      %ne3A_182 = arith.cmpi ne, %rem3A_180, %ne3A_181 : i32
      %and3A_183 = arith.andi %ne3A_179, %ne3A_182 : i1
      %sub3A_184 = arith.constant 1 : i32
      %sub3A_185 = arith.subi %div3A_164, %sub3A_184 : i32
      %select_n3A_186 = arith.select %and3A_183, %sub3A_185, %div3A_164 : i32
      %jit3A_187 = arith.constant 14 : i32
      %div3A_188 = arith.divsi %select_n3A_186, %jit3A_187 : i32
      %sign3A_189 = arith.constant 0 : i32
      %sign3A_190 = arith.cmpi sgt, %select_n3A_186, %sign3A_189 : i32
      %sign3A_191 = arith.extui %sign3A_190 : i1 to i32
      %sign3A_192 = arith.constant 0 : i32
      %sign3A_193 = arith.cmpi slt, %select_n3A_186, %sign3A_192 : i32
      %sign3A_194 = arith.extui %sign3A_193 : i1 to i32
      %sign3A_195 = arith.subi %sign3A_191, %sign3A_194 : i32
      %sign3A_196 = arith.constant 0 : i32
      %sign3A_197 = arith.cmpi sgt, %jit3A_187, %sign3A_196 : i32
      %sign3A_198 = arith.extui %sign3A_197 : i1 to i32
      %sign3A_199 = arith.constant 0 : i32
      %sign3A_200 = arith.cmpi slt, %jit3A_187, %sign3A_199 : i32
      %sign3A_201 = arith.extui %sign3A_200 : i1 to i32
      %sign3A_202 = arith.subi %sign3A_198, %sign3A_201 : i32
      %ne3A_203 = arith.cmpi ne, %sign3A_195, %sign3A_202 : i32
      %rem3A_204 = arith.remsi %select_n3A_186, %jit3A_187 : i32
      %ne3A_205 = arith.constant 0 : i32
      %ne3A_206 = arith.cmpi ne, %rem3A_204, %ne3A_205 : i32
      %and3A_207 = arith.andi %ne3A_203, %ne3A_206 : i1
      %sub3A_208 = arith.constant 1 : i32
      %sub3A_209 = arith.subi %div3A_188, %sub3A_208 : i32
      %select_n3A_210 = arith.select %and3A_207, %sub3A_209, %div3A_188 : i32
      %mul3A_211 = arith.constant 14 : i32
      %mul3A_212 = arith.muli %select_n3A_210, %mul3A_211 : i32
      %sub3A_213 = arith.subi %select_n3A_186, %mul3A_212 : i32
      %mul3A_214 = arith.constant 2 : i32
      %mul3A_215 = arith.muli %select_n3A_186, %mul3A_214 : i32
      %sub3A_216 = arith.subi %min3A_162, %mul3A_215 : i32
      %mul3A_217 = arith.constant 128 : i32
      %mul3A_218 = arith.muli %sub3A_216, %mul3A_217 : i32
      %dma_start3A_219 = arith.constant 0 : i32
      %dma_start3A_220 = tpu.memref_slice %arg2[%select_n3A_210, %sub3A_213, %dma_start3A_219, %mul3A_218] : memref<14x14x30x256xf32, #tpu.memory_space<hbm>> -> memref<1x1x30x128xf32, #tpu.memory_space<hbm>>
      %dma_start3A_221 = tpu.memref_squeeze %dma_start3A_220 : memref<1x1x30x128xf32, #tpu.memory_space<hbm>> -> memref<30x128xf32, #tpu.memory_space<hbm>>
      %dma_start3A_222 = arith.constant 0 : i32
      %dma_start3A_223 = tpu.memref_slice %arg2[%select_n3A_210, %sub3A_213, %dma_start3A_222, %mul3A_218] : memref<14x14x30x256xf32, #tpu.memory_space<hbm>> -> memref<1x1x30x128xf32, #tpu.memory_space<hbm>>
      %dma_start3A_224 = tpu.memref_squeeze %dma_start3A_223 : memref<1x1x30x128xf32, #tpu.memory_space<hbm>> -> memref<30x128xf32, #tpu.memory_space<hbm>>
      tpu.enqueue_dma source(%dma_start3A_224 : memref<30x128xf32, #tpu.memory_space<hbm>>) target(%arg7 : memref<30x128xf32, #tpu.memory_space<vmem>>) target_semaphore(%arg12 : memref<!tpu.dma_semaphore, #tpu.memory_space<semaphore_mem>>)
      %dma_start3A_225 = arith.constant 0 : i32
      %dma_start3A_226 = tpu.memref_slice %arg3[%select_n3A_210, %sub3A_213, %dma_start3A_225, %mul3A_218] : memref<14x14x30x256xf32, #tpu.memory_space<hbm>> -> memref<1x1x30x128xf32, #tpu.memory_space<hbm>>
      %dma_start3A_227 = tpu.memref_squeeze %dma_start3A_226 : memref<1x1x30x128xf32, #tpu.memory_space<hbm>> -> memref<30x128xf32, #tpu.memory_space<hbm>>
      %dma_start3A_228 = arith.constant 0 : i32
      %dma_start3A_229 = tpu.memref_slice %arg3[%select_n3A_210, %sub3A_213, %dma_start3A_228, %mul3A_218] : memref<14x14x30x256xf32, #tpu.memory_space<hbm>> -> memref<1x1x30x128xf32, #tpu.memory_space<hbm>>
      %dma_start3A_230 = tpu.memref_squeeze %dma_start3A_229 : memref<1x1x30x128xf32, #tpu.memory_space<hbm>> -> memref<30x128xf32, #tpu.memory_space<hbm>>
      tpu.enqueue_dma source(%dma_start3A_230 : memref<30x128xf32, #tpu.memory_space<hbm>>) target(%arg8 : memref<30x128xf32, #tpu.memory_space<vmem>>) target_semaphore(%arg13 : memref<!tpu.dma_semaphore, #tpu.memory_space<semaphore_mem>>)
      %broadcast_in_dim3A_231 = arith.constant 0.000000e+00 : f32
      %broadcast_in_dim3A_232 = vector.broadcast %broadcast_in_dim3A_231 : f32 to vector<16xf32>
      %scan3A_233 = arith.constant 0 : i32
      %scan3A_234 = arith.constant 8 : i32
      %scan3A_235 = arith.addi %scan3A_233, %scan3A_234 : i32
      %scan3A_236 = arith.constant 1 : i32
      %scan3A_237 = scf.for %scan3A_362 = %scan3A_233 to %scan3A_235 step %scan3A_236 iter_args(%scan3A_363 = %broadcast_in_dim3A_232) -> (vector<16xf32>)  : i32 {
        %mul3A_364 = arith.constant 16 : i32
        %mul3A_365 = arith.muli %scan3A_362, %mul3A_364 : i32
        %get3A = arith.constant 10 : i32
        %get3A_366 = arith.index_cast %get3A : i32 to index
        %get3A_367 = arith.index_cast %mul3A_365 : i32 to index
        %get3A_368 = tpu.vector_load %arg5[%get3A_366, %get3A_367] {strides = array<i32>} : memref<30x128xf32, #tpu.memory_space<vmem>>, vector<16xf32>,
        %get3A_369 = arith.constant 10 : i32
        %get3A_370 = arith.index_cast %get3A_369 : i32 to index
        %get3A_371 = arith.index_cast %mul3A_365 : i32 to index
        %get3A_372 = tpu.vector_load %arg6[%get3A_370, %get3A_371] {strides = array<i32>} : memref<30x128xf32, #tpu.memory_space<vmem>>, vector<16xf32>,
        %sub3A_373 = arith.subf %get3A_368, %get3A_372 : vector<16xf32>
        %mul3A_374 = arith.mulf %sub3A_373, %sub3A_373 : vector<16xf32>
        %get3A_375 = arith.constant 11 : i32
        %get3A_376 = arith.index_cast %get3A_375 : i32 to index
        %get3A_377 = arith.index_cast %mul3A_365 : i32 to index
        %get3A_378 = tpu.vector_load %arg5[%get3A_376, %get3A_377] {strides = array<i32>} : memref<30x128xf32, #tpu.memory_space<vmem>>, vector<16xf32>,
        %get3A_379 = arith.constant 11 : i32
        %get3A_380 = arith.index_cast %get3A_379 : i32 to index
        %get3A_381 = arith.index_cast %mul3A_365 : i32 to index
        %get3A_382 = tpu.vector_load %arg6[%get3A_380, %get3A_381] {strides = array<i32>} : memref<30x128xf32, #tpu.memory_space<vmem>>, vector<16xf32>,
        %sub3A_383 = arith.subf %get3A_378, %get3A_382 : vector<16xf32>
        %mul3A_384 = arith.mulf %sub3A_383, %sub3A_383 : vector<16xf32>
        %add3A_385 = arith.addf %mul3A_374, %mul3A_384 : vector<16xf32>
        %get3A_386 = arith.constant 12 : i32
        %get3A_387 = arith.index_cast %get3A_386 : i32 to index
        %get3A_388 = arith.index_cast %mul3A_365 : i32 to index
        %get3A_389 = tpu.vector_load %arg5[%get3A_387, %get3A_388] {strides = array<i32>} : memref<30x128xf32, #tpu.memory_space<vmem>>, vector<16xf32>,
        %get3A_390 = arith.constant 12 : i32
        %get3A_391 = arith.index_cast %get3A_390 : i32 to index
        %get3A_392 = arith.index_cast %mul3A_365 : i32 to index
        %get3A_393 = tpu.vector_load %arg6[%get3A_391, %get3A_392] {strides = array<i32>} : memref<30x128xf32, #tpu.memory_space<vmem>>, vector<16xf32>,
        %sub3A_394 = arith.subf %get3A_389, %get3A_393 : vector<16xf32>
        %mul3A_395 = arith.mulf %sub3A_394, %sub3A_394 : vector<16xf32>
        %add3A_396 = arith.addf %add3A_385, %mul3A_395 : vector<16xf32>
        %get3A_397 = arith.constant 13 : i32
        %get3A_398 = arith.index_cast %get3A_397 : i32 to index
        %get3A_399 = arith.index_cast %mul3A_365 : i32 to index
        %get3A_400 = tpu.vector_load %arg5[%get3A_398, %get3A_399] {strides = array<i32>} : memref<30x128xf32, #tpu.memory_space<vmem>>, vector<16xf32>,
        %get3A_401 = arith.constant 13 : i32
        %get3A_402 = arith.index_cast %get3A_401 : i32 to index
        %get3A_403 = arith.index_cast %mul3A_365 : i32 to index
        %get3A_404 = tpu.vector_load %arg6[%get3A_402, %get3A_403] {strides = array<i32>} : memref<30x128xf32, #tpu.memory_space<vmem>>, vector<16xf32>,
        %sub3A_405 = arith.subf %get3A_400, %get3A_404 : vector<16xf32>
        %mul3A_406 = arith.mulf %sub3A_405, %sub3A_405 : vector<16xf32>
        %add3A_407 = arith.addf %add3A_396, %mul3A_406 : vector<16xf32>
        %get3A_408 = arith.constant 14 : i32
        %get3A_409 = arith.index_cast %get3A_408 : i32 to index
        %get3A_410 = arith.index_cast %mul3A_365 : i32 to index
        %get3A_411 = tpu.vector_load %arg5[%get3A_409, %get3A_410] {strides = array<i32>} : memref<30x128xf32, #tpu.memory_space<vmem>>, vector<16xf32>,
        %get3A_412 = arith.constant 14 : i32
        %get3A_413 = arith.index_cast %get3A_412 : i32 to index
        %get3A_414 = arith.index_cast %mul3A_365 : i32 to index
        %get3A_415 = tpu.vector_load %arg6[%get3A_413, %get3A_414] {strides = array<i32>} : memref<30x128xf32, #tpu.memory_space<vmem>>, vector<16xf32>,
        %sub3A_416 = arith.subf %get3A_411, %get3A_415 : vector<16xf32>
        %mul3A_417 = arith.mulf %sub3A_416, %sub3A_416 : vector<16xf32>
        %add3A_418 = arith.addf %add3A_407, %mul3A_417 : vector<16xf32>
        %get3A_419 = arith.constant 15 : i32
        %get3A_420 = arith.index_cast %get3A_419 : i32 to index
        %get3A_421 = arith.index_cast %mul3A_365 : i32 to index
        %get3A_422 = tpu.vector_load %arg5[%get3A_420, %get3A_421] {strides = array<i32>} : memref<30x128xf32, #tpu.memory_space<vmem>>, vector<16xf32>,
        %get3A_423 = arith.constant 15 : i32
        %get3A_424 = arith.index_cast %get3A_423 : i32 to index
        %get3A_425 = arith.index_cast %mul3A_365 : i32 to index
        %get3A_426 = tpu.vector_load %arg6[%get3A_424, %get3A_425] {strides = array<i32>} : memref<30x128xf32, #tpu.memory_space<vmem>>, vector<16xf32>,
        %sub3A_427 = arith.subf %get3A_422, %get3A_426 : vector<16xf32>
        %mul3A_428 = arith.mulf %sub3A_427, %sub3A_427 : vector<16xf32>
        %add3A_429 = arith.addf %add3A_418, %mul3A_428 : vector<16xf32>
        %get3A_430 = arith.constant 16 : i32
        %get3A_431 = arith.index_cast %get3A_430 : i32 to index
        %get3A_432 = arith.index_cast %mul3A_365 : i32 to index
        %get3A_433 = tpu.vector_load %arg5[%get3A_431, %get3A_432] {strides = array<i32>} : memref<30x128xf32, #tpu.memory_space<vmem>>, vector<16xf32>,
        %get3A_434 = arith.constant 16 : i32
        %get3A_435 = arith.index_cast %get3A_434 : i32 to index
        %get3A_436 = arith.index_cast %mul3A_365 : i32 to index
        %get3A_437 = tpu.vector_load %arg6[%get3A_435, %get3A_436] {strides = array<i32>} : memref<30x128xf32, #tpu.memory_space<vmem>>, vector<16xf32>,
        %sub3A_438 = arith.subf %get3A_433, %get3A_437 : vector<16xf32>
        %mul3A_439 = arith.mulf %sub3A_438, %sub3A_438 : vector<16xf32>
        %add3A_440 = arith.addf %add3A_429, %mul3A_439 : vector<16xf32>
        %get3A_441 = arith.constant 17 : i32
        %get3A_442 = arith.index_cast %get3A_441 : i32 to index
        %get3A_443 = arith.index_cast %mul3A_365 : i32 to index
        %get3A_444 = tpu.vector_load %arg5[%get3A_442, %get3A_443] {strides = array<i32>} : memref<30x128xf32, #tpu.memory_space<vmem>>, vector<16xf32>,
        %get3A_445 = arith.constant 17 : i32
        %get3A_446 = arith.index_cast %get3A_445 : i32 to index
        %get3A_447 = arith.index_cast %mul3A_365 : i32 to index
        %get3A_448 = tpu.vector_load %arg6[%get3A_446, %get3A_447] {strides = array<i32>} : memref<30x128xf32, #tpu.memory_space<vmem>>, vector<16xf32>,
        %sub3A_449 = arith.subf %get3A_444, %get3A_448 : vector<16xf32>
        %mul3A_450 = arith.mulf %sub3A_449, %sub3A_449 : vector<16xf32>
        %add3A_451 = arith.addf %add3A_440, %mul3A_450 : vector<16xf32>
        %get3A_452 = arith.constant 18 : i32
        %get3A_453 = arith.index_cast %get3A_452 : i32 to index
        %get3A_454 = arith.index_cast %mul3A_365 : i32 to index
        %get3A_455 = tpu.vector_load %arg5[%get3A_453, %get3A_454] {strides = array<i32>} : memref<30x128xf32, #tpu.memory_space<vmem>>, vector<16xf32>,
        %get3A_456 = arith.constant 18 : i32
        %get3A_457 = arith.index_cast %get3A_456 : i32 to index
        %get3A_458 = arith.index_cast %mul3A_365 : i32 to index
        %get3A_459 = tpu.vector_load %arg6[%get3A_457, %get3A_458] {strides = array<i32>} : memref<30x128xf32, #tpu.memory_space<vmem>>, vector<16xf32>,
        %sub3A_460 = arith.subf %get3A_455, %get3A_459 : vector<16xf32>
        %mul3A_461 = arith.mulf %sub3A_460, %sub3A_460 : vector<16xf32>
        %add3A_462 = arith.addf %add3A_451, %mul3A_461 : vector<16xf32>
        %get3A_463 = arith.constant 19 : i32
        %get3A_464 = arith.index_cast %get3A_463 : i32 to index
        %get3A_465 = arith.index_cast %mul3A_365 : i32 to index
        %get3A_466 = tpu.vector_load %arg5[%get3A_464, %get3A_465] {strides = array<i32>} : memref<30x128xf32, #tpu.memory_space<vmem>>, vector<16xf32>,
        %get3A_467 = arith.constant 19 : i32
        %get3A_468 = arith.index_cast %get3A_467 : i32 to index
        %get3A_469 = arith.index_cast %mul3A_365 : i32 to index
        %get3A_470 = tpu.vector_load %arg6[%get3A_468, %get3A_469] {strides = array<i32>} : memref<30x128xf32, #tpu.memory_space<vmem>>, vector<16xf32>,
        %sub3A_471 = arith.subf %get3A_466, %get3A_470 : vector<16xf32>
        %mul3A_472 = arith.mulf %sub3A_471, %sub3A_471 : vector<16xf32>
        %add3A_473 = arith.addf %add3A_462, %mul3A_472 : vector<16xf32>
        %get3A_474 = arith.constant 20 : i32
        %get3A_475 = arith.index_cast %get3A_474 : i32 to index
        %get3A_476 = arith.index_cast %mul3A_365 : i32 to index
        %get3A_477 = tpu.vector_load %arg5[%get3A_475, %get3A_476] {strides = array<i32>} : memref<30x128xf32, #tpu.memory_space<vmem>>, vector<16xf32>,
        %get3A_478 = arith.constant 20 : i32
        %get3A_479 = arith.index_cast %get3A_478 : i32 to index
        %get3A_480 = arith.index_cast %mul3A_365 : i32 to index
        %get3A_481 = tpu.vector_load %arg6[%get3A_479, %get3A_480] {strides = array<i32>} : memref<30x128xf32, #tpu.memory_space<vmem>>, vector<16xf32>,
        %sub3A_482 = arith.subf %get3A_477, %get3A_481 : vector<16xf32>
        %mul3A_483 = arith.mulf %sub3A_482, %sub3A_482 : vector<16xf32>
        %add3A_484 = arith.addf %add3A_473, %mul3A_483 : vector<16xf32>
        %get3A_485 = arith.constant 21 : i32
        %get3A_486 = arith.index_cast %get3A_485 : i32 to index
        %get3A_487 = arith.index_cast %mul3A_365 : i32 to index
        %get3A_488 = tpu.vector_load %arg5[%get3A_486, %get3A_487] {strides = array<i32>} : memref<30x128xf32, #tpu.memory_space<vmem>>, vector<16xf32>,
        %get3A_489 = arith.constant 21 : i32
        %get3A_490 = arith.index_cast %get3A_489 : i32 to index
        %get3A_491 = arith.index_cast %mul3A_365 : i32 to index
        %get3A_492 = tpu.vector_load %arg6[%get3A_490, %get3A_491] {strides = array<i32>} : memref<30x128xf32, #tpu.memory_space<vmem>>, vector<16xf32>,
        %sub3A_493 = arith.subf %get3A_488, %get3A_492 : vector<16xf32>
        %mul3A_494 = arith.mulf %sub3A_493, %sub3A_493 : vector<16xf32>
        %add3A_495 = arith.addf %add3A_484, %mul3A_494 : vector<16xf32>
        %get3A_496 = arith.constant 22 : i32
        %get3A_497 = arith.index_cast %get3A_496 : i32 to index
        %get3A_498 = arith.index_cast %mul3A_365 : i32 to index
        %get3A_499 = tpu.vector_load %arg5[%get3A_497, %get3A_498] {strides = array<i32>} : memref<30x128xf32, #tpu.memory_space<vmem>>, vector<16xf32>,
        %get3A_500 = arith.constant 22 : i32
        %get3A_501 = arith.index_cast %get3A_500 : i32 to index
        %get3A_502 = arith.index_cast %mul3A_365 : i32 to index
        %get3A_503 = tpu.vector_load %arg6[%get3A_501, %get3A_502] {strides = array<i32>} : memref<30x128xf32, #tpu.memory_space<vmem>>, vector<16xf32>,
        %sub3A_504 = arith.subf %get3A_499, %get3A_503 : vector<16xf32>
        %mul3A_505 = arith.mulf %sub3A_504, %sub3A_504 : vector<16xf32>
        %add3A_506 = arith.addf %add3A_495, %mul3A_505 : vector<16xf32>
        %get3A_507 = arith.constant 23 : i32
        %get3A_508 = arith.index_cast %get3A_507 : i32 to index
        %get3A_509 = arith.index_cast %mul3A_365 : i32 to index
        %get3A_510 = tpu.vector_load %arg5[%get3A_508, %get3A_509] {strides = array<i32>} : memref<30x128xf32, #tpu.memory_space<vmem>>, vector<16xf32>,
        %get3A_511 = arith.constant 23 : i32
        %get3A_512 = arith.index_cast %get3A_511 : i32 to index
        %get3A_513 = arith.index_cast %mul3A_365 : i32 to index
        %get3A_514 = tpu.vector_load %arg6[%get3A_512, %get3A_513] {strides = array<i32>} : memref<30x128xf32, #tpu.memory_space<vmem>>, vector<16xf32>,
        %sub3A_515 = arith.subf %get3A_510, %get3A_514 : vector<16xf32>
        %mul3A_516 = arith.mulf %sub3A_515, %sub3A_515 : vector<16xf32>
        %add3A_517 = arith.addf %add3A_506, %mul3A_516 : vector<16xf32>
        %get3A_518 = arith.constant 24 : i32
        %get3A_519 = arith.index_cast %get3A_518 : i32 to index
        %get3A_520 = arith.index_cast %mul3A_365 : i32 to index
        %get3A_521 = tpu.vector_load %arg5[%get3A_519, %get3A_520] {strides = array<i32>} : memref<30x128xf32, #tpu.memory_space<vmem>>, vector<16xf32>,
        %get3A_522 = arith.constant 24 : i32
        %get3A_523 = arith.index_cast %get3A_522 : i32 to index
        %get3A_524 = arith.index_cast %mul3A_365 : i32 to index
        %get3A_525 = tpu.vector_load %arg6[%get3A_523, %get3A_524] {strides = array<i32>} : memref<30x128xf32, #tpu.memory_space<vmem>>, vector<16xf32>,
        %sub3A_526 = arith.subf %get3A_521, %get3A_525 : vector<16xf32>
        %mul3A_527 = arith.mulf %sub3A_526, %sub3A_526 : vector<16xf32>
        %add3A_528 = arith.addf %add3A_517, %mul3A_527 : vector<16xf32>
        %get3A_529 = arith.constant 25 : i32
        %get3A_530 = arith.index_cast %get3A_529 : i32 to index
        %get3A_531 = arith.index_cast %mul3A_365 : i32 to index
        %get3A_532 = tpu.vector_load %arg5[%get3A_530, %get3A_531] {strides = array<i32>} : memref<30x128xf32, #tpu.memory_space<vmem>>, vector<16xf32>,
        %get3A_533 = arith.constant 25 : i32
        %get3A_534 = arith.index_cast %get3A_533 : i32 to index
        %get3A_535 = arith.index_cast %mul3A_365 : i32 to index
        %get3A_536 = tpu.vector_load %arg6[%get3A_534, %get3A_535] {strides = array<i32>} : memref<30x128xf32, #tpu.memory_space<vmem>>, vector<16xf32>,
        %sub3A_537 = arith.subf %get3A_532, %get3A_536 : vector<16xf32>
        %mul3A_538 = arith.mulf %sub3A_537, %sub3A_537 : vector<16xf32>
        %add3A_539 = arith.addf %add3A_528, %mul3A_538 : vector<16xf32>
        %get3A_540 = arith.constant 26 : i32
        %get3A_541 = arith.index_cast %get3A_540 : i32 to index
        %get3A_542 = arith.index_cast %mul3A_365 : i32 to index
        %get3A_543 = tpu.vector_load %arg5[%get3A_541, %get3A_542] {strides = array<i32>} : memref<30x128xf32, #tpu.memory_space<vmem>>, vector<16xf32>,
        %get3A_544 = arith.constant 26 : i32
        %get3A_545 = arith.index_cast %get3A_544 : i32 to index
        %get3A_546 = arith.index_cast %mul3A_365 : i32 to index
        %get3A_547 = tpu.vector_load %arg6[%get3A_545, %get3A_546] {strides = array<i32>} : memref<30x128xf32, #tpu.memory_space<vmem>>, vector<16xf32>,
        %sub3A_548 = arith.subf %get3A_543, %get3A_547 : vector<16xf32>
        %mul3A_549 = arith.mulf %sub3A_548, %sub3A_548 : vector<16xf32>
        %add3A_550 = arith.addf %add3A_539, %mul3A_549 : vector<16xf32>
        %get3A_551 = arith.constant 27 : i32
        %get3A_552 = arith.index_cast %get3A_551 : i32 to index
        %get3A_553 = arith.index_cast %mul3A_365 : i32 to index
        %get3A_554 = tpu.vector_load %arg5[%get3A_552, %get3A_553] {strides = array<i32>} : memref<30x128xf32, #tpu.memory_space<vmem>>, vector<16xf32>,
        %get3A_555 = arith.constant 27 : i32
        %get3A_556 = arith.index_cast %get3A_555 : i32 to index
        %get3A_557 = arith.index_cast %mul3A_365 : i32 to index
        %get3A_558 = tpu.vector_load %arg6[%get3A_556, %get3A_557] {strides = array<i32>} : memref<30x128xf32, #tpu.memory_space<vmem>>, vector<16xf32>,
        %sub3A_559 = arith.subf %get3A_554, %get3A_558 : vector<16xf32>
        %mul3A_560 = arith.mulf %sub3A_559, %sub3A_559 : vector<16xf32>
        %add3A_561 = arith.addf %add3A_550, %mul3A_560 : vector<16xf32>
        %get3A_562 = arith.constant 28 : i32
        %get3A_563 = arith.index_cast %get3A_562 : i32 to index
        %get3A_564 = arith.index_cast %mul3A_365 : i32 to index
        %get3A_565 = tpu.vector_load %arg5[%get3A_563, %get3A_564] {strides = array<i32>} : memref<30x128xf32, #tpu.memory_space<vmem>>, vector<16xf32>,
        %get3A_566 = arith.constant 28 : i32
        %get3A_567 = arith.index_cast %get3A_566 : i32 to index
        %get3A_568 = arith.index_cast %mul3A_365 : i32 to index
        %get3A_569 = tpu.vector_load %arg6[%get3A_567, %get3A_568] {strides = array<i32>} : memref<30x128xf32, #tpu.memory_space<vmem>>, vector<16xf32>,
        %sub3A_570 = arith.subf %get3A_565, %get3A_569 : vector<16xf32>
        %mul3A_571 = arith.mulf %sub3A_570, %sub3A_570 : vector<16xf32>
        %add3A_572 = arith.addf %add3A_561, %mul3A_571 : vector<16xf32>
        %get3A_573 = arith.constant 29 : i32
        %get3A_574 = arith.index_cast %get3A_573 : i32 to index
        %get3A_575 = arith.index_cast %mul3A_365 : i32 to index
        %get3A_576 = tpu.vector_load %arg5[%get3A_574, %get3A_575] {strides = array<i32>} : memref<30x128xf32, #tpu.memory_space<vmem>>, vector<16xf32>,
        %get3A_577 = arith.constant 29 : i32
        %get3A_578 = arith.index_cast %get3A_577 : i32 to index
        %get3A_579 = arith.index_cast %mul3A_365 : i32 to index
        %get3A_580 = tpu.vector_load %arg6[%get3A_578, %get3A_579] {strides = array<i32>} : memref<30x128xf32, #tpu.memory_space<vmem>>, vector<16xf32>,
        %sub3A_581 = arith.subf %get3A_576, %get3A_580 : vector<16xf32>
        %mul3A_582 = arith.mulf %sub3A_581, %sub3A_581 : vector<16xf32>
        %add3A_583 = arith.addf %add3A_572, %mul3A_582 : vector<16xf32>
        %get3A_584 = arith.constant 0 : i32
        %get3A_585 = arith.index_cast %get3A_584 : i32 to index
        %get3A_586 = arith.index_cast %mul3A_365 : i32 to index
        %get3A_587 = tpu.vector_load %arg5[%get3A_585, %get3A_586] {strides = array<i32>} : memref<30x128xf32, #tpu.memory_space<vmem>>, vector<16xf32>,
        %get3A_588 = arith.constant 1 : i32
        %get3A_589 = arith.index_cast %get3A_588 : i32 to index
        %get3A_590 = arith.index_cast %mul3A_365 : i32 to index
        %get3A_591 = tpu.vector_load %arg5[%get3A_589, %get3A_590] {strides = array<i32>} : memref<30x128xf32, #tpu.memory_space<vmem>>, vector<16xf32>,
        %get3A_592 = arith.constant 2 : i32
        %get3A_593 = arith.index_cast %get3A_592 : i32 to index
        %get3A_594 = arith.index_cast %mul3A_365 : i32 to index
        %get3A_595 = tpu.vector_load %arg5[%get3A_593, %get3A_594] {strides = array<i32>} : memref<30x128xf32, #tpu.memory_space<vmem>>, vector<16xf32>,
        %get3A_596 = arith.constant 3 : i32
        %get3A_597 = arith.index_cast %get3A_596 : i32 to index
        %get3A_598 = arith.index_cast %mul3A_365 : i32 to index
        %get3A_599 = tpu.vector_load %arg5[%get3A_597, %get3A_598] {strides = array<i32>} : memref<30x128xf32, #tpu.memory_space<vmem>>, vector<16xf32>,
        %get3A_600 = arith.constant 4 : i32
        %get3A_601 = arith.index_cast %get3A_600 : i32 to index
        %get3A_602 = arith.index_cast %mul3A_365 : i32 to index
        %get3A_603 = tpu.vector_load %arg5[%get3A_601, %get3A_602] {strides = array<i32>} : memref<30x128xf32, #tpu.memory_space<vmem>>, vector<16xf32>,
        %get3A_604 = arith.constant 5 : i32
        %get3A_605 = arith.index_cast %get3A_604 : i32 to index
        %get3A_606 = arith.index_cast %mul3A_365 : i32 to index
        %get3A_607 = tpu.vector_load %arg5[%get3A_605, %get3A_606] {strides = array<i32>} : memref<30x128xf32, #tpu.memory_space<vmem>>, vector<16xf32>,
        %get3A_608 = arith.constant 6 : i32
        %get3A_609 = arith.index_cast %get3A_608 : i32 to index
        %get3A_610 = arith.index_cast %mul3A_365 : i32 to index
        %get3A_611 = tpu.vector_load %arg5[%get3A_609, %get3A_610] {strides = array<i32>} : memref<30x128xf32, #tpu.memory_space<vmem>>, vector<16xf32>,
        %get3A_612 = arith.constant 7 : i32
        %get3A_613 = arith.index_cast %get3A_612 : i32 to index
        %get3A_614 = arith.index_cast %mul3A_365 : i32 to index
        %get3A_615 = tpu.vector_load %arg5[%get3A_613, %get3A_614] {strides = array<i32>} : memref<30x128xf32, #tpu.memory_space<vmem>>, vector<16xf32>,
        %get3A_616 = arith.constant 8 : i32
        %get3A_617 = arith.index_cast %get3A_616 : i32 to index
        %get3A_618 = arith.index_cast %mul3A_365 : i32 to index
        %get3A_619 = tpu.vector_load %arg5[%get3A_617, %get3A_618] {strides = array<i32>} : memref<30x128xf32, #tpu.memory_space<vmem>>, vector<16xf32>,
        %get3A_620 = arith.constant 9 : i32
        %get3A_621 = arith.index_cast %get3A_620 : i32 to index
        %get3A_622 = arith.index_cast %mul3A_365 : i32 to index
        %get3A_623 = tpu.vector_load %arg5[%get3A_621, %get3A_622] {strides = array<i32>} : memref<30x128xf32, #tpu.memory_space<vmem>>, vector<16xf32>,
        %get3A_624 = arith.constant 0 : i32
        %get3A_625 = arith.index_cast %get3A_624 : i32 to index
        %get3A_626 = arith.index_cast %mul3A_365 : i32 to index
        %get3A_627 = tpu.vector_load %arg6[%get3A_625, %get3A_626] {strides = array<i32>} : memref<30x128xf32, #tpu.memory_space<vmem>>, vector<16xf32>,
        %get3A_628 = arith.constant 1 : i32
        %get3A_629 = arith.index_cast %get3A_628 : i32 to index
        %get3A_630 = arith.index_cast %mul3A_365 : i32 to index
        %get3A_631 = tpu.vector_load %arg6[%get3A_629, %get3A_630] {strides = array<i32>} : memref<30x128xf32, #tpu.memory_space<vmem>>, vector<16xf32>,
        %get3A_632 = arith.constant 2 : i32
        %get3A_633 = arith.index_cast %get3A_632 : i32 to index
        %get3A_634 = arith.index_cast %mul3A_365 : i32 to index
        %get3A_635 = tpu.vector_load %arg6[%get3A_633, %get3A_634] {strides = array<i32>} : memref<30x128xf32, #tpu.memory_space<vmem>>, vector<16xf32>,
        %get3A_636 = arith.constant 3 : i32
        %get3A_637 = arith.index_cast %get3A_636 : i32 to index
        %get3A_638 = arith.index_cast %mul3A_365 : i32 to index
        %get3A_639 = tpu.vector_load %arg6[%get3A_637, %get3A_638] {strides = array<i32>} : memref<30x128xf32, #tpu.memory_space<vmem>>, vector<16xf32>,
        %get3A_640 = arith.constant 4 : i32
        %get3A_641 = arith.index_cast %get3A_640 : i32 to index
        %get3A_642 = arith.index_cast %mul3A_365 : i32 to index
        %get3A_643 = tpu.vector_load %arg6[%get3A_641, %get3A_642] {strides = array<i32>} : memref<30x128xf32, #tpu.memory_space<vmem>>, vector<16xf32>,
        %get3A_644 = arith.constant 5 : i32
        %get3A_645 = arith.index_cast %get3A_644 : i32 to index
        %get3A_646 = arith.index_cast %mul3A_365 : i32 to index
        %get3A_647 = tpu.vector_load %arg6[%get3A_645, %get3A_646] {strides = array<i32>} : memref<30x128xf32, #tpu.memory_space<vmem>>, vector<16xf32>,
        %get3A_648 = arith.constant 6 : i32
        %get3A_649 = arith.index_cast %get3A_648 : i32 to index
        %get3A_650 = arith.index_cast %mul3A_365 : i32 to index
        %get3A_651 = tpu.vector_load %arg6[%get3A_649, %get3A_650] {strides = array<i32>} : memref<30x128xf32, #tpu.memory_space<vmem>>, vector<16xf32>,
        %get3A_652 = arith.constant 7 : i32
        %get3A_653 = arith.index_cast %get3A_652 : i32 to index
        %get3A_654 = arith.index_cast %mul3A_365 : i32 to index
        %get3A_655 = tpu.vector_load %arg6[%get3A_653, %get3A_654] {strides = array<i32>} : memref<30x128xf32, #tpu.memory_space<vmem>>, vector<16xf32>,
        %get3A_656 = arith.constant 8 : i32
        %get3A_657 = arith.index_cast %get3A_656 : i32 to index
        %get3A_658 = arith.index_cast %mul3A_365 : i32 to index
        %get3A_659 = tpu.vector_load %arg6[%get3A_657, %get3A_658] {strides = array<i32>} : memref<30x128xf32, #tpu.memory_space<vmem>>, vector<16xf32>,
        %get3A_660 = arith.constant 9 : i32
        %get3A_661 = arith.index_cast %get3A_660 : i32 to index
        %get3A_662 = arith.index_cast %mul3A_365 : i32 to index
        %get3A_663 = tpu.vector_load %arg6[%get3A_661, %get3A_662] {strides = array<i32>} : memref<30x128xf32, #tpu.memory_space<vmem>>, vector<16xf32>,
        %gt3A = arith.constant 0.000000e+00 : f32
        %gt3A_664 = vector.broadcast %gt3A : f32 to vector<16xf32>
        %gt3A_665 = arith.cmpf ogt, %get3A_643, %gt3A_664 : vector<16xf32>
        %jit3A_666 = arith.constant 1.000000e+00 : f32
        %jit3A_667 = arith.constant 0.000000e+00 : f32
        %broadcast_in_dim3A_668 = vector.broadcast %jit3A_666 : f32 to vector<16xf32>
        %broadcast_in_dim3A_669 = vector.broadcast %jit3A_667 : f32 to vector<16xf32>
        %select_n3A_670 = arith.select %gt3A_665, %broadcast_in_dim3A_668, %broadcast_in_dim3A_669 : vector<16xi1>, vector<16xf32>
        %eq3A = arith.constant 0.000000e+00 : f32
        %eq3A_671 = vector.broadcast %eq3A : f32 to vector<16xf32>
        %eq3A_672 = arith.cmpf oeq, %get3A_643, %eq3A_671 : vector<16xf32>
        %jit3A_673 = arith.constant 1.000000e+00 : f32
        %jit3A_674 = arith.constant 0.000000e+00 : f32
        %broadcast_in_dim3A_675 = vector.broadcast %jit3A_673 : f32 to vector<16xf32>
        %broadcast_in_dim3A_676 = vector.broadcast %jit3A_674 : f32 to vector<16xf32>
        %select_n3A_677 = arith.select %eq3A_672, %broadcast_in_dim3A_675, %broadcast_in_dim3A_676 : vector<16xi1>, vector<16xf32>
        %sub3A_678 = arith.subf %get3A_603, %get3A_643 : vector<16xf32>
        %mul3A_679 = arith.mulf %sub3A_678, %sub3A_678 : vector<16xf32>
        %sub3A_680 = arith.subf %get3A_623, %get3A_663 : vector<16xf32>
        %mul3A_681 = arith.mulf %sub3A_680, %sub3A_680 : vector<16xf32>
        %add3A_682 = arith.addf %mul3A_679, %mul3A_681 : vector<16xf32>
        %mul3A_683 = arith.constant 5.000000e-01 : f32
        %mul3A_684 = vector.broadcast %mul3A_683 : f32 to vector<16xf32>
        %mul3A_685 = arith.mulf %mul3A_684, %get3A_635 : vector<16xf32>
        %sub3A_686 = arith.subf %get3A_627, %mul3A_685 : vector<16xf32>
        %mul3A_687 = arith.constant 5.000000e-01 : f32
        %mul3A_688 = vector.broadcast %mul3A_687 : f32 to vector<16xf32>
        %mul3A_689 = arith.mulf %mul3A_688, %get3A_639 : vector<16xf32>
        %sub3A_690 = arith.subf %get3A_631, %mul3A_689 : vector<16xf32>
        %mul3A_691 = arith.constant 5.000000e-01 : f32
        %mul3A_692 = vector.broadcast %mul3A_691 : f32 to vector<16xf32>
        %mul3A_693 = arith.mulf %mul3A_692, %get3A_635 : vector<16xf32>
        %add3A_694 = arith.addf %get3A_627, %mul3A_693 : vector<16xf32>
        %mul3A_695 = arith.constant 5.000000e-01 : f32
        %mul3A_696 = vector.broadcast %mul3A_695 : f32 to vector<16xf32>
        %mul3A_697 = arith.mulf %mul3A_696, %get3A_639 : vector<16xf32>
        %add3A_698 = arith.addf %get3A_631, %mul3A_697 : vector<16xf32>
        %mul3A_699 = arith.mulf %get3A_635, %get3A_639 : vector<16xf32>
        %mul3A_700 = arith.constant 5.000000e-01 : f32
        %mul3A_701 = vector.broadcast %mul3A_700 : f32 to vector<16xf32>
        %mul3A_702 = arith.mulf %mul3A_701, %get3A_595 : vector<16xf32>
        %sub3A_703 = arith.subf %get3A_587, %mul3A_702 : vector<16xf32>
        %mul3A_704 = arith.constant 5.000000e-01 : f32
        %mul3A_705 = vector.broadcast %mul3A_704 : f32 to vector<16xf32>
        %mul3A_706 = arith.mulf %mul3A_705, %get3A_599 : vector<16xf32>
        %sub3A_707 = arith.subf %get3A_591, %mul3A_706 : vector<16xf32>
        %mul3A_708 = arith.constant 5.000000e-01 : f32
        %mul3A_709 = vector.broadcast %mul3A_708 : f32 to vector<16xf32>
        %mul3A_710 = arith.mulf %mul3A_709, %get3A_595 : vector<16xf32>
        %add3A_711 = arith.addf %get3A_587, %mul3A_710 : vector<16xf32>
        %mul3A_712 = arith.constant 5.000000e-01 : f32
        %mul3A_713 = vector.broadcast %mul3A_712 : f32 to vector<16xf32>
        %mul3A_714 = arith.mulf %mul3A_713, %get3A_599 : vector<16xf32>
        %add3A_715 = arith.addf %get3A_591, %mul3A_714 : vector<16xf32>
        %max3A = arith.maximumf %sub3A_703, %sub3A_686 : vector<16xf32>
        %max3A_716 = arith.maximumf %sub3A_707, %sub3A_690 : vector<16xf32>
        %min3A_717 = arith.minimumf %add3A_711, %add3A_694 : vector<16xf32>
        %min3A_718 = arith.minimumf %add3A_715, %add3A_698 : vector<16xf32>
        %sub3A_719 = arith.subf %min3A_717, %max3A : vector<16xf32>
        %lt3A_720 = arith.constant 0.000000e+00 : f32
        %lt3A_721 = vector.broadcast %lt3A_720 : f32 to vector<16xf32>
        %lt3A_722 = arith.cmpf olt, %sub3A_719, %lt3A_721 : vector<16xf32>
        %jit3A_723 = arith.constant 1.000000e+00 : f32
        %jit3A_724 = arith.constant 0.000000e+00 : f32
        %broadcast_in_dim3A_725 = vector.broadcast %jit3A_723 : f32 to vector<16xf32>
        %broadcast_in_dim3A_726 = vector.broadcast %jit3A_724 : f32 to vector<16xf32>
        %select_n3A_727 = arith.select %lt3A_722, %broadcast_in_dim3A_725, %broadcast_in_dim3A_726 : vector<16xi1>, vector<16xf32>
        %sub3A_728 = arith.subf %min3A_718, %max3A_716 : vector<16xf32>
        %lt3A_729 = arith.constant 0.000000e+00 : f32
        %lt3A_730 = vector.broadcast %lt3A_729 : f32 to vector<16xf32>
        %lt3A_731 = arith.cmpf olt, %sub3A_728, %lt3A_730 : vector<16xf32>
        %jit3A_732 = arith.constant 1.000000e+00 : f32
        %jit3A_733 = arith.constant 0.000000e+00 : f32
        %broadcast_in_dim3A_734 = vector.broadcast %jit3A_732 : f32 to vector<16xf32>
        %broadcast_in_dim3A_735 = vector.broadcast %jit3A_733 : f32 to vector<16xf32>
        %select_n3A_736 = arith.select %lt3A_731, %broadcast_in_dim3A_734, %broadcast_in_dim3A_735 : vector<16xi1>, vector<16xf32>
        %mul3A_737 = arith.mulf %select_n3A_727, %select_n3A_736 : vector<16xf32>
        %mul3A_738 = arith.mulf %get3A_595, %get3A_599 : vector<16xf32>
        %add3A_739 = arith.addf %mul3A_738, %mul3A_699 : vector<16xf32>
        %sub3A_740 = arith.subf %add3A_739, %mul3A_737 : vector<16xf32>
        %div3A_741 = arith.divf %mul3A_737, %sub3A_740 : vector<16xf32>
        %mul3A_742 = arith.constant 5.000000e-01 : f32
        %mul3A_743 = vector.broadcast %mul3A_742 : f32 to vector<16xf32>
        %mul3A_744 = arith.mulf %mul3A_743, %get3A_615 : vector<16xf32>
        %sub3A_745 = arith.subf %get3A_607, %mul3A_744 : vector<16xf32>
        %mul3A_746 = arith.constant 5.000000e-01 : f32
        %mul3A_747 = vector.broadcast %mul3A_746 : f32 to vector<16xf32>
        %mul3A_748 = arith.mulf %mul3A_747, %get3A_619 : vector<16xf32>
        %sub3A_749 = arith.subf %get3A_611, %mul3A_748 : vector<16xf32>
        %mul3A_750 = arith.constant 5.000000e-01 : f32
        %mul3A_751 = vector.broadcast %mul3A_750 : f32 to vector<16xf32>
        %mul3A_752 = arith.mulf %mul3A_751, %get3A_615 : vector<16xf32>
        %add3A_753 = arith.addf %get3A_607, %mul3A_752 : vector<16xf32>
        %mul3A_754 = arith.constant 5.000000e-01 : f32
        %mul3A_755 = vector.broadcast %mul3A_754 : f32 to vector<16xf32>
        %mul3A_756 = arith.mulf %mul3A_755, %get3A_619 : vector<16xf32>
        %add3A_757 = arith.addf %get3A_611, %mul3A_756 : vector<16xf32>
        %max3A_758 = arith.maximumf %sub3A_745, %sub3A_686 : vector<16xf32>
        %max3A_759 = arith.maximumf %sub3A_749, %sub3A_690 : vector<16xf32>
        %min3A_760 = arith.minimumf %add3A_753, %add3A_694 : vector<16xf32>
        %min3A_761 = arith.minimumf %add3A_757, %add3A_698 : vector<16xf32>
        %sub3A_762 = arith.subf %min3A_760, %max3A_758 : vector<16xf32>
        %lt3A_763 = arith.constant 0.000000e+00 : f32
        %lt3A_764 = vector.broadcast %lt3A_763 : f32 to vector<16xf32>
        %lt3A_765 = arith.cmpf olt, %sub3A_762, %lt3A_764 : vector<16xf32>
        %jit3A_766 = arith.constant 1.000000e+00 : f32
        %jit3A_767 = arith.constant 0.000000e+00 : f32
        %broadcast_in_dim3A_768 = vector.broadcast %jit3A_766 : f32 to vector<16xf32>
        %broadcast_in_dim3A_769 = vector.broadcast %jit3A_767 : f32 to vector<16xf32>
        %select_n3A_770 = arith.select %lt3A_765, %broadcast_in_dim3A_768, %broadcast_in_dim3A_769 : vector<16xi1>, vector<16xf32>
        %sub3A_771 = arith.subf %min3A_761, %max3A_759 : vector<16xf32>
        %lt3A_772 = arith.constant 0.000000e+00 : f32
        %lt3A_773 = vector.broadcast %lt3A_772 : f32 to vector<16xf32>
        %lt3A_774 = arith.cmpf olt, %sub3A_771, %lt3A_773 : vector<16xf32>
        %jit3A_775 = arith.constant 1.000000e+00 : f32
        %jit3A_776 = arith.constant 0.000000e+00 : f32
        %broadcast_in_dim3A_777 = vector.broadcast %jit3A_775 : f32 to vector<16xf32>
        %broadcast_in_dim3A_778 = vector.broadcast %jit3A_776 : f32 to vector<16xf32>
        %select_n3A_779 = arith.select %lt3A_774, %broadcast_in_dim3A_777, %broadcast_in_dim3A_778 : vector<16xi1>, vector<16xf32>
        %mul3A_780 = arith.mulf %select_n3A_770, %select_n3A_779 : vector<16xf32>
        %mul3A_781 = arith.mulf %get3A_615, %get3A_619 : vector<16xf32>
        %add3A_782 = arith.addf %mul3A_781, %mul3A_699 : vector<16xf32>
        %sub3A_783 = arith.subf %add3A_782, %mul3A_780 : vector<16xf32>
        %div3A_784 = arith.divf %mul3A_780, %sub3A_783 : vector<16xf32>
        %ne3A_785 = arith.cmpf one, %div3A_741, %div3A_741 : vector<16xf32>
        %ne3A_786 = arith.cmpf one, %div3A_784, %div3A_784 : vector<16xf32>
        %gt3A_787 = arith.cmpf ogt, %div3A_784, %div3A_741 : vector<16xf32>
        %not3A = arith.constant dense<true> : vector<16xi1>
        %not3A_788 = arith.xori %ne3A_785, %not3A : vector<16xi1>
        %and3A_789 = arith.andi %ne3A_786, %not3A_788 : vector<16xi1>
        %or3A = arith.ori %gt3A_787, %and3A_789 : vector<16xi1>
        %select_n3A_790 = arith.select %or3A, %get3A_607, %get3A_587 : vector<16xi1>, vector<16xf32>
        %select_n3A_791 = arith.select %or3A, %get3A_611, %get3A_591 : vector<16xi1>, vector<16xf32>
        %select_n3A_792 = arith.select %or3A, %get3A_615, %get3A_595 : vector<16xi1>, vector<16xf32>
        %select_n3A_793 = arith.select %or3A, %get3A_619, %get3A_599 : vector<16xi1>, vector<16xf32>
        %select_n3A_794 = arith.select %or3A, %get3A_623, %get3A_603 : vector<16xi1>, vector<16xf32>
        %select_n3A_795 = arith.select %or3A, %get3A_647, %get3A_627 : vector<16xi1>, vector<16xf32>
        %select_n3A_796 = arith.select %or3A, %get3A_651, %get3A_631 : vector<16xi1>, vector<16xf32>
        %select_n3A_797 = arith.select %or3A, %get3A_655, %get3A_635 : vector<16xi1>, vector<16xf32>
        %select_n3A_798 = arith.select %or3A, %get3A_659, %get3A_639 : vector<16xi1>, vector<16xf32>
        %select_n3A_799 = arith.select %or3A, %get3A_663, %get3A_643 : vector<16xi1>, vector<16xf32>
        %sub3A_800 = arith.subf %select_n3A_794, %select_n3A_799 : vector<16xf32>
        %mul3A_801 = arith.mulf %sub3A_800, %sub3A_800 : vector<16xf32>
        %sub3A_802 = arith.subf %select_n3A_790, %select_n3A_795 : vector<16xf32>
        %mul3A_803 = arith.mulf %sub3A_802, %sub3A_802 : vector<16xf32>
        %sub3A_804 = arith.subf %select_n3A_791, %select_n3A_796 : vector<16xf32>
        %mul3A_805 = arith.mulf %sub3A_804, %sub3A_804 : vector<16xf32>
        %add3A_806 = arith.addf %mul3A_803, %mul3A_805 : vector<16xf32>
        %bitcast_convert_type3A = tpu.bitcast %select_n3A_792 : vector<16xf32> -> vector<16xi32>
        %shift_right_arithmetic3A = arith.constant 1 : i32
        %shift_right_arithmetic3A_807 = vector.broadcast %shift_right_arithmetic3A : i32 to vector<16xi32>
        %shift_right_arithmetic3A_808 = arith.shrsi %bitcast_convert_type3A, %shift_right_arithmetic3A_807 : vector<16xi32>
        %sub3A_809 = arith.constant 1597463007 : i32
        %sub3A_810 = vector.broadcast %sub3A_809 : i32 to vector<16xi32>
        %sub3A_811 = arith.subi %sub3A_810, %shift_right_arithmetic3A_808 : vector<16xi32>
        %bitcast_convert_type3A_812 = tpu.bitcast %sub3A_811 : vector<16xi32> -> vector<16xf32>
        %mul3A_813 = arith.constant 5.000000e-01 : f32
        %mul3A_814 = vector.broadcast %mul3A_813 : f32 to vector<16xf32>
        %mul3A_815 = arith.mulf %mul3A_814, %select_n3A_792 : vector<16xf32>
        %mul3A_816 = arith.mulf %mul3A_815, %bitcast_convert_type3A_812 : vector<16xf32>
        %mul3A_817 = arith.mulf %mul3A_816, %bitcast_convert_type3A_812 : vector<16xf32>
        %sub3A_818 = arith.constant 1.500000e+00 : f32
        %sub3A_819 = vector.broadcast %sub3A_818 : f32 to vector<16xf32>
        %sub3A_820 = arith.subf %sub3A_819, %mul3A_817 : vector<16xf32>
        %mul3A_821 = arith.mulf %bitcast_convert_type3A_812, %sub3A_820 : vector<16xf32>
        %mul3A_822 = arith.constant 5.000000e-01 : f32
        %mul3A_823 = vector.broadcast %mul3A_822 : f32 to vector<16xf32>
        %mul3A_824 = arith.mulf %mul3A_823, %select_n3A_792 : vector<16xf32>
        %mul3A_825 = arith.mulf %mul3A_824, %mul3A_821 : vector<16xf32>
        %mul3A_826 = arith.mulf %mul3A_825, %mul3A_821 : vector<16xf32>
        %sub3A_827 = arith.constant 1.500000e+00 : f32
        %sub3A_828 = vector.broadcast %sub3A_827 : f32 to vector<16xf32>
        %sub3A_829 = arith.subf %sub3A_828, %mul3A_826 : vector<16xf32>
        %mul3A_830 = arith.mulf %mul3A_821, %sub3A_829 : vector<16xf32>
        %mul3A_831 = arith.constant 5.000000e-01 : f32
        %mul3A_832 = vector.broadcast %mul3A_831 : f32 to vector<16xf32>
        %mul3A_833 = arith.mulf %mul3A_832, %select_n3A_792 : vector<16xf32>
        %mul3A_834 = arith.mulf %mul3A_833, %mul3A_830 : vector<16xf32>
        %mul3A_835 = arith.mulf %mul3A_834, %mul3A_830 : vector<16xf32>
        %sub3A_836 = arith.constant 1.500000e+00 : f32
        %sub3A_837 = vector.broadcast %sub3A_836 : f32 to vector<16xf32>
        %sub3A_838 = arith.subf %sub3A_837, %mul3A_835 : vector<16xf32>
        %mul3A_839 = arith.mulf %mul3A_830, %sub3A_838 : vector<16xf32>
        %mul3A_840 = arith.constant 5.000000e-01 : f32
        %mul3A_841 = vector.broadcast %mul3A_840 : f32 to vector<16xf32>
        %mul3A_842 = arith.mulf %mul3A_841, %select_n3A_792 : vector<16xf32>
        %mul3A_843 = arith.mulf %mul3A_842, %mul3A_839 : vector<16xf32>
        %mul3A_844 = arith.mulf %mul3A_843, %mul3A_839 : vector<16xf32>
        %sub3A_845 = arith.constant 1.500000e+00 : f32
        %sub3A_846 = vector.broadcast %sub3A_845 : f32 to vector<16xf32>
        %sub3A_847 = arith.subf %sub3A_846, %mul3A_844 : vector<16xf32>
        %mul3A_848 = arith.mulf %mul3A_839, %sub3A_847 : vector<16xf32>
        %mul3A_849 = arith.mulf %select_n3A_792, %mul3A_848 : vector<16xf32>
        %bitcast_convert_type3A_850 = tpu.bitcast %select_n3A_797 : vector<16xf32> -> vector<16xi32>
        %shift_right_arithmetic3A_851 = arith.constant 1 : i32
        %shift_right_arithmetic3A_852 = vector.broadcast %shift_right_arithmetic3A_851 : i32 to vector<16xi32>
        %shift_right_arithmetic3A_853 = arith.shrsi %bitcast_convert_type3A_850, %shift_right_arithmetic3A_852 : vector<16xi32>
        %sub3A_854 = arith.constant 1597463007 : i32
        %sub3A_855 = vector.broadcast %sub3A_854 : i32 to vector<16xi32>
        %sub3A_856 = arith.subi %sub3A_855, %shift_right_arithmetic3A_853 : vector<16xi32>
        %bitcast_convert_type3A_857 = tpu.bitcast %sub3A_856 : vector<16xi32> -> vector<16xf32>
        %mul3A_858 = arith.constant 5.000000e-01 : f32
        %mul3A_859 = vector.broadcast %mul3A_858 : f32 to vector<16xf32>
        %mul3A_860 = arith.mulf %mul3A_859, %select_n3A_797 : vector<16xf32>
        %mul3A_861 = arith.mulf %mul3A_860, %bitcast_convert_type3A_857 : vector<16xf32>
        %mul3A_862 = arith.mulf %mul3A_861, %bitcast_convert_type3A_857 : vector<16xf32>
        %sub3A_863 = arith.constant 1.500000e+00 : f32
        %sub3A_864 = vector.broadcast %sub3A_863 : f32 to vector<16xf32>
        %sub3A_865 = arith.subf %sub3A_864, %mul3A_862 : vector<16xf32>
        %mul3A_866 = arith.mulf %bitcast_convert_type3A_857, %sub3A_865 : vector<16xf32>
        %mul3A_867 = arith.constant 5.000000e-01 : f32
        %mul3A_868 = vector.broadcast %mul3A_867 : f32 to vector<16xf32>
        %mul3A_869 = arith.mulf %mul3A_868, %select_n3A_797 : vector<16xf32>
        %mul3A_870 = arith.mulf %mul3A_869, %mul3A_866 : vector<16xf32>
        %mul3A_871 = arith.mulf %mul3A_870, %mul3A_866 : vector<16xf32>
        %sub3A_872 = arith.constant 1.500000e+00 : f32
        %sub3A_873 = vector.broadcast %sub3A_872 : f32 to vector<16xf32>
        %sub3A_874 = arith.subf %sub3A_873, %mul3A_871 : vector<16xf32>
        %mul3A_875 = arith.mulf %mul3A_866, %sub3A_874 : vector<16xf32>
        %mul3A_876 = arith.constant 5.000000e-01 : f32
        %mul3A_877 = vector.broadcast %mul3A_876 : f32 to vector<16xf32>
        %mul3A_878 = arith.mulf %mul3A_877, %select_n3A_797 : vector<16xf32>
        %mul3A_879 = arith.mulf %mul3A_878, %mul3A_875 : vector<16xf32>
        %mul3A_880 = arith.mulf %mul3A_879, %mul3A_875 : vector<16xf32>
        %sub3A_881 = arith.constant 1.500000e+00 : f32
        %sub3A_882 = vector.broadcast %sub3A_881 : f32 to vector<16xf32>
        %sub3A_883 = arith.subf %sub3A_882, %mul3A_880 : vector<16xf32>
        %mul3A_884 = arith.mulf %mul3A_875, %sub3A_883 : vector<16xf32>
        %mul3A_885 = arith.constant 5.000000e-01 : f32
        %mul3A_886 = vector.broadcast %mul3A_885 : f32 to vector<16xf32>
        %mul3A_887 = arith.mulf %mul3A_886, %select_n3A_797 : vector<16xf32>
        %mul3A_888 = arith.mulf %mul3A_887, %mul3A_884 : vector<16xf32>
        %mul3A_889 = arith.mulf %mul3A_888, %mul3A_884 : vector<16xf32>
        %sub3A_890 = arith.constant 1.500000e+00 : f32
        %sub3A_891 = vector.broadcast %sub3A_890 : f32 to vector<16xf32>
        %sub3A_892 = arith.subf %sub3A_891, %mul3A_889 : vector<16xf32>
        %mul3A_893 = arith.mulf %mul3A_884, %sub3A_892 : vector<16xf32>
        %mul3A_894 = arith.mulf %select_n3A_797, %mul3A_893 : vector<16xf32>
        %sub3A_895 = arith.subf %mul3A_849, %mul3A_894 : vector<16xf32>
        %mul3A_896 = arith.mulf %sub3A_895, %sub3A_895 : vector<16xf32>
        %add3A_897 = arith.addf %add3A_806, %mul3A_896 : vector<16xf32>
        %bitcast_convert_type3A_898 = tpu.bitcast %select_n3A_793 : vector<16xf32> -> vector<16xi32>
        %shift_right_arithmetic3A_899 = arith.constant 1 : i32
        %shift_right_arithmetic3A_900 = vector.broadcast %shift_right_arithmetic3A_899 : i32 to vector<16xi32>
        %shift_right_arithmetic3A_901 = arith.shrsi %bitcast_convert_type3A_898, %shift_right_arithmetic3A_900 : vector<16xi32>
        %sub3A_902 = arith.constant 1597463007 : i32
        %sub3A_903 = vector.broadcast %sub3A_902 : i32 to vector<16xi32>
        %sub3A_904 = arith.subi %sub3A_903, %shift_right_arithmetic3A_901 : vector<16xi32>
        %bitcast_convert_type3A_905 = tpu.bitcast %sub3A_904 : vector<16xi32> -> vector<16xf32>
        %mul3A_906 = arith.constant 5.000000e-01 : f32
        %mul3A_907 = vector.broadcast %mul3A_906 : f32 to vector<16xf32>
        %mul3A_908 = arith.mulf %mul3A_907, %select_n3A_793 : vector<16xf32>
        %mul3A_909 = arith.mulf %mul3A_908, %bitcast_convert_type3A_905 : vector<16xf32>
        %mul3A_910 = arith.mulf %mul3A_909, %bitcast_convert_type3A_905 : vector<16xf32>
        %sub3A_911 = arith.constant 1.500000e+00 : f32
        %sub3A_912 = vector.broadcast %sub3A_911 : f32 to vector<16xf32>
        %sub3A_913 = arith.subf %sub3A_912, %mul3A_910 : vector<16xf32>
        %mul3A_914 = arith.mulf %bitcast_convert_type3A_905, %sub3A_913 : vector<16xf32>
        %mul3A_915 = arith.constant 5.000000e-01 : f32
        %mul3A_916 = vector.broadcast %mul3A_915 : f32 to vector<16xf32>
        %mul3A_917 = arith.mulf %mul3A_916, %select_n3A_793 : vector<16xf32>
        %mul3A_918 = arith.mulf %mul3A_917, %mul3A_914 : vector<16xf32>
        %mul3A_919 = arith.mulf %mul3A_918, %mul3A_914 : vector<16xf32>
        %sub3A_920 = arith.constant 1.500000e+00 : f32
        %sub3A_921 = vector.broadcast %sub3A_920 : f32 to vector<16xf32>
        %sub3A_922 = arith.subf %sub3A_921, %mul3A_919 : vector<16xf32>
        %mul3A_923 = arith.mulf %mul3A_914, %sub3A_922 : vector<16xf32>
        %mul3A_924 = arith.constant 5.000000e-01 : f32
        %mul3A_925 = vector.broadcast %mul3A_924 : f32 to vector<16xf32>
        %mul3A_926 = arith.mulf %mul3A_925, %select_n3A_793 : vector<16xf32>
        %mul3A_927 = arith.mulf %mul3A_926, %mul3A_923 : vector<16xf32>
        %mul3A_928 = arith.mulf %mul3A_927, %mul3A_923 : vector<16xf32>
        %sub3A_929 = arith.constant 1.500000e+00 : f32
        %sub3A_930 = vector.broadcast %sub3A_929 : f32 to vector<16xf32>
        %sub3A_931 = arith.subf %sub3A_930, %mul3A_928 : vector<16xf32>
        %mul3A_932 = arith.mulf %mul3A_923, %sub3A_931 : vector<16xf32>
        %mul3A_933 = arith.constant 5.000000e-01 : f32
        %mul3A_934 = vector.broadcast %mul3A_933 : f32 to vector<16xf32>
        %mul3A_935 = arith.mulf %mul3A_934, %select_n3A_793 : vector<16xf32>
        %mul3A_936 = arith.mulf %mul3A_935, %mul3A_932 : vector<16xf32>
        %mul3A_937 = arith.mulf %mul3A_936, %mul3A_932 : vector<16xf32>
        %sub3A_938 = arith.constant 1.500000e+00 : f32
        %sub3A_939 = vector.broadcast %sub3A_938 : f32 to vector<16xf32>
        %sub3A_940 = arith.subf %sub3A_939, %mul3A_937 : vector<16xf32>
        %mul3A_941 = arith.mulf %mul3A_932, %sub3A_940 : vector<16xf32>
        %mul3A_942 = arith.mulf %select_n3A_793, %mul3A_941 : vector<16xf32>
        %bitcast_convert_type3A_943 = tpu.bitcast %select_n3A_798 : vector<16xf32> -> vector<16xi32>
        %shift_right_arithmetic3A_944 = arith.constant 1 : i32
        %shift_right_arithmetic3A_945 = vector.broadcast %shift_right_arithmetic3A_944 : i32 to vector<16xi32>
        %shift_right_arithmetic3A_946 = arith.shrsi %bitcast_convert_type3A_943, %shift_right_arithmetic3A_945 : vector<16xi32>
        %sub3A_947 = arith.constant 1597463007 : i32
        %sub3A_948 = vector.broadcast %sub3A_947 : i32 to vector<16xi32>
        %sub3A_949 = arith.subi %sub3A_948, %shift_right_arithmetic3A_946 : vector<16xi32>
        %bitcast_convert_type3A_950 = tpu.bitcast %sub3A_949 : vector<16xi32> -> vector<16xf32>
        %mul3A_951 = arith.constant 5.000000e-01 : f32
        %mul3A_952 = vector.broadcast %mul3A_951 : f32 to vector<16xf32>
        %mul3A_953 = arith.mulf %mul3A_952, %select_n3A_798 : vector<16xf32>
        %mul3A_954 = arith.mulf %mul3A_953, %bitcast_convert_type3A_950 : vector<16xf32>
        %mul3A_955 = arith.mulf %mul3A_954, %bitcast_convert_type3A_950 : vector<16xf32>
        %sub3A_956 = arith.constant 1.500000e+00 : f32
        %sub3A_957 = vector.broadcast %sub3A_956 : f32 to vector<16xf32>
        %sub3A_958 = arith.subf %sub3A_957, %mul3A_955 : vector<16xf32>
        %mul3A_959 = arith.mulf %bitcast_convert_type3A_950, %sub3A_958 : vector<16xf32>
        %mul3A_960 = arith.constant 5.000000e-01 : f32
        %mul3A_961 = vector.broadcast %mul3A_960 : f32 to vector<16xf32>
        %mul3A_962 = arith.mulf %mul3A_961, %select_n3A_798 : vector<16xf32>
        %mul3A_963 = arith.mulf %mul3A_962, %mul3A_959 : vector<16xf32>
        %mul3A_964 = arith.mulf %mul3A_963, %mul3A_959 : vector<16xf32>
        %sub3A_965 = arith.constant 1.500000e+00 : f32
        %sub3A_966 = vector.broadcast %sub3A_965 : f32 to vector<16xf32>
        %sub3A_967 = arith.subf %sub3A_966, %mul3A_964 : vector<16xf32>
        %mul3A_968 = arith.mulf %mul3A_959, %sub3A_967 : vector<16xf32>
        %mul3A_969 = arith.constant 5.000000e-01 : f32
        %mul3A_970 = vector.broadcast %mul3A_969 : f32 to vector<16xf32>
        %mul3A_971 = arith.mulf %mul3A_970, %select_n3A_798 : vector<16xf32>
        %mul3A_972 = arith.mulf %mul3A_971, %mul3A_968 : vector<16xf32>
        %mul3A_973 = arith.mulf %mul3A_972, %mul3A_968 : vector<16xf32>
        %sub3A_974 = arith.constant 1.500000e+00 : f32
        %sub3A_975 = vector.broadcast %sub3A_974 : f32 to vector<16xf32>
        %sub3A_976 = arith.subf %sub3A_975, %mul3A_973 : vector<16xf32>
        %mul3A_977 = arith.mulf %mul3A_968, %sub3A_976 : vector<16xf32>
        %mul3A_978 = arith.constant 5.000000e-01 : f32
        %mul3A_979 = vector.broadcast %mul3A_978 : f32 to vector<16xf32>
        %mul3A_980 = arith.mulf %mul3A_979, %select_n3A_798 : vector<16xf32>
        %mul3A_981 = arith.mulf %mul3A_980, %mul3A_977 : vector<16xf32>
        %mul3A_982 = arith.mulf %mul3A_981, %mul3A_977 : vector<16xf32>
        %sub3A_983 = arith.constant 1.500000e+00 : f32
        %sub3A_984 = vector.broadcast %sub3A_983 : f32 to vector<16xf32>
        %sub3A_985 = arith.subf %sub3A_984, %mul3A_982 : vector<16xf32>
        %mul3A_986 = arith.mulf %mul3A_977, %sub3A_985 : vector<16xf32>
        %mul3A_987 = arith.mulf %select_n3A_798, %mul3A_986 : vector<16xf32>
        %sub3A_988 = arith.subf %mul3A_942, %mul3A_987 : vector<16xf32>
        %mul3A_989 = arith.mulf %sub3A_988, %sub3A_988 : vector<16xf32>
        %add3A_990 = arith.addf %add3A_897, %mul3A_989 : vector<16xf32>
        %mul3A_991 = arith.constant 2.000000e+00 : f32
        %mul3A_992 = vector.broadcast %mul3A_991 : f32 to vector<16xf32>
        %mul3A_993 = arith.mulf %mul3A_992, %mul3A_801 : vector<16xf32>
        %add3A_994 = arith.addf %add3A_990, %mul3A_993 : vector<16xf32>
        %add3A_995 = arith.addf %add3A_994, %add3A_583 : vector<16xf32>
        %mul3A_996 = arith.mulf %select_n3A_670, %add3A_995 : vector<16xf32>
        %mul3A_997 = arith.mulf %select_n3A_677, %add3A_682 : vector<16xf32>
        %add3A_998 = arith.addf %mul3A_996, %mul3A_997 : vector<16xf32>
        %add3A_999 = arith.addf %scan3A_363, %add3A_998 : vector<16xf32>
        scf.yield %add3A_999 : vector<16xf32>
      }
      %scan3A_238 = arith.constant 8 : i32
      %mul3A_239 = arith.constant 32 : i32
      %mul3A_240 = arith.muli %mul3A_239, %mul3A_135 : i32
      %add3A_241 = arith.addi %add3A, %mul3A_240 : i32
      %lt3A_242 = arith.constant 392 : i32
      %lt3A_243 = arith.cmpi slt, %add3A_241, %lt3A_242 : i32
      %jit3A_244 = arith.constant 0.000000e+00 : f32
      %broadcast_in_dim3A_245 = vector.broadcast %jit3A_244 : f32 to vector<16xf32>
      %select_n3A_246 = arith.select %lt3A_243, %scan3A_237, %broadcast_in_dim3A_245 : vector<16xf32>
      %add3A_247 = arith.addf %scan3A_133, %select_n3A_246 : vector<16xf32>
      %dma_wait3A_248 = arith.constant 0 : i32
      %dma_wait3A_249 = arith.constant 0 : i32
      %dma_wait3A_250 = arith.constant 0 : i32
      %dma_wait3A_251 = arith.constant 0 : i32
      %dma_wait3A_252 = tpu.memref_slice %arg2[%dma_wait3A_248, %dma_wait3A_249, %dma_wait3A_250, %dma_wait3A_251] : memref<14x14x30x256xf32, #tpu.memory_space<hbm>> -> memref<1x1x30x128xf32, #tpu.memory_space<hbm>>
      %dma_wait3A_253 = tpu.memref_squeeze %dma_wait3A_252 : memref<1x1x30x128xf32, #tpu.memory_space<hbm>> -> memref<30x128xf32, #tpu.memory_space<hbm>>
      %dma_wait3A_254 = arith.constant 0 : i32
      %dma_wait3A_255 = arith.constant 0 : i32
      %dma_wait3A_256 = tpu.memref_slice %arg2[%dma_wait3A_248, %dma_wait3A_249, %dma_wait3A_254, %dma_wait3A_255] : memref<14x14x30x256xf32, #tpu.memory_space<hbm>> -> memref<1x1x30x128xf32, #tpu.memory_space<hbm>>
      %dma_wait3A_257 = tpu.memref_squeeze %dma_wait3A_256 : memref<1x1x30x128xf32, #tpu.memory_space<hbm>> -> memref<30x128xf32, #tpu.memory_space<hbm>>
      tpu.wait_dma2 semaphore(%arg12 : memref<!tpu.dma_semaphore, #tpu.memory_space<semaphore_mem>>) src(%dma_wait3A_257 : memref<30x128xf32, #tpu.memory_space<hbm>>) dst(%arg7 : memref<30x128xf32, #tpu.memory_space<vmem>>)
      %dma_wait3A_258 = arith.constant 0 : i32
      %dma_wait3A_259 = arith.constant 0 : i32
      %dma_wait3A_260 = arith.constant 0 : i32
      %dma_wait3A_261 = arith.constant 0 : i32
      %dma_wait3A_262 = tpu.memref_slice %arg3[%dma_wait3A_258, %dma_wait3A_259, %dma_wait3A_260, %dma_wait3A_261] : memref<14x14x30x256xf32, #tpu.memory_space<hbm>> -> memref<1x1x30x128xf32, #tpu.memory_space<hbm>>
      %dma_wait3A_263 = tpu.memref_squeeze %dma_wait3A_262 : memref<1x1x30x128xf32, #tpu.memory_space<hbm>> -> memref<30x128xf32, #tpu.memory_space<hbm>>
      %dma_wait3A_264 = arith.constant 0 : i32
      %dma_wait3A_265 = arith.constant 0 : i32
      %dma_wait3A_266 = tpu.memref_slice %arg3[%dma_wait3A_258, %dma_wait3A_259, %dma_wait3A_264, %dma_wait3A_265] : memref<14x14x30x256xf32, #tpu.memory_space<hbm>> -> memref<1x1x30x128xf32, #tpu.memory_space<hbm>>
      %dma_wait3A_267 = tpu.memref_squeeze %dma_wait3A_266 : memref<1x1x30x128xf32, #tpu.memory_space<hbm>> -> memref<30x128xf32, #tpu.memory_space<hbm>>
      tpu.wait_dma2 semaphore(%arg13 : memref<!tpu.dma_semaphore, #tpu.memory_space<semaphore_mem>>) src(%dma_wait3A_267 : memref<30x128xf32, #tpu.memory_space<hbm>>) dst(%arg8 : memref<30x128xf32, #tpu.memory_space<vmem>>)
      %add3A_268 = arith.constant 2 : i32
      %add3A_269 = arith.addi %mul3A_135, %add3A_268 : i32
      %mul3A_270 = arith.constant 32 : i32
      %mul3A_271 = arith.muli %mul3A_270, %add3A_269 : i32
      %add3A_272 = arith.addi %add3A, %mul3A_271 : i32
      %min3A_273 = arith.constant 391 : i32
      %min3A_274 = arith.minsi %add3A_272, %min3A_273 : i32
      %jit3A_275 = arith.constant 2 : i32
      %div3A_276 = arith.divsi %min3A_274, %jit3A_275 : i32
      %sign3A_277 = arith.constant 0 : i32
      %sign3A_278 = arith.cmpi sgt, %min3A_274, %sign3A_277 : i32
      %sign3A_279 = arith.extui %sign3A_278 : i1 to i32
      %sign3A_280 = arith.constant 0 : i32
      %sign3A_281 = arith.cmpi slt, %min3A_274, %sign3A_280 : i32
      %sign3A_282 = arith.extui %sign3A_281 : i1 to i32
      %sign3A_283 = arith.subi %sign3A_279, %sign3A_282 : i32
      %sign3A_284 = arith.constant 0 : i32
      %sign3A_285 = arith.cmpi sgt, %jit3A_275, %sign3A_284 : i32
      %sign3A_286 = arith.extui %sign3A_285 : i1 to i32
      %sign3A_287 = arith.constant 0 : i32
      %sign3A_288 = arith.cmpi slt, %jit3A_275, %sign3A_287 : i32
      %sign3A_289 = arith.extui %sign3A_288 : i1 to i32
      %sign3A_290 = arith.subi %sign3A_286, %sign3A_289 : i32
      %ne3A_291 = arith.cmpi ne, %sign3A_283, %sign3A_290 : i32
      %rem3A_292 = arith.remsi %min3A_274, %jit3A_275 : i32
      %ne3A_293 = arith.constant 0 : i32
      %ne3A_294 = arith.cmpi ne, %rem3A_292, %ne3A_293 : i32
      %and3A_295 = arith.andi %ne3A_291, %ne3A_294 : i1
      %sub3A_296 = arith.constant 1 : i32
      %sub3A_297 = arith.subi %div3A_276, %sub3A_296 : i32
      %select_n3A_298 = arith.select %and3A_295, %sub3A_297, %div3A_276 : i32
      %jit3A_299 = arith.constant 14 : i32
      %div3A_300 = arith.divsi %select_n3A_298, %jit3A_299 : i32
      %sign3A_301 = arith.constant 0 : i32
      %sign3A_302 = arith.cmpi sgt, %select_n3A_298, %sign3A_301 : i32
      %sign3A_303 = arith.extui %sign3A_302 : i1 to i32
      %sign3A_304 = arith.constant 0 : i32
      %sign3A_305 = arith.cmpi slt, %select_n3A_298, %sign3A_304 : i32
      %sign3A_306 = arith.extui %sign3A_305 : i1 to i32
      %sign3A_307 = arith.subi %sign3A_303, %sign3A_306 : i32
      %sign3A_308 = arith.constant 0 : i32
      %sign3A_309 = arith.cmpi sgt, %jit3A_299, %sign3A_308 : i32
      %sign3A_310 = arith.extui %sign3A_309 : i1 to i32
      %sign3A_311 = arith.constant 0 : i32
      %sign3A_312 = arith.cmpi slt, %jit3A_299, %sign3A_311 : i32
      %sign3A_313 = arith.extui %sign3A_312 : i1 to i32
      %sign3A_314 = arith.subi %sign3A_310, %sign3A_313 : i32
      %ne3A_315 = arith.cmpi ne, %sign3A_307, %sign3A_314 : i32
      %rem3A_316 = arith.remsi %select_n3A_298, %jit3A_299 : i32
      %ne3A_317 = arith.constant 0 : i32
      %ne3A_318 = arith.cmpi ne, %rem3A_316, %ne3A_317 : i32
      %and3A_319 = arith.andi %ne3A_315, %ne3A_318 : i1
      %sub3A_320 = arith.constant 1 : i32
      %sub3A_321 = arith.subi %div3A_300, %sub3A_320 : i32
      %select_n3A_322 = arith.select %and3A_319, %sub3A_321, %div3A_300 : i32
      %mul3A_323 = arith.constant 14 : i32
      %mul3A_324 = arith.muli %select_n3A_322, %mul3A_323 : i32
      %sub3A_325 = arith.subi %select_n3A_298, %mul3A_324 : i32
      %mul3A_326 = arith.constant 2 : i32
      %mul3A_327 = arith.muli %select_n3A_298, %mul3A_326 : i32
      %sub3A_328 = arith.subi %min3A_274, %mul3A_327 : i32
      %mul3A_329 = arith.constant 128 : i32
      %mul3A_330 = arith.muli %sub3A_328, %mul3A_329 : i32
      %dma_start3A_331 = arith.constant 0 : i32
      %dma_start3A_332 = tpu.memref_slice %arg2[%select_n3A_322, %sub3A_325, %dma_start3A_331, %mul3A_330] : memref<14x14x30x256xf32, #tpu.memory_space<hbm>> -> memref<1x1x30x128xf32, #tpu.memory_space<hbm>>
      %dma_start3A_333 = tpu.memref_squeeze %dma_start3A_332 : memref<1x1x30x128xf32, #tpu.memory_space<hbm>> -> memref<30x128xf32, #tpu.memory_space<hbm>>
      %dma_start3A_334 = arith.constant 0 : i32
      %dma_start3A_335 = tpu.memref_slice %arg2[%select_n3A_322, %sub3A_325, %dma_start3A_334, %mul3A_330] : memref<14x14x30x256xf32, #tpu.memory_space<hbm>> -> memref<1x1x30x128xf32, #tpu.memory_space<hbm>>
      %dma_start3A_336 = tpu.memref_squeeze %dma_start3A_335 : memref<1x1x30x128xf32, #tpu.memory_space<hbm>> -> memref<30x128xf32, #tpu.memory_space<hbm>>
      tpu.enqueue_dma source(%dma_start3A_336 : memref<30x128xf32, #tpu.memory_space<hbm>>) target(%arg5 : memref<30x128xf32, #tpu.memory_space<vmem>>) target_semaphore(%arg10 : memref<!tpu.dma_semaphore, #tpu.memory_space<semaphore_mem>>)
      %dma_start3A_337 = arith.constant 0 : i32
      %dma_start3A_338 = tpu.memref_slice %arg3[%select_n3A_322, %sub3A_325, %dma_start3A_337, %mul3A_330] : memref<14x14x30x256xf32, #tpu.memory_space<hbm>> -> memref<1x1x30x128xf32, #tpu.memory_space<hbm>>
      %dma_start3A_339 = tpu.memref_squeeze %dma_start3A_338 : memref<1x1x30x128xf32, #tpu.memory_space<hbm>> -> memref<30x128xf32, #tpu.memory_space<hbm>>
      %dma_start3A_340 = arith.constant 0 : i32
      %dma_start3A_341 = tpu.memref_slice %arg3[%select_n3A_322, %sub3A_325, %dma_start3A_340, %mul3A_330] : memref<14x14x30x256xf32, #tpu.memory_space<hbm>> -> memref<1x1x30x128xf32, #tpu.memory_space<hbm>>
      %dma_start3A_342 = tpu.memref_squeeze %dma_start3A_341 : memref<1x1x30x128xf32, #tpu.memory_space<hbm>> -> memref<30x128xf32, #tpu.memory_space<hbm>>
      tpu.enqueue_dma source(%dma_start3A_342 : memref<30x128xf32, #tpu.memory_space<hbm>>) target(%arg6 : memref<30x128xf32, #tpu.memory_space<vmem>>) target_semaphore(%arg11 : memref<!tpu.dma_semaphore, #tpu.memory_space<semaphore_mem>>)
      %add3A_343 = arith.constant 1 : i32
      %add3A_344 = arith.addi %mul3A_135, %add3A_343 : i32
      %broadcast_in_dim3A_345 = arith.constant 0.000000e+00 : f32
      %broadcast_in_dim3A_346 = vector.broadcast %broadcast_in_dim3A_345 : f32 to vector<16xf32>
      %scan3A_347 = arith.constant 0 : i32
      %scan3A_348 = arith.constant 8 : i32
      %scan3A_349 = arith.addi %scan3A_347, %scan3A_348 : i32
      %scan3A_350 = arith.constant 1 : i32
      %scan3A_351 = scf.for %scan3A_362 = %scan3A_347 to %scan3A_349 step %scan3A_350 iter_args(%scan3A_363 = %broadcast_in_dim3A_346) -> (vector<16xf32>)  : i32 {
        %mul3A_364 = arith.constant 16 : i32
        %mul3A_365 = arith.muli %scan3A_362, %mul3A_364 : i32
        %get3A = arith.constant 10 : i32
        %get3A_366 = arith.index_cast %get3A : i32 to index
        %get3A_367 = arith.index_cast %mul3A_365 : i32 to index
        %get3A_368 = tpu.vector_load %arg7[%get3A_366, %get3A_367] {strides = array<i32>} : memref<30x128xf32, #tpu.memory_space<vmem>>, vector<16xf32>,
        %get3A_369 = arith.constant 10 : i32
        %get3A_370 = arith.index_cast %get3A_369 : i32 to index
        %get3A_371 = arith.index_cast %mul3A_365 : i32 to index
        %get3A_372 = tpu.vector_load %arg8[%get3A_370, %get3A_371] {strides = array<i32>} : memref<30x128xf32, #tpu.memory_space<vmem>>, vector<16xf32>,
        %sub3A_373 = arith.subf %get3A_368, %get3A_372 : vector<16xf32>
        %mul3A_374 = arith.mulf %sub3A_373, %sub3A_373 : vector<16xf32>
        %get3A_375 = arith.constant 11 : i32
        %get3A_376 = arith.index_cast %get3A_375 : i32 to index
        %get3A_377 = arith.index_cast %mul3A_365 : i32 to index
        %get3A_378 = tpu.vector_load %arg7[%get3A_376, %get3A_377] {strides = array<i32>} : memref<30x128xf32, #tpu.memory_space<vmem>>, vector<16xf32>,
        %get3A_379 = arith.constant 11 : i32
        %get3A_380 = arith.index_cast %get3A_379 : i32 to index
        %get3A_381 = arith.index_cast %mul3A_365 : i32 to index
        %get3A_382 = tpu.vector_load %arg8[%get3A_380, %get3A_381] {strides = array<i32>} : memref<30x128xf32, #tpu.memory_space<vmem>>, vector<16xf32>,
        %sub3A_383 = arith.subf %get3A_378, %get3A_382 : vector<16xf32>
        %mul3A_384 = arith.mulf %sub3A_383, %sub3A_383 : vector<16xf32>
        %add3A_385 = arith.addf %mul3A_374, %mul3A_384 : vector<16xf32>
        %get3A_386 = arith.constant 12 : i32
        %get3A_387 = arith.index_cast %get3A_386 : i32 to index
        %get3A_388 = arith.index_cast %mul3A_365 : i32 to index
        %get3A_389 = tpu.vector_load %arg7[%get3A_387, %get3A_388] {strides = array<i32>} : memref<30x128xf32, #tpu.memory_space<vmem>>, vector<16xf32>,
        %get3A_390 = arith.constant 12 : i32
        %get3A_391 = arith.index_cast %get3A_390 : i32 to index
        %get3A_392 = arith.index_cast %mul3A_365 : i32 to index
        %get3A_393 = tpu.vector_load %arg8[%get3A_391, %get3A_392] {strides = array<i32>} : memref<30x128xf32, #tpu.memory_space<vmem>>, vector<16xf32>,
        %sub3A_394 = arith.subf %get3A_389, %get3A_393 : vector<16xf32>
        %mul3A_395 = arith.mulf %sub3A_394, %sub3A_394 : vector<16xf32>
        %add3A_396 = arith.addf %add3A_385, %mul3A_395 : vector<16xf32>
        %get3A_397 = arith.constant 13 : i32
        %get3A_398 = arith.index_cast %get3A_397 : i32 to index
        %get3A_399 = arith.index_cast %mul3A_365 : i32 to index
        %get3A_400 = tpu.vector_load %arg7[%get3A_398, %get3A_399] {strides = array<i32>} : memref<30x128xf32, #tpu.memory_space<vmem>>, vector<16xf32>,
        %get3A_401 = arith.constant 13 : i32
        %get3A_402 = arith.index_cast %get3A_401 : i32 to index
        %get3A_403 = arith.index_cast %mul3A_365 : i32 to index
        %get3A_404 = tpu.vector_load %arg8[%get3A_402, %get3A_403] {strides = array<i32>} : memref<30x128xf32, #tpu.memory_space<vmem>>, vector<16xf32>,
        %sub3A_405 = arith.subf %get3A_400, %get3A_404 : vector<16xf32>
        %mul3A_406 = arith.mulf %sub3A_405, %sub3A_405 : vector<16xf32>
        %add3A_407 = arith.addf %add3A_396, %mul3A_406 : vector<16xf32>
        %get3A_408 = arith.constant 14 : i32
        %get3A_409 = arith.index_cast %get3A_408 : i32 to index
        %get3A_410 = arith.index_cast %mul3A_365 : i32 to index
        %get3A_411 = tpu.vector_load %arg7[%get3A_409, %get3A_410] {strides = array<i32>} : memref<30x128xf32, #tpu.memory_space<vmem>>, vector<16xf32>,
        %get3A_412 = arith.constant 14 : i32
        %get3A_413 = arith.index_cast %get3A_412 : i32 to index
        %get3A_414 = arith.index_cast %mul3A_365 : i32 to index
        %get3A_415 = tpu.vector_load %arg8[%get3A_413, %get3A_414] {strides = array<i32>} : memref<30x128xf32, #tpu.memory_space<vmem>>, vector<16xf32>,
        %sub3A_416 = arith.subf %get3A_411, %get3A_415 : vector<16xf32>
        %mul3A_417 = arith.mulf %sub3A_416, %sub3A_416 : vector<16xf32>
        %add3A_418 = arith.addf %add3A_407, %mul3A_417 : vector<16xf32>
        %get3A_419 = arith.constant 15 : i32
        %get3A_420 = arith.index_cast %get3A_419 : i32 to index
        %get3A_421 = arith.index_cast %mul3A_365 : i32 to index
        %get3A_422 = tpu.vector_load %arg7[%get3A_420, %get3A_421] {strides = array<i32>} : memref<30x128xf32, #tpu.memory_space<vmem>>, vector<16xf32>,
        %get3A_423 = arith.constant 15 : i32
        %get3A_424 = arith.index_cast %get3A_423 : i32 to index
        %get3A_425 = arith.index_cast %mul3A_365 : i32 to index
        %get3A_426 = tpu.vector_load %arg8[%get3A_424, %get3A_425] {strides = array<i32>} : memref<30x128xf32, #tpu.memory_space<vmem>>, vector<16xf32>,
        %sub3A_427 = arith.subf %get3A_422, %get3A_426 : vector<16xf32>
        %mul3A_428 = arith.mulf %sub3A_427, %sub3A_427 : vector<16xf32>
        %add3A_429 = arith.addf %add3A_418, %mul3A_428 : vector<16xf32>
        %get3A_430 = arith.constant 16 : i32
        %get3A_431 = arith.index_cast %get3A_430 : i32 to index
        %get3A_432 = arith.index_cast %mul3A_365 : i32 to index
        %get3A_433 = tpu.vector_load %arg7[%get3A_431, %get3A_432] {strides = array<i32>} : memref<30x128xf32, #tpu.memory_space<vmem>>, vector<16xf32>,
        %get3A_434 = arith.constant 16 : i32
        %get3A_435 = arith.index_cast %get3A_434 : i32 to index
        %get3A_436 = arith.index_cast %mul3A_365 : i32 to index
        %get3A_437 = tpu.vector_load %arg8[%get3A_435, %get3A_436] {strides = array<i32>} : memref<30x128xf32, #tpu.memory_space<vmem>>, vector<16xf32>,
        %sub3A_438 = arith.subf %get3A_433, %get3A_437 : vector<16xf32>
        %mul3A_439 = arith.mulf %sub3A_438, %sub3A_438 : vector<16xf32>
        %add3A_440 = arith.addf %add3A_429, %mul3A_439 : vector<16xf32>
        %get3A_441 = arith.constant 17 : i32
        %get3A_442 = arith.index_cast %get3A_441 : i32 to index
        %get3A_443 = arith.index_cast %mul3A_365 : i32 to index
        %get3A_444 = tpu.vector_load %arg7[%get3A_442, %get3A_443] {strides = array<i32>} : memref<30x128xf32, #tpu.memory_space<vmem>>, vector<16xf32>,
        %get3A_445 = arith.constant 17 : i32
        %get3A_446 = arith.index_cast %get3A_445 : i32 to index
        %get3A_447 = arith.index_cast %mul3A_365 : i32 to index
        %get3A_448 = tpu.vector_load %arg8[%get3A_446, %get3A_447] {strides = array<i32>} : memref<30x128xf32, #tpu.memory_space<vmem>>, vector<16xf32>,
        %sub3A_449 = arith.subf %get3A_444, %get3A_448 : vector<16xf32>
        %mul3A_450 = arith.mulf %sub3A_449, %sub3A_449 : vector<16xf32>
        %add3A_451 = arith.addf %add3A_440, %mul3A_450 : vector<16xf32>
        %get3A_452 = arith.constant 18 : i32
        %get3A_453 = arith.index_cast %get3A_452 : i32 to index
        %get3A_454 = arith.index_cast %mul3A_365 : i32 to index
        %get3A_455 = tpu.vector_load %arg7[%get3A_453, %get3A_454] {strides = array<i32>} : memref<30x128xf32, #tpu.memory_space<vmem>>, vector<16xf32>,
        %get3A_456 = arith.constant 18 : i32
        %get3A_457 = arith.index_cast %get3A_456 : i32 to index
        %get3A_458 = arith.index_cast %mul3A_365 : i32 to index
        %get3A_459 = tpu.vector_load %arg8[%get3A_457, %get3A_458] {strides = array<i32>} : memref<30x128xf32, #tpu.memory_space<vmem>>, vector<16xf32>,
        %sub3A_460 = arith.subf %get3A_455, %get3A_459 : vector<16xf32>
        %mul3A_461 = arith.mulf %sub3A_460, %sub3A_460 : vector<16xf32>
        %add3A_462 = arith.addf %add3A_451, %mul3A_461 : vector<16xf32>
        %get3A_463 = arith.constant 19 : i32
        %get3A_464 = arith.index_cast %get3A_463 : i32 to index
        %get3A_465 = arith.index_cast %mul3A_365 : i32 to index
        %get3A_466 = tpu.vector_load %arg7[%get3A_464, %get3A_465] {strides = array<i32>} : memref<30x128xf32, #tpu.memory_space<vmem>>, vector<16xf32>,
        %get3A_467 = arith.constant 19 : i32
        %get3A_468 = arith.index_cast %get3A_467 : i32 to index
        %get3A_469 = arith.index_cast %mul3A_365 : i32 to index
        %get3A_470 = tpu.vector_load %arg8[%get3A_468, %get3A_469] {strides = array<i32>} : memref<30x128xf32, #tpu.memory_space<vmem>>, vector<16xf32>,
        %sub3A_471 = arith.subf %get3A_466, %get3A_470 : vector<16xf32>
        %mul3A_472 = arith.mulf %sub3A_471, %sub3A_471 : vector<16xf32>
        %add3A_473 = arith.addf %add3A_462, %mul3A_472 : vector<16xf32>
        %get3A_474 = arith.constant 20 : i32
        %get3A_475 = arith.index_cast %get3A_474 : i32 to index
        %get3A_476 = arith.index_cast %mul3A_365 : i32 to index
        %get3A_477 = tpu.vector_load %arg7[%get3A_475, %get3A_476] {strides = array<i32>} : memref<30x128xf32, #tpu.memory_space<vmem>>, vector<16xf32>,
        %get3A_478 = arith.constant 20 : i32
        %get3A_479 = arith.index_cast %get3A_478 : i32 to index
        %get3A_480 = arith.index_cast %mul3A_365 : i32 to index
        %get3A_481 = tpu.vector_load %arg8[%get3A_479, %get3A_480] {strides = array<i32>} : memref<30x128xf32, #tpu.memory_space<vmem>>, vector<16xf32>,
        %sub3A_482 = arith.subf %get3A_477, %get3A_481 : vector<16xf32>
        %mul3A_483 = arith.mulf %sub3A_482, %sub3A_482 : vector<16xf32>
        %add3A_484 = arith.addf %add3A_473, %mul3A_483 : vector<16xf32>
        %get3A_485 = arith.constant 21 : i32
        %get3A_486 = arith.index_cast %get3A_485 : i32 to index
        %get3A_487 = arith.index_cast %mul3A_365 : i32 to index
        %get3A_488 = tpu.vector_load %arg7[%get3A_486, %get3A_487] {strides = array<i32>} : memref<30x128xf32, #tpu.memory_space<vmem>>, vector<16xf32>,
        %get3A_489 = arith.constant 21 : i32
        %get3A_490 = arith.index_cast %get3A_489 : i32 to index
        %get3A_491 = arith.index_cast %mul3A_365 : i32 to index
        %get3A_492 = tpu.vector_load %arg8[%get3A_490, %get3A_491] {strides = array<i32>} : memref<30x128xf32, #tpu.memory_space<vmem>>, vector<16xf32>,
        %sub3A_493 = arith.subf %get3A_488, %get3A_492 : vector<16xf32>
        %mul3A_494 = arith.mulf %sub3A_493, %sub3A_493 : vector<16xf32>
        %add3A_495 = arith.addf %add3A_484, %mul3A_494 : vector<16xf32>
        %get3A_496 = arith.constant 22 : i32
        %get3A_497 = arith.index_cast %get3A_496 : i32 to index
        %get3A_498 = arith.index_cast %mul3A_365 : i32 to index
        %get3A_499 = tpu.vector_load %arg7[%get3A_497, %get3A_498] {strides = array<i32>} : memref<30x128xf32, #tpu.memory_space<vmem>>, vector<16xf32>,
        %get3A_500 = arith.constant 22 : i32
        %get3A_501 = arith.index_cast %get3A_500 : i32 to index
        %get3A_502 = arith.index_cast %mul3A_365 : i32 to index
        %get3A_503 = tpu.vector_load %arg8[%get3A_501, %get3A_502] {strides = array<i32>} : memref<30x128xf32, #tpu.memory_space<vmem>>, vector<16xf32>,
        %sub3A_504 = arith.subf %get3A_499, %get3A_503 : vector<16xf32>
        %mul3A_505 = arith.mulf %sub3A_504, %sub3A_504 : vector<16xf32>
        %add3A_506 = arith.addf %add3A_495, %mul3A_505 : vector<16xf32>
        %get3A_507 = arith.constant 23 : i32
        %get3A_508 = arith.index_cast %get3A_507 : i32 to index
        %get3A_509 = arith.index_cast %mul3A_365 : i32 to index
        %get3A_510 = tpu.vector_load %arg7[%get3A_508, %get3A_509] {strides = array<i32>} : memref<30x128xf32, #tpu.memory_space<vmem>>, vector<16xf32>,
        %get3A_511 = arith.constant 23 : i32
        %get3A_512 = arith.index_cast %get3A_511 : i32 to index
        %get3A_513 = arith.index_cast %mul3A_365 : i32 to index
        %get3A_514 = tpu.vector_load %arg8[%get3A_512, %get3A_513] {strides = array<i32>} : memref<30x128xf32, #tpu.memory_space<vmem>>, vector<16xf32>,
        %sub3A_515 = arith.subf %get3A_510, %get3A_514 : vector<16xf32>
        %mul3A_516 = arith.mulf %sub3A_515, %sub3A_515 : vector<16xf32>
        %add3A_517 = arith.addf %add3A_506, %mul3A_516 : vector<16xf32>
        %get3A_518 = arith.constant 24 : i32
        %get3A_519 = arith.index_cast %get3A_518 : i32 to index
        %get3A_520 = arith.index_cast %mul3A_365 : i32 to index
        %get3A_521 = tpu.vector_load %arg7[%get3A_519, %get3A_520] {strides = array<i32>} : memref<30x128xf32, #tpu.memory_space<vmem>>, vector<16xf32>,
        %get3A_522 = arith.constant 24 : i32
        %get3A_523 = arith.index_cast %get3A_522 : i32 to index
        %get3A_524 = arith.index_cast %mul3A_365 : i32 to index
        %get3A_525 = tpu.vector_load %arg8[%get3A_523, %get3A_524] {strides = array<i32>} : memref<30x128xf32, #tpu.memory_space<vmem>>, vector<16xf32>,
        %sub3A_526 = arith.subf %get3A_521, %get3A_525 : vector<16xf32>
        %mul3A_527 = arith.mulf %sub3A_526, %sub3A_526 : vector<16xf32>
        %add3A_528 = arith.addf %add3A_517, %mul3A_527 : vector<16xf32>
        %get3A_529 = arith.constant 25 : i32
        %get3A_530 = arith.index_cast %get3A_529 : i32 to index
        %get3A_531 = arith.index_cast %mul3A_365 : i32 to index
        %get3A_532 = tpu.vector_load %arg7[%get3A_530, %get3A_531] {strides = array<i32>} : memref<30x128xf32, #tpu.memory_space<vmem>>, vector<16xf32>,
        %get3A_533 = arith.constant 25 : i32
        %get3A_534 = arith.index_cast %get3A_533 : i32 to index
        %get3A_535 = arith.index_cast %mul3A_365 : i32 to index
        %get3A_536 = tpu.vector_load %arg8[%get3A_534, %get3A_535] {strides = array<i32>} : memref<30x128xf32, #tpu.memory_space<vmem>>, vector<16xf32>,
        %sub3A_537 = arith.subf %get3A_532, %get3A_536 : vector<16xf32>
        %mul3A_538 = arith.mulf %sub3A_537, %sub3A_537 : vector<16xf32>
        %add3A_539 = arith.addf %add3A_528, %mul3A_538 : vector<16xf32>
        %get3A_540 = arith.constant 26 : i32
        %get3A_541 = arith.index_cast %get3A_540 : i32 to index
        %get3A_542 = arith.index_cast %mul3A_365 : i32 to index
        %get3A_543 = tpu.vector_load %arg7[%get3A_541, %get3A_542] {strides = array<i32>} : memref<30x128xf32, #tpu.memory_space<vmem>>, vector<16xf32>,
        %get3A_544 = arith.constant 26 : i32
        %get3A_545 = arith.index_cast %get3A_544 : i32 to index
        %get3A_546 = arith.index_cast %mul3A_365 : i32 to index
        %get3A_547 = tpu.vector_load %arg8[%get3A_545, %get3A_546] {strides = array<i32>} : memref<30x128xf32, #tpu.memory_space<vmem>>, vector<16xf32>,
        %sub3A_548 = arith.subf %get3A_543, %get3A_547 : vector<16xf32>
        %mul3A_549 = arith.mulf %sub3A_548, %sub3A_548 : vector<16xf32>
        %add3A_550 = arith.addf %add3A_539, %mul3A_549 : vector<16xf32>
        %get3A_551 = arith.constant 27 : i32
        %get3A_552 = arith.index_cast %get3A_551 : i32 to index
        %get3A_553 = arith.index_cast %mul3A_365 : i32 to index
        %get3A_554 = tpu.vector_load %arg7[%get3A_552, %get3A_553] {strides = array<i32>} : memref<30x128xf32, #tpu.memory_space<vmem>>, vector<16xf32>,
        %get3A_555 = arith.constant 27 : i32
        %get3A_556 = arith.index_cast %get3A_555 : i32 to index
        %get3A_557 = arith.index_cast %mul3A_365 : i32 to index
        %get3A_558 = tpu.vector_load %arg8[%get3A_556, %get3A_557] {strides = array<i32>} : memref<30x128xf32, #tpu.memory_space<vmem>>, vector<16xf32>,
        %sub3A_559 = arith.subf %get3A_554, %get3A_558 : vector<16xf32>
        %mul3A_560 = arith.mulf %sub3A_559, %sub3A_559 : vector<16xf32>
        %add3A_561 = arith.addf %add3A_550, %mul3A_560 : vector<16xf32>
        %get3A_562 = arith.constant 28 : i32
        %get3A_563 = arith.index_cast %get3A_562 : i32 to index
        %get3A_564 = arith.index_cast %mul3A_365 : i32 to index
        %get3A_565 = tpu.vector_load %arg7[%get3A_563, %get3A_564] {strides = array<i32>} : memref<30x128xf32, #tpu.memory_space<vmem>>, vector<16xf32>,
        %get3A_566 = arith.constant 28 : i32
        %get3A_567 = arith.index_cast %get3A_566 : i32 to index
        %get3A_568 = arith.index_cast %mul3A_365 : i32 to index
        %get3A_569 = tpu.vector_load %arg8[%get3A_567, %get3A_568] {strides = array<i32>} : memref<30x128xf32, #tpu.memory_space<vmem>>, vector<16xf32>,
        %sub3A_570 = arith.subf %get3A_565, %get3A_569 : vector<16xf32>
        %mul3A_571 = arith.mulf %sub3A_570, %sub3A_570 : vector<16xf32>
        %add3A_572 = arith.addf %add3A_561, %mul3A_571 : vector<16xf32>
        %get3A_573 = arith.constant 29 : i32
        %get3A_574 = arith.index_cast %get3A_573 : i32 to index
        %get3A_575 = arith.index_cast %mul3A_365 : i32 to index
        %get3A_576 = tpu.vector_load %arg7[%get3A_574, %get3A_575] {strides = array<i32>} : memref<30x128xf32, #tpu.memory_space<vmem>>, vector<16xf32>,
        %get3A_577 = arith.constant 29 : i32
        %get3A_578 = arith.index_cast %get3A_577 : i32 to index
        %get3A_579 = arith.index_cast %mul3A_365 : i32 to index
        %get3A_580 = tpu.vector_load %arg8[%get3A_578, %get3A_579] {strides = array<i32>} : memref<30x128xf32, #tpu.memory_space<vmem>>, vector<16xf32>,
        %sub3A_581 = arith.subf %get3A_576, %get3A_580 : vector<16xf32>
        %mul3A_582 = arith.mulf %sub3A_581, %sub3A_581 : vector<16xf32>
        %add3A_583 = arith.addf %add3A_572, %mul3A_582 : vector<16xf32>
        %get3A_584 = arith.constant 0 : i32
        %get3A_585 = arith.index_cast %get3A_584 : i32 to index
        %get3A_586 = arith.index_cast %mul3A_365 : i32 to index
        %get3A_587 = tpu.vector_load %arg7[%get3A_585, %get3A_586] {strides = array<i32>} : memref<30x128xf32, #tpu.memory_space<vmem>>, vector<16xf32>,
        %get3A_588 = arith.constant 1 : i32
        %get3A_589 = arith.index_cast %get3A_588 : i32 to index
        %get3A_590 = arith.index_cast %mul3A_365 : i32 to index
        %get3A_591 = tpu.vector_load %arg7[%get3A_589, %get3A_590] {strides = array<i32>} : memref<30x128xf32, #tpu.memory_space<vmem>>, vector<16xf32>,
        %get3A_592 = arith.constant 2 : i32
        %get3A_593 = arith.index_cast %get3A_592 : i32 to index
        %get3A_594 = arith.index_cast %mul3A_365 : i32 to index
        %get3A_595 = tpu.vector_load %arg7[%get3A_593, %get3A_594] {strides = array<i32>} : memref<30x128xf32, #tpu.memory_space<vmem>>, vector<16xf32>,
        %get3A_596 = arith.constant 3 : i32
        %get3A_597 = arith.index_cast %get3A_596 : i32 to index
        %get3A_598 = arith.index_cast %mul3A_365 : i32 to index
        %get3A_599 = tpu.vector_load %arg7[%get3A_597, %get3A_598] {strides = array<i32>} : memref<30x128xf32, #tpu.memory_space<vmem>>, vector<16xf32>,
        %get3A_600 = arith.constant 4 : i32
        %get3A_601 = arith.index_cast %get3A_600 : i32 to index
        %get3A_602 = arith.index_cast %mul3A_365 : i32 to index
        %get3A_603 = tpu.vector_load %arg7[%get3A_601, %get3A_602] {strides = array<i32>} : memref<30x128xf32, #tpu.memory_space<vmem>>, vector<16xf32>,
        %get3A_604 = arith.constant 5 : i32
        %get3A_605 = arith.index_cast %get3A_604 : i32 to index
        %get3A_606 = arith.index_cast %mul3A_365 : i32 to index
        %get3A_607 = tpu.vector_load %arg7[%get3A_605, %get3A_606] {strides = array<i32>} : memref<30x128xf32, #tpu.memory_space<vmem>>, vector<16xf32>,
        %get3A_608 = arith.constant 6 : i32
        %get3A_609 = arith.index_cast %get3A_608 : i32 to index
        %get3A_610 = arith.index_cast %mul3A_365 : i32 to index
        %get3A_611 = tpu.vector_load %arg7[%get3A_609, %get3A_610] {strides = array<i32>} : memref<30x128xf32, #tpu.memory_space<vmem>>, vector<16xf32>,
        %get3A_612 = arith.constant 7 : i32
        %get3A_613 = arith.index_cast %get3A_612 : i32 to index
        %get3A_614 = arith.index_cast %mul3A_365 : i32 to index
        %get3A_615 = tpu.vector_load %arg7[%get3A_613, %get3A_614] {strides = array<i32>} : memref<30x128xf32, #tpu.memory_space<vmem>>, vector<16xf32>,
        %get3A_616 = arith.constant 8 : i32
        %get3A_617 = arith.index_cast %get3A_616 : i32 to index
        %get3A_618 = arith.index_cast %mul3A_365 : i32 to index
        %get3A_619 = tpu.vector_load %arg7[%get3A_617, %get3A_618] {strides = array<i32>} : memref<30x128xf32, #tpu.memory_space<vmem>>, vector<16xf32>,
        %get3A_620 = arith.constant 9 : i32
        %get3A_621 = arith.index_cast %get3A_620 : i32 to index
        %get3A_622 = arith.index_cast %mul3A_365 : i32 to index
        %get3A_623 = tpu.vector_load %arg7[%get3A_621, %get3A_622] {strides = array<i32>} : memref<30x128xf32, #tpu.memory_space<vmem>>, vector<16xf32>,
        %get3A_624 = arith.constant 0 : i32
        %get3A_625 = arith.index_cast %get3A_624 : i32 to index
        %get3A_626 = arith.index_cast %mul3A_365 : i32 to index
        %get3A_627 = tpu.vector_load %arg8[%get3A_625, %get3A_626] {strides = array<i32>} : memref<30x128xf32, #tpu.memory_space<vmem>>, vector<16xf32>,
        %get3A_628 = arith.constant 1 : i32
        %get3A_629 = arith.index_cast %get3A_628 : i32 to index
        %get3A_630 = arith.index_cast %mul3A_365 : i32 to index
        %get3A_631 = tpu.vector_load %arg8[%get3A_629, %get3A_630] {strides = array<i32>} : memref<30x128xf32, #tpu.memory_space<vmem>>, vector<16xf32>,
        %get3A_632 = arith.constant 2 : i32
        %get3A_633 = arith.index_cast %get3A_632 : i32 to index
        %get3A_634 = arith.index_cast %mul3A_365 : i32 to index
        %get3A_635 = tpu.vector_load %arg8[%get3A_633, %get3A_634] {strides = array<i32>} : memref<30x128xf32, #tpu.memory_space<vmem>>, vector<16xf32>,
        %get3A_636 = arith.constant 3 : i32
        %get3A_637 = arith.index_cast %get3A_636 : i32 to index
        %get3A_638 = arith.index_cast %mul3A_365 : i32 to index
        %get3A_639 = tpu.vector_load %arg8[%get3A_637, %get3A_638] {strides = array<i32>} : memref<30x128xf32, #tpu.memory_space<vmem>>, vector<16xf32>,
        %get3A_640 = arith.constant 4 : i32
        %get3A_641 = arith.index_cast %get3A_640 : i32 to index
        %get3A_642 = arith.index_cast %mul3A_365 : i32 to index
        %get3A_643 = tpu.vector_load %arg8[%get3A_641, %get3A_642] {strides = array<i32>} : memref<30x128xf32, #tpu.memory_space<vmem>>, vector<16xf32>,
        %get3A_644 = arith.constant 5 : i32
        %get3A_645 = arith.index_cast %get3A_644 : i32 to index
        %get3A_646 = arith.index_cast %mul3A_365 : i32 to index
        %get3A_647 = tpu.vector_load %arg8[%get3A_645, %get3A_646] {strides = array<i32>} : memref<30x128xf32, #tpu.memory_space<vmem>>, vector<16xf32>,
        %get3A_648 = arith.constant 6 : i32
        %get3A_649 = arith.index_cast %get3A_648 : i32 to index
        %get3A_650 = arith.index_cast %mul3A_365 : i32 to index
        %get3A_651 = tpu.vector_load %arg8[%get3A_649, %get3A_650] {strides = array<i32>} : memref<30x128xf32, #tpu.memory_space<vmem>>, vector<16xf32>,
        %get3A_652 = arith.constant 7 : i32
        %get3A_653 = arith.index_cast %get3A_652 : i32 to index
        %get3A_654 = arith.index_cast %mul3A_365 : i32 to index
        %get3A_655 = tpu.vector_load %arg8[%get3A_653, %get3A_654] {strides = array<i32>} : memref<30x128xf32, #tpu.memory_space<vmem>>, vector<16xf32>,
        %get3A_656 = arith.constant 8 : i32
        %get3A_657 = arith.index_cast %get3A_656 : i32 to index
        %get3A_658 = arith.index_cast %mul3A_365 : i32 to index
        %get3A_659 = tpu.vector_load %arg8[%get3A_657, %get3A_658] {strides = array<i32>} : memref<30x128xf32, #tpu.memory_space<vmem>>, vector<16xf32>,
        %get3A_660 = arith.constant 9 : i32
        %get3A_661 = arith.index_cast %get3A_660 : i32 to index
        %get3A_662 = arith.index_cast %mul3A_365 : i32 to index
        %get3A_663 = tpu.vector_load %arg8[%get3A_661, %get3A_662] {strides = array<i32>} : memref<30x128xf32, #tpu.memory_space<vmem>>, vector<16xf32>,
        %gt3A = arith.constant 0.000000e+00 : f32
        %gt3A_664 = vector.broadcast %gt3A : f32 to vector<16xf32>
        %gt3A_665 = arith.cmpf ogt, %get3A_643, %gt3A_664 : vector<16xf32>
        %jit3A_666 = arith.constant 1.000000e+00 : f32
        %jit3A_667 = arith.constant 0.000000e+00 : f32
        %broadcast_in_dim3A_668 = vector.broadcast %jit3A_666 : f32 to vector<16xf32>
        %broadcast_in_dim3A_669 = vector.broadcast %jit3A_667 : f32 to vector<16xf32>
        %select_n3A_670 = arith.select %gt3A_665, %broadcast_in_dim3A_668, %broadcast_in_dim3A_669 : vector<16xi1>, vector<16xf32>
        %eq3A = arith.constant 0.000000e+00 : f32
        %eq3A_671 = vector.broadcast %eq3A : f32 to vector<16xf32>
        %eq3A_672 = arith.cmpf oeq, %get3A_643, %eq3A_671 : vector<16xf32>
        %jit3A_673 = arith.constant 1.000000e+00 : f32
        %jit3A_674 = arith.constant 0.000000e+00 : f32
        %broadcast_in_dim3A_675 = vector.broadcast %jit3A_673 : f32 to vector<16xf32>
        %broadcast_in_dim3A_676 = vector.broadcast %jit3A_674 : f32 to vector<16xf32>
        %select_n3A_677 = arith.select %eq3A_672, %broadcast_in_dim3A_675, %broadcast_in_dim3A_676 : vector<16xi1>, vector<16xf32>
        %sub3A_678 = arith.subf %get3A_603, %get3A_643 : vector<16xf32>
        %mul3A_679 = arith.mulf %sub3A_678, %sub3A_678 : vector<16xf32>
        %sub3A_680 = arith.subf %get3A_623, %get3A_663 : vector<16xf32>
        %mul3A_681 = arith.mulf %sub3A_680, %sub3A_680 : vector<16xf32>
        %add3A_682 = arith.addf %mul3A_679, %mul3A_681 : vector<16xf32>
        %mul3A_683 = arith.constant 5.000000e-01 : f32
        %mul3A_684 = vector.broadcast %mul3A_683 : f32 to vector<16xf32>
        %mul3A_685 = arith.mulf %mul3A_684, %get3A_635 : vector<16xf32>
        %sub3A_686 = arith.subf %get3A_627, %mul3A_685 : vector<16xf32>
        %mul3A_687 = arith.constant 5.000000e-01 : f32
        %mul3A_688 = vector.broadcast %mul3A_687 : f32 to vector<16xf32>
        %mul3A_689 = arith.mulf %mul3A_688, %get3A_639 : vector<16xf32>
        %sub3A_690 = arith.subf %get3A_631, %mul3A_689 : vector<16xf32>
        %mul3A_691 = arith.constant 5.000000e-01 : f32
        %mul3A_692 = vector.broadcast %mul3A_691 : f32 to vector<16xf32>
        %mul3A_693 = arith.mulf %mul3A_692, %get3A_635 : vector<16xf32>
        %add3A_694 = arith.addf %get3A_627, %mul3A_693 : vector<16xf32>
        %mul3A_695 = arith.constant 5.000000e-01 : f32
        %mul3A_696 = vector.broadcast %mul3A_695 : f32 to vector<16xf32>
        %mul3A_697 = arith.mulf %mul3A_696, %get3A_639 : vector<16xf32>
        %add3A_698 = arith.addf %get3A_631, %mul3A_697 : vector<16xf32>
        %mul3A_699 = arith.mulf %get3A_635, %get3A_639 : vector<16xf32>
        %mul3A_700 = arith.constant 5.000000e-01 : f32
        %mul3A_701 = vector.broadcast %mul3A_700 : f32 to vector<16xf32>
        %mul3A_702 = arith.mulf %mul3A_701, %get3A_595 : vector<16xf32>
        %sub3A_703 = arith.subf %get3A_587, %mul3A_702 : vector<16xf32>
        %mul3A_704 = arith.constant 5.000000e-01 : f32
        %mul3A_705 = vector.broadcast %mul3A_704 : f32 to vector<16xf32>
        %mul3A_706 = arith.mulf %mul3A_705, %get3A_599 : vector<16xf32>
        %sub3A_707 = arith.subf %get3A_591, %mul3A_706 : vector<16xf32>
        %mul3A_708 = arith.constant 5.000000e-01 : f32
        %mul3A_709 = vector.broadcast %mul3A_708 : f32 to vector<16xf32>
        %mul3A_710 = arith.mulf %mul3A_709, %get3A_595 : vector<16xf32>
        %add3A_711 = arith.addf %get3A_587, %mul3A_710 : vector<16xf32>
        %mul3A_712 = arith.constant 5.000000e-01 : f32
        %mul3A_713 = vector.broadcast %mul3A_712 : f32 to vector<16xf32>
        %mul3A_714 = arith.mulf %mul3A_713, %get3A_599 : vector<16xf32>
        %add3A_715 = arith.addf %get3A_591, %mul3A_714 : vector<16xf32>
        %max3A = arith.maximumf %sub3A_703, %sub3A_686 : vector<16xf32>
        %max3A_716 = arith.maximumf %sub3A_707, %sub3A_690 : vector<16xf32>
        %min3A_717 = arith.minimumf %add3A_711, %add3A_694 : vector<16xf32>
        %min3A_718 = arith.minimumf %add3A_715, %add3A_698 : vector<16xf32>
        %sub3A_719 = arith.subf %min3A_717, %max3A : vector<16xf32>
        %lt3A_720 = arith.constant 0.000000e+00 : f32
        %lt3A_721 = vector.broadcast %lt3A_720 : f32 to vector<16xf32>
        %lt3A_722 = arith.cmpf olt, %sub3A_719, %lt3A_721 : vector<16xf32>
        %jit3A_723 = arith.constant 1.000000e+00 : f32
        %jit3A_724 = arith.constant 0.000000e+00 : f32
        %broadcast_in_dim3A_725 = vector.broadcast %jit3A_723 : f32 to vector<16xf32>
        %broadcast_in_dim3A_726 = vector.broadcast %jit3A_724 : f32 to vector<16xf32>
        %select_n3A_727 = arith.select %lt3A_722, %broadcast_in_dim3A_725, %broadcast_in_dim3A_726 : vector<16xi1>, vector<16xf32>
        %sub3A_728 = arith.subf %min3A_718, %max3A_716 : vector<16xf32>
        %lt3A_729 = arith.constant 0.000000e+00 : f32
        %lt3A_730 = vector.broadcast %lt3A_729 : f32 to vector<16xf32>
        %lt3A_731 = arith.cmpf olt, %sub3A_728, %lt3A_730 : vector<16xf32>
        %jit3A_732 = arith.constant 1.000000e+00 : f32
        %jit3A_733 = arith.constant 0.000000e+00 : f32
        %broadcast_in_dim3A_734 = vector.broadcast %jit3A_732 : f32 to vector<16xf32>
        %broadcast_in_dim3A_735 = vector.broadcast %jit3A_733 : f32 to vector<16xf32>
        %select_n3A_736 = arith.select %lt3A_731, %broadcast_in_dim3A_734, %broadcast_in_dim3A_735 : vector<16xi1>, vector<16xf32>
        %mul3A_737 = arith.mulf %select_n3A_727, %select_n3A_736 : vector<16xf32>
        %mul3A_738 = arith.mulf %get3A_595, %get3A_599 : vector<16xf32>
        %add3A_739 = arith.addf %mul3A_738, %mul3A_699 : vector<16xf32>
        %sub3A_740 = arith.subf %add3A_739, %mul3A_737 : vector<16xf32>
        %div3A_741 = arith.divf %mul3A_737, %sub3A_740 : vector<16xf32>
        %mul3A_742 = arith.constant 5.000000e-01 : f32
        %mul3A_743 = vector.broadcast %mul3A_742 : f32 to vector<16xf32>
        %mul3A_744 = arith.mulf %mul3A_743, %get3A_615 : vector<16xf32>
        %sub3A_745 = arith.subf %get3A_607, %mul3A_744 : vector<16xf32>
        %mul3A_746 = arith.constant 5.000000e-01 : f32
        %mul3A_747 = vector.broadcast %mul3A_746 : f32 to vector<16xf32>
        %mul3A_748 = arith.mulf %mul3A_747, %get3A_619 : vector<16xf32>
        %sub3A_749 = arith.subf %get3A_611, %mul3A_748 : vector<16xf32>
        %mul3A_750 = arith.constant 5.000000e-01 : f32
        %mul3A_751 = vector.broadcast %mul3A_750 : f32 to vector<16xf32>
        %mul3A_752 = arith.mulf %mul3A_751, %get3A_615 : vector<16xf32>
        %add3A_753 = arith.addf %get3A_607, %mul3A_752 : vector<16xf32>
        %mul3A_754 = arith.constant 5.000000e-01 : f32
        %mul3A_755 = vector.broadcast %mul3A_754 : f32 to vector<16xf32>
        %mul3A_756 = arith.mulf %mul3A_755, %get3A_619 : vector<16xf32>
        %add3A_757 = arith.addf %get3A_611, %mul3A_756 : vector<16xf32>
        %max3A_758 = arith.maximumf %sub3A_745, %sub3A_686 : vector<16xf32>
        %max3A_759 = arith.maximumf %sub3A_749, %sub3A_690 : vector<16xf32>
        %min3A_760 = arith.minimumf %add3A_753, %add3A_694 : vector<16xf32>
        %min3A_761 = arith.minimumf %add3A_757, %add3A_698 : vector<16xf32>
        %sub3A_762 = arith.subf %min3A_760, %max3A_758 : vector<16xf32>
        %lt3A_763 = arith.constant 0.000000e+00 : f32
        %lt3A_764 = vector.broadcast %lt3A_763 : f32 to vector<16xf32>
        %lt3A_765 = arith.cmpf olt, %sub3A_762, %lt3A_764 : vector<16xf32>
        %jit3A_766 = arith.constant 1.000000e+00 : f32
        %jit3A_767 = arith.constant 0.000000e+00 : f32
        %broadcast_in_dim3A_768 = vector.broadcast %jit3A_766 : f32 to vector<16xf32>
        %broadcast_in_dim3A_769 = vector.broadcast %jit3A_767 : f32 to vector<16xf32>
        %select_n3A_770 = arith.select %lt3A_765, %broadcast_in_dim3A_768, %broadcast_in_dim3A_769 : vector<16xi1>, vector<16xf32>
        %sub3A_771 = arith.subf %min3A_761, %max3A_759 : vector<16xf32>
        %lt3A_772 = arith.constant 0.000000e+00 : f32
        %lt3A_773 = vector.broadcast %lt3A_772 : f32 to vector<16xf32>
        %lt3A_774 = arith.cmpf olt, %sub3A_771, %lt3A_773 : vector<16xf32>
        %jit3A_775 = arith.constant 1.000000e+00 : f32
        %jit3A_776 = arith.constant 0.000000e+00 : f32
        %broadcast_in_dim3A_777 = vector.broadcast %jit3A_775 : f32 to vector<16xf32>
        %broadcast_in_dim3A_778 = vector.broadcast %jit3A_776 : f32 to vector<16xf32>
        %select_n3A_779 = arith.select %lt3A_774, %broadcast_in_dim3A_777, %broadcast_in_dim3A_778 : vector<16xi1>, vector<16xf32>
        %mul3A_780 = arith.mulf %select_n3A_770, %select_n3A_779 : vector<16xf32>
        %mul3A_781 = arith.mulf %get3A_615, %get3A_619 : vector<16xf32>
        %add3A_782 = arith.addf %mul3A_781, %mul3A_699 : vector<16xf32>
        %sub3A_783 = arith.subf %add3A_782, %mul3A_780 : vector<16xf32>
        %div3A_784 = arith.divf %mul3A_780, %sub3A_783 : vector<16xf32>
        %ne3A_785 = arith.cmpf one, %div3A_741, %div3A_741 : vector<16xf32>
        %ne3A_786 = arith.cmpf one, %div3A_784, %div3A_784 : vector<16xf32>
        %gt3A_787 = arith.cmpf ogt, %div3A_784, %div3A_741 : vector<16xf32>
        %not3A = arith.constant dense<true> : vector<16xi1>
        %not3A_788 = arith.xori %ne3A_785, %not3A : vector<16xi1>
        %and3A_789 = arith.andi %ne3A_786, %not3A_788 : vector<16xi1>
        %or3A = arith.ori %gt3A_787, %and3A_789 : vector<16xi1>
        %select_n3A_790 = arith.select %or3A, %get3A_607, %get3A_587 : vector<16xi1>, vector<16xf32>
        %select_n3A_791 = arith.select %or3A, %get3A_611, %get3A_591 : vector<16xi1>, vector<16xf32>
        %select_n3A_792 = arith.select %or3A, %get3A_615, %get3A_595 : vector<16xi1>, vector<16xf32>
        %select_n3A_793 = arith.select %or3A, %get3A_619, %get3A_599 : vector<16xi1>, vector<16xf32>
        %select_n3A_794 = arith.select %or3A, %get3A_623, %get3A_603 : vector<16xi1>, vector<16xf32>
        %select_n3A_795 = arith.select %or3A, %get3A_647, %get3A_627 : vector<16xi1>, vector<16xf32>
        %select_n3A_796 = arith.select %or3A, %get3A_651, %get3A_631 : vector<16xi1>, vector<16xf32>
        %select_n3A_797 = arith.select %or3A, %get3A_655, %get3A_635 : vector<16xi1>, vector<16xf32>
        %select_n3A_798 = arith.select %or3A, %get3A_659, %get3A_639 : vector<16xi1>, vector<16xf32>
        %select_n3A_799 = arith.select %or3A, %get3A_663, %get3A_643 : vector<16xi1>, vector<16xf32>
        %sub3A_800 = arith.subf %select_n3A_794, %select_n3A_799 : vector<16xf32>
        %mul3A_801 = arith.mulf %sub3A_800, %sub3A_800 : vector<16xf32>
        %sub3A_802 = arith.subf %select_n3A_790, %select_n3A_795 : vector<16xf32>
        %mul3A_803 = arith.mulf %sub3A_802, %sub3A_802 : vector<16xf32>
        %sub3A_804 = arith.subf %select_n3A_791, %select_n3A_796 : vector<16xf32>
        %mul3A_805 = arith.mulf %sub3A_804, %sub3A_804 : vector<16xf32>
        %add3A_806 = arith.addf %mul3A_803, %mul3A_805 : vector<16xf32>
        %bitcast_convert_type3A = tpu.bitcast %select_n3A_792 : vector<16xf32> -> vector<16xi32>
        %shift_right_arithmetic3A = arith.constant 1 : i32
        %shift_right_arithmetic3A_807 = vector.broadcast %shift_right_arithmetic3A : i32 to vector<16xi32>
        %shift_right_arithmetic3A_808 = arith.shrsi %bitcast_convert_type3A, %shift_right_arithmetic3A_807 : vector<16xi32>
        %sub3A_809 = arith.constant 1597463007 : i32
        %sub3A_810 = vector.broadcast %sub3A_809 : i32 to vector<16xi32>
        %sub3A_811 = arith.subi %sub3A_810, %shift_right_arithmetic3A_808 : vector<16xi32>
        %bitcast_convert_type3A_812 = tpu.bitcast %sub3A_811 : vector<16xi32> -> vector<16xf32>
        %mul3A_813 = arith.constant 5.000000e-01 : f32
        %mul3A_814 = vector.broadcast %mul3A_813 : f32 to vector<16xf32>
        %mul3A_815 = arith.mulf %mul3A_814, %select_n3A_792 : vector<16xf32>
        %mul3A_816 = arith.mulf %mul3A_815, %bitcast_convert_type3A_812 : vector<16xf32>
        %mul3A_817 = arith.mulf %mul3A_816, %bitcast_convert_type3A_812 : vector<16xf32>
        %sub3A_818 = arith.constant 1.500000e+00 : f32
        %sub3A_819 = vector.broadcast %sub3A_818 : f32 to vector<16xf32>
        %sub3A_820 = arith.subf %sub3A_819, %mul3A_817 : vector<16xf32>
        %mul3A_821 = arith.mulf %bitcast_convert_type3A_812, %sub3A_820 : vector<16xf32>
        %mul3A_822 = arith.constant 5.000000e-01 : f32
        %mul3A_823 = vector.broadcast %mul3A_822 : f32 to vector<16xf32>
        %mul3A_824 = arith.mulf %mul3A_823, %select_n3A_792 : vector<16xf32>
        %mul3A_825 = arith.mulf %mul3A_824, %mul3A_821 : vector<16xf32>
        %mul3A_826 = arith.mulf %mul3A_825, %mul3A_821 : vector<16xf32>
        %sub3A_827 = arith.constant 1.500000e+00 : f32
        %sub3A_828 = vector.broadcast %sub3A_827 : f32 to vector<16xf32>
        %sub3A_829 = arith.subf %sub3A_828, %mul3A_826 : vector<16xf32>
        %mul3A_830 = arith.mulf %mul3A_821, %sub3A_829 : vector<16xf32>
        %mul3A_831 = arith.constant 5.000000e-01 : f32
        %mul3A_832 = vector.broadcast %mul3A_831 : f32 to vector<16xf32>
        %mul3A_833 = arith.mulf %mul3A_832, %select_n3A_792 : vector<16xf32>
        %mul3A_834 = arith.mulf %mul3A_833, %mul3A_830 : vector<16xf32>
        %mul3A_835 = arith.mulf %mul3A_834, %mul3A_830 : vector<16xf32>
        %sub3A_836 = arith.constant 1.500000e+00 : f32
        %sub3A_837 = vector.broadcast %sub3A_836 : f32 to vector<16xf32>
        %sub3A_838 = arith.subf %sub3A_837, %mul3A_835 : vector<16xf32>
        %mul3A_839 = arith.mulf %mul3A_830, %sub3A_838 : vector<16xf32>
        %mul3A_840 = arith.constant 5.000000e-01 : f32
        %mul3A_841 = vector.broadcast %mul3A_840 : f32 to vector<16xf32>
        %mul3A_842 = arith.mulf %mul3A_841, %select_n3A_792 : vector<16xf32>
        %mul3A_843 = arith.mulf %mul3A_842, %mul3A_839 : vector<16xf32>
        %mul3A_844 = arith.mulf %mul3A_843, %mul3A_839 : vector<16xf32>
        %sub3A_845 = arith.constant 1.500000e+00 : f32
        %sub3A_846 = vector.broadcast %sub3A_845 : f32 to vector<16xf32>
        %sub3A_847 = arith.subf %sub3A_846, %mul3A_844 : vector<16xf32>
        %mul3A_848 = arith.mulf %mul3A_839, %sub3A_847 : vector<16xf32>
        %mul3A_849 = arith.mulf %select_n3A_792, %mul3A_848 : vector<16xf32>
        %bitcast_convert_type3A_850 = tpu.bitcast %select_n3A_797 : vector<16xf32> -> vector<16xi32>
        %shift_right_arithmetic3A_851 = arith.constant 1 : i32
        %shift_right_arithmetic3A_852 = vector.broadcast %shift_right_arithmetic3A_851 : i32 to vector<16xi32>
        %shift_right_arithmetic3A_853 = arith.shrsi %bitcast_convert_type3A_850, %shift_right_arithmetic3A_852 : vector<16xi32>
        %sub3A_854 = arith.constant 1597463007 : i32
        %sub3A_855 = vector.broadcast %sub3A_854 : i32 to vector<16xi32>
        %sub3A_856 = arith.subi %sub3A_855, %shift_right_arithmetic3A_853 : vector<16xi32>
        %bitcast_convert_type3A_857 = tpu.bitcast %sub3A_856 : vector<16xi32> -> vector<16xf32>
        %mul3A_858 = arith.constant 5.000000e-01 : f32
        %mul3A_859 = vector.broadcast %mul3A_858 : f32 to vector<16xf32>
        %mul3A_860 = arith.mulf %mul3A_859, %select_n3A_797 : vector<16xf32>
        %mul3A_861 = arith.mulf %mul3A_860, %bitcast_convert_type3A_857 : vector<16xf32>
        %mul3A_862 = arith.mulf %mul3A_861, %bitcast_convert_type3A_857 : vector<16xf32>
        %sub3A_863 = arith.constant 1.500000e+00 : f32
        %sub3A_864 = vector.broadcast %sub3A_863 : f32 to vector<16xf32>
        %sub3A_865 = arith.subf %sub3A_864, %mul3A_862 : vector<16xf32>
        %mul3A_866 = arith.mulf %bitcast_convert_type3A_857, %sub3A_865 : vector<16xf32>
        %mul3A_867 = arith.constant 5.000000e-01 : f32
        %mul3A_868 = vector.broadcast %mul3A_867 : f32 to vector<16xf32>
        %mul3A_869 = arith.mulf %mul3A_868, %select_n3A_797 : vector<16xf32>
        %mul3A_870 = arith.mulf %mul3A_869, %mul3A_866 : vector<16xf32>
        %mul3A_871 = arith.mulf %mul3A_870, %mul3A_866 : vector<16xf32>
        %sub3A_872 = arith.constant 1.500000e+00 : f32
        %sub3A_873 = vector.broadcast %sub3A_872 : f32 to vector<16xf32>
        %sub3A_874 = arith.subf %sub3A_873, %mul3A_871 : vector<16xf32>
        %mul3A_875 = arith.mulf %mul3A_866, %sub3A_874 : vector<16xf32>
        %mul3A_876 = arith.constant 5.000000e-01 : f32
        %mul3A_877 = vector.broadcast %mul3A_876 : f32 to vector<16xf32>
        %mul3A_878 = arith.mulf %mul3A_877, %select_n3A_797 : vector<16xf32>
        %mul3A_879 = arith.mulf %mul3A_878, %mul3A_875 : vector<16xf32>
        %mul3A_880 = arith.mulf %mul3A_879, %mul3A_875 : vector<16xf32>
        %sub3A_881 = arith.constant 1.500000e+00 : f32
        %sub3A_882 = vector.broadcast %sub3A_881 : f32 to vector<16xf32>
        %sub3A_883 = arith.subf %sub3A_882, %mul3A_880 : vector<16xf32>
        %mul3A_884 = arith.mulf %mul3A_875, %sub3A_883 : vector<16xf32>
        %mul3A_885 = arith.constant 5.000000e-01 : f32
        %mul3A_886 = vector.broadcast %mul3A_885 : f32 to vector<16xf32>
        %mul3A_887 = arith.mulf %mul3A_886, %select_n3A_797 : vector<16xf32>
        %mul3A_888 = arith.mulf %mul3A_887, %mul3A_884 : vector<16xf32>
        %mul3A_889 = arith.mulf %mul3A_888, %mul3A_884 : vector<16xf32>
        %sub3A_890 = arith.constant 1.500000e+00 : f32
        %sub3A_891 = vector.broadcast %sub3A_890 : f32 to vector<16xf32>
        %sub3A_892 = arith.subf %sub3A_891, %mul3A_889 : vector<16xf32>
        %mul3A_893 = arith.mulf %mul3A_884, %sub3A_892 : vector<16xf32>
        %mul3A_894 = arith.mulf %select_n3A_797, %mul3A_893 : vector<16xf32>
        %sub3A_895 = arith.subf %mul3A_849, %mul3A_894 : vector<16xf32>
        %mul3A_896 = arith.mulf %sub3A_895, %sub3A_895 : vector<16xf32>
        %add3A_897 = arith.addf %add3A_806, %mul3A_896 : vector<16xf32>
        %bitcast_convert_type3A_898 = tpu.bitcast %select_n3A_793 : vector<16xf32> -> vector<16xi32>
        %shift_right_arithmetic3A_899 = arith.constant 1 : i32
        %shift_right_arithmetic3A_900 = vector.broadcast %shift_right_arithmetic3A_899 : i32 to vector<16xi32>
        %shift_right_arithmetic3A_901 = arith.shrsi %bitcast_convert_type3A_898, %shift_right_arithmetic3A_900 : vector<16xi32>
        %sub3A_902 = arith.constant 1597463007 : i32
        %sub3A_903 = vector.broadcast %sub3A_902 : i32 to vector<16xi32>
        %sub3A_904 = arith.subi %sub3A_903, %shift_right_arithmetic3A_901 : vector<16xi32>
        %bitcast_convert_type3A_905 = tpu.bitcast %sub3A_904 : vector<16xi32> -> vector<16xf32>
        %mul3A_906 = arith.constant 5.000000e-01 : f32
        %mul3A_907 = vector.broadcast %mul3A_906 : f32 to vector<16xf32>
        %mul3A_908 = arith.mulf %mul3A_907, %select_n3A_793 : vector<16xf32>
        %mul3A_909 = arith.mulf %mul3A_908, %bitcast_convert_type3A_905 : vector<16xf32>
        %mul3A_910 = arith.mulf %mul3A_909, %bitcast_convert_type3A_905 : vector<16xf32>
        %sub3A_911 = arith.constant 1.500000e+00 : f32
        %sub3A_912 = vector.broadcast %sub3A_911 : f32 to vector<16xf32>
        %sub3A_913 = arith.subf %sub3A_912, %mul3A_910 : vector<16xf32>
        %mul3A_914 = arith.mulf %bitcast_convert_type3A_905, %sub3A_913 : vector<16xf32>
        %mul3A_915 = arith.constant 5.000000e-01 : f32
        %mul3A_916 = vector.broadcast %mul3A_915 : f32 to vector<16xf32>
        %mul3A_917 = arith.mulf %mul3A_916, %select_n3A_793 : vector<16xf32>
        %mul3A_918 = arith.mulf %mul3A_917, %mul3A_914 : vector<16xf32>
        %mul3A_919 = arith.mulf %mul3A_918, %mul3A_914 : vector<16xf32>
        %sub3A_920 = arith.constant 1.500000e+00 : f32
        %sub3A_921 = vector.broadcast %sub3A_920 : f32 to vector<16xf32>
        %sub3A_922 = arith.subf %sub3A_921, %mul3A_919 : vector<16xf32>
        %mul3A_923 = arith.mulf %mul3A_914, %sub3A_922 : vector<16xf32>
        %mul3A_924 = arith.constant 5.000000e-01 : f32
        %mul3A_925 = vector.broadcast %mul3A_924 : f32 to vector<16xf32>
        %mul3A_926 = arith.mulf %mul3A_925, %select_n3A_793 : vector<16xf32>
        %mul3A_927 = arith.mulf %mul3A_926, %mul3A_923 : vector<16xf32>
        %mul3A_928 = arith.mulf %mul3A_927, %mul3A_923 : vector<16xf32>
        %sub3A_929 = arith.constant 1.500000e+00 : f32
        %sub3A_930 = vector.broadcast %sub3A_929 : f32 to vector<16xf32>
        %sub3A_931 = arith.subf %sub3A_930, %mul3A_928 : vector<16xf32>
        %mul3A_932 = arith.mulf %mul3A_923, %sub3A_931 : vector<16xf32>
        %mul3A_933 = arith.constant 5.000000e-01 : f32
        %mul3A_934 = vector.broadcast %mul3A_933 : f32 to vector<16xf32>
        %mul3A_935 = arith.mulf %mul3A_934, %select_n3A_793 : vector<16xf32>
        %mul3A_936 = arith.mulf %mul3A_935, %mul3A_932 : vector<16xf32>
        %mul3A_937 = arith.mulf %mul3A_936, %mul3A_932 : vector<16xf32>
        %sub3A_938 = arith.constant 1.500000e+00 : f32
        %sub3A_939 = vector.broadcast %sub3A_938 : f32 to vector<16xf32>
        %sub3A_940 = arith.subf %sub3A_939, %mul3A_937 : vector<16xf32>
        %mul3A_941 = arith.mulf %mul3A_932, %sub3A_940 : vector<16xf32>
        %mul3A_942 = arith.mulf %select_n3A_793, %mul3A_941 : vector<16xf32>
        %bitcast_convert_type3A_943 = tpu.bitcast %select_n3A_798 : vector<16xf32> -> vector<16xi32>
        %shift_right_arithmetic3A_944 = arith.constant 1 : i32
        %shift_right_arithmetic3A_945 = vector.broadcast %shift_right_arithmetic3A_944 : i32 to vector<16xi32>
        %shift_right_arithmetic3A_946 = arith.shrsi %bitcast_convert_type3A_943, %shift_right_arithmetic3A_945 : vector<16xi32>
        %sub3A_947 = arith.constant 1597463007 : i32
        %sub3A_948 = vector.broadcast %sub3A_947 : i32 to vector<16xi32>
        %sub3A_949 = arith.subi %sub3A_948, %shift_right_arithmetic3A_946 : vector<16xi32>
        %bitcast_convert_type3A_950 = tpu.bitcast %sub3A_949 : vector<16xi32> -> vector<16xf32>
        %mul3A_951 = arith.constant 5.000000e-01 : f32
        %mul3A_952 = vector.broadcast %mul3A_951 : f32 to vector<16xf32>
        %mul3A_953 = arith.mulf %mul3A_952, %select_n3A_798 : vector<16xf32>
        %mul3A_954 = arith.mulf %mul3A_953, %bitcast_convert_type3A_950 : vector<16xf32>
        %mul3A_955 = arith.mulf %mul3A_954, %bitcast_convert_type3A_950 : vector<16xf32>
        %sub3A_956 = arith.constant 1.500000e+00 : f32
        %sub3A_957 = vector.broadcast %sub3A_956 : f32 to vector<16xf32>
        %sub3A_958 = arith.subf %sub3A_957, %mul3A_955 : vector<16xf32>
        %mul3A_959 = arith.mulf %bitcast_convert_type3A_950, %sub3A_958 : vector<16xf32>
        %mul3A_960 = arith.constant 5.000000e-01 : f32
        %mul3A_961 = vector.broadcast %mul3A_960 : f32 to vector<16xf32>
        %mul3A_962 = arith.mulf %mul3A_961, %select_n3A_798 : vector<16xf32>
        %mul3A_963 = arith.mulf %mul3A_962, %mul3A_959 : vector<16xf32>
        %mul3A_964 = arith.mulf %mul3A_963, %mul3A_959 : vector<16xf32>
        %sub3A_965 = arith.constant 1.500000e+00 : f32
        %sub3A_966 = vector.broadcast %sub3A_965 : f32 to vector<16xf32>
        %sub3A_967 = arith.subf %sub3A_966, %mul3A_964 : vector<16xf32>
        %mul3A_968 = arith.mulf %mul3A_959, %sub3A_967 : vector<16xf32>
        %mul3A_969 = arith.constant 5.000000e-01 : f32
        %mul3A_970 = vector.broadcast %mul3A_969 : f32 to vector<16xf32>
        %mul3A_971 = arith.mulf %mul3A_970, %select_n3A_798 : vector<16xf32>
        %mul3A_972 = arith.mulf %mul3A_971, %mul3A_968 : vector<16xf32>
        %mul3A_973 = arith.mulf %mul3A_972, %mul3A_968 : vector<16xf32>
        %sub3A_974 = arith.constant 1.500000e+00 : f32
        %sub3A_975 = vector.broadcast %sub3A_974 : f32 to vector<16xf32>
        %sub3A_976 = arith.subf %sub3A_975, %mul3A_973 : vector<16xf32>
        %mul3A_977 = arith.mulf %mul3A_968, %sub3A_976 : vector<16xf32>
        %mul3A_978 = arith.constant 5.000000e-01 : f32
        %mul3A_979 = vector.broadcast %mul3A_978 : f32 to vector<16xf32>
        %mul3A_980 = arith.mulf %mul3A_979, %select_n3A_798 : vector<16xf32>
        %mul3A_981 = arith.mulf %mul3A_980, %mul3A_977 : vector<16xf32>
        %mul3A_982 = arith.mulf %mul3A_981, %mul3A_977 : vector<16xf32>
        %sub3A_983 = arith.constant 1.500000e+00 : f32
        %sub3A_984 = vector.broadcast %sub3A_983 : f32 to vector<16xf32>
        %sub3A_985 = arith.subf %sub3A_984, %mul3A_982 : vector<16xf32>
        %mul3A_986 = arith.mulf %mul3A_977, %sub3A_985 : vector<16xf32>
        %mul3A_987 = arith.mulf %select_n3A_798, %mul3A_986 : vector<16xf32>
        %sub3A_988 = arith.subf %mul3A_942, %mul3A_987 : vector<16xf32>
        %mul3A_989 = arith.mulf %sub3A_988, %sub3A_988 : vector<16xf32>
        %add3A_990 = arith.addf %add3A_897, %mul3A_989 : vector<16xf32>
        %mul3A_991 = arith.constant 2.000000e+00 : f32
        %mul3A_992 = vector.broadcast %mul3A_991 : f32 to vector<16xf32>
        %mul3A_993 = arith.mulf %mul3A_992, %mul3A_801 : vector<16xf32>
        %add3A_994 = arith.addf %add3A_990, %mul3A_993 : vector<16xf32>
        %add3A_995 = arith.addf %add3A_994, %add3A_583 : vector<16xf32>
        %mul3A_996 = arith.mulf %select_n3A_670, %add3A_995 : vector<16xf32>
        %mul3A_997 = arith.mulf %select_n3A_677, %add3A_682 : vector<16xf32>
        %add3A_998 = arith.addf %mul3A_996, %mul3A_997 : vector<16xf32>
        %add3A_999 = arith.addf %scan3A_363, %add3A_998 : vector<16xf32>
        scf.yield %add3A_999 : vector<16xf32>
      }
      %scan3A_352 = arith.constant 8 : i32
      %mul3A_353 = arith.constant 32 : i32
      %mul3A_354 = arith.muli %mul3A_353, %add3A_344 : i32
      %add3A_355 = arith.addi %add3A, %mul3A_354 : i32
      %lt3A_356 = arith.constant 392 : i32
      %lt3A_357 = arith.cmpi slt, %add3A_355, %lt3A_356 : i32
      %jit3A_358 = arith.constant 0.000000e+00 : f32
      %broadcast_in_dim3A_359 = vector.broadcast %jit3A_358 : f32 to vector<16xf32>
      %select_n3A_360 = arith.select %lt3A_357, %scan3A_351, %broadcast_in_dim3A_359 : vector<16xf32>
      %add3A_361 = arith.addf %add3A_247, %select_n3A_360 : vector<16xf32>
      scf.yield %add3A_361 : vector<16xf32>
    }
    %scan3A_68 = arith.constant 6 : i32
    %dma_wait3A = arith.constant 0 : i32
    %dma_wait3A_69 = arith.constant 0 : i32
    %dma_wait3A_70 = arith.constant 0 : i32
    %dma_wait3A_71 = arith.constant 0 : i32
    %dma_wait3A_72 = tpu.memref_slice %arg2[%dma_wait3A, %dma_wait3A_69, %dma_wait3A_70, %dma_wait3A_71] : memref<14x14x30x256xf32, #tpu.memory_space<hbm>> -> memref<1x1x30x128xf32, #tpu.memory_space<hbm>>
    %dma_wait3A_73 = tpu.memref_squeeze %dma_wait3A_72 : memref<1x1x30x128xf32, #tpu.memory_space<hbm>> -> memref<30x128xf32, #tpu.memory_space<hbm>>
    %dma_wait3A_74 = arith.constant 0 : i32
    %dma_wait3A_75 = arith.constant 0 : i32
    %dma_wait3A_76 = tpu.memref_slice %arg2[%dma_wait3A, %dma_wait3A_69, %dma_wait3A_74, %dma_wait3A_75] : memref<14x14x30x256xf32, #tpu.memory_space<hbm>> -> memref<1x1x30x128xf32, #tpu.memory_space<hbm>>
    %dma_wait3A_77 = tpu.memref_squeeze %dma_wait3A_76 : memref<1x1x30x128xf32, #tpu.memory_space<hbm>> -> memref<30x128xf32, #tpu.memory_space<hbm>>
    tpu.wait_dma2 semaphore(%arg10 : memref<!tpu.dma_semaphore, #tpu.memory_space<semaphore_mem>>) src(%dma_wait3A_77 : memref<30x128xf32, #tpu.memory_space<hbm>>) dst(%arg5 : memref<30x128xf32, #tpu.memory_space<vmem>>)
    %dma_wait3A_78 = arith.constant 0 : i32
    %dma_wait3A_79 = arith.constant 0 : i32
    %dma_wait3A_80 = arith.constant 0 : i32
    %dma_wait3A_81 = arith.constant 0 : i32
    %dma_wait3A_82 = tpu.memref_slice %arg3[%dma_wait3A_78, %dma_wait3A_79, %dma_wait3A_80, %dma_wait3A_81] : memref<14x14x30x256xf32, #tpu.memory_space<hbm>> -> memref<1x1x30x128xf32, #tpu.memory_space<hbm>>
    %dma_wait3A_83 = tpu.memref_squeeze %dma_wait3A_82 : memref<1x1x30x128xf32, #tpu.memory_space<hbm>> -> memref<30x128xf32, #tpu.memory_space<hbm>>
    %dma_wait3A_84 = arith.constant 0 : i32
    %dma_wait3A_85 = arith.constant 0 : i32
    %dma_wait3A_86 = tpu.memref_slice %arg3[%dma_wait3A_78, %dma_wait3A_79, %dma_wait3A_84, %dma_wait3A_85] : memref<14x14x30x256xf32, #tpu.memory_space<hbm>> -> memref<1x1x30x128xf32, #tpu.memory_space<hbm>>
    %dma_wait3A_87 = tpu.memref_squeeze %dma_wait3A_86 : memref<1x1x30x128xf32, #tpu.memory_space<hbm>> -> memref<30x128xf32, #tpu.memory_space<hbm>>
    tpu.wait_dma2 semaphore(%arg11 : memref<!tpu.dma_semaphore, #tpu.memory_space<semaphore_mem>>) src(%dma_wait3A_87 : memref<30x128xf32, #tpu.memory_space<hbm>>) dst(%arg6 : memref<30x128xf32, #tpu.memory_space<vmem>>)
    %broadcast_in_dim3A_88 = arith.constant 0.000000e+00 : f32
    %broadcast_in_dim3A_89 = vector.broadcast %broadcast_in_dim3A_88 : f32 to vector<16xf32>
    %scan3A_90 = arith.constant 0 : i32
    %scan3A_91 = arith.constant 8 : i32
    %scan3A_92 = arith.addi %scan3A_90, %scan3A_91 : i32
    %scan3A_93 = arith.constant 1 : i32
    %scan3A_94 = scf.for %scan3A_132 = %scan3A_90 to %scan3A_92 step %scan3A_93 iter_args(%scan3A_133 = %broadcast_in_dim3A_89) -> (vector<16xf32>)  : i32 {
      %mul3A_134 = arith.constant 16 : i32
      %mul3A_135 = arith.muli %scan3A_132, %mul3A_134 : i32
      %get3A = arith.constant 10 : i32
      %get3A_136 = arith.index_cast %get3A : i32 to index
      %get3A_137 = arith.index_cast %mul3A_135 : i32 to index
      %get3A_138 = tpu.vector_load %arg5[%get3A_136, %get3A_137] {strides = array<i32>} : memref<30x128xf32, #tpu.memory_space<vmem>>, vector<16xf32>,
      %get3A_139 = arith.constant 10 : i32
      %get3A_140 = arith.index_cast %get3A_139 : i32 to index
      %get3A_141 = arith.index_cast %mul3A_135 : i32 to index
      %get3A_142 = tpu.vector_load %arg6[%get3A_140, %get3A_141] {strides = array<i32>} : memref<30x128xf32, #tpu.memory_space<vmem>>, vector<16xf32>,
      %sub3A_143 = arith.subf %get3A_138, %get3A_142 : vector<16xf32>
      %mul3A_144 = arith.mulf %sub3A_143, %sub3A_143 : vector<16xf32>
      %get3A_145 = arith.constant 11 : i32
      %get3A_146 = arith.index_cast %get3A_145 : i32 to index
      %get3A_147 = arith.index_cast %mul3A_135 : i32 to index
      %get3A_148 = tpu.vector_load %arg5[%get3A_146, %get3A_147] {strides = array<i32>} : memref<30x128xf32, #tpu.memory_space<vmem>>, vector<16xf32>,
      %get3A_149 = arith.constant 11 : i32
      %get3A_150 = arith.index_cast %get3A_149 : i32 to index
      %get3A_151 = arith.index_cast %mul3A_135 : i32 to index
      %get3A_152 = tpu.vector_load %arg6[%get3A_150, %get3A_151] {strides = array<i32>} : memref<30x128xf32, #tpu.memory_space<vmem>>, vector<16xf32>,
      %sub3A_153 = arith.subf %get3A_148, %get3A_152 : vector<16xf32>
      %mul3A_154 = arith.mulf %sub3A_153, %sub3A_153 : vector<16xf32>
      %add3A_155 = arith.addf %mul3A_144, %mul3A_154 : vector<16xf32>
      %get3A_156 = arith.constant 12 : i32
      %get3A_157 = arith.index_cast %get3A_156 : i32 to index
      %get3A_158 = arith.index_cast %mul3A_135 : i32 to index
      %get3A_159 = tpu.vector_load %arg5[%get3A_157, %get3A_158] {strides = array<i32>} : memref<30x128xf32, #tpu.memory_space<vmem>>, vector<16xf32>,
      %get3A_160 = arith.constant 12 : i32
      %get3A_161 = arith.index_cast %get3A_160 : i32 to index
      %get3A_162 = arith.index_cast %mul3A_135 : i32 to index
      %get3A_163 = tpu.vector_load %arg6[%get3A_161, %get3A_162] {strides = array<i32>} : memref<30x128xf32, #tpu.memory_space<vmem>>, vector<16xf32>,
      %sub3A_164 = arith.subf %get3A_159, %get3A_163 : vector<16xf32>
      %mul3A_165 = arith.mulf %sub3A_164, %sub3A_164 : vector<16xf32>
      %add3A_166 = arith.addf %add3A_155, %mul3A_165 : vector<16xf32>
      %get3A_167 = arith.constant 13 : i32
      %get3A_168 = arith.index_cast %get3A_167 : i32 to index
      %get3A_169 = arith.index_cast %mul3A_135 : i32 to index
      %get3A_170 = tpu.vector_load %arg5[%get3A_168, %get3A_169] {strides = array<i32>} : memref<30x128xf32, #tpu.memory_space<vmem>>, vector<16xf32>,
      %get3A_171 = arith.constant 13 : i32
      %get3A_172 = arith.index_cast %get3A_171 : i32 to index
      %get3A_173 = arith.index_cast %mul3A_135 : i32 to index
      %get3A_174 = tpu.vector_load %arg6[%get3A_172, %get3A_173] {strides = array<i32>} : memref<30x128xf32, #tpu.memory_space<vmem>>, vector<16xf32>,
      %sub3A_175 = arith.subf %get3A_170, %get3A_174 : vector<16xf32>
      %mul3A_176 = arith.mulf %sub3A_175, %sub3A_175 : vector<16xf32>
      %add3A_177 = arith.addf %add3A_166, %mul3A_176 : vector<16xf32>
      %get3A_178 = arith.constant 14 : i32
      %get3A_179 = arith.index_cast %get3A_178 : i32 to index
      %get3A_180 = arith.index_cast %mul3A_135 : i32 to index
      %get3A_181 = tpu.vector_load %arg5[%get3A_179, %get3A_180] {strides = array<i32>} : memref<30x128xf32, #tpu.memory_space<vmem>>, vector<16xf32>,
      %get3A_182 = arith.constant 14 : i32
      %get3A_183 = arith.index_cast %get3A_182 : i32 to index
      %get3A_184 = arith.index_cast %mul3A_135 : i32 to index
      %get3A_185 = tpu.vector_load %arg6[%get3A_183, %get3A_184] {strides = array<i32>} : memref<30x128xf32, #tpu.memory_space<vmem>>, vector<16xf32>,
      %sub3A_186 = arith.subf %get3A_181, %get3A_185 : vector<16xf32>
      %mul3A_187 = arith.mulf %sub3A_186, %sub3A_186 : vector<16xf32>
      %add3A_188 = arith.addf %add3A_177, %mul3A_187 : vector<16xf32>
      %get3A_189 = arith.constant 15 : i32
      %get3A_190 = arith.index_cast %get3A_189 : i32 to index
      %get3A_191 = arith.index_cast %mul3A_135 : i32 to index
      %get3A_192 = tpu.vector_load %arg5[%get3A_190, %get3A_191] {strides = array<i32>} : memref<30x128xf32, #tpu.memory_space<vmem>>, vector<16xf32>,
      %get3A_193 = arith.constant 15 : i32
      %get3A_194 = arith.index_cast %get3A_193 : i32 to index
      %get3A_195 = arith.index_cast %mul3A_135 : i32 to index
      %get3A_196 = tpu.vector_load %arg6[%get3A_194, %get3A_195] {strides = array<i32>} : memref<30x128xf32, #tpu.memory_space<vmem>>, vector<16xf32>,
      %sub3A_197 = arith.subf %get3A_192, %get3A_196 : vector<16xf32>
      %mul3A_198 = arith.mulf %sub3A_197, %sub3A_197 : vector<16xf32>
      %add3A_199 = arith.addf %add3A_188, %mul3A_198 : vector<16xf32>
      %get3A_200 = arith.constant 16 : i32
      %get3A_201 = arith.index_cast %get3A_200 : i32 to index
      %get3A_202 = arith.index_cast %mul3A_135 : i32 to index
      %get3A_203 = tpu.vector_load %arg5[%get3A_201, %get3A_202] {strides = array<i32>} : memref<30x128xf32, #tpu.memory_space<vmem>>, vector<16xf32>,
      %get3A_204 = arith.constant 16 : i32
      %get3A_205 = arith.index_cast %get3A_204 : i32 to index
      %get3A_206 = arith.index_cast %mul3A_135 : i32 to index
      %get3A_207 = tpu.vector_load %arg6[%get3A_205, %get3A_206] {strides = array<i32>} : memref<30x128xf32, #tpu.memory_space<vmem>>, vector<16xf32>,
      %sub3A_208 = arith.subf %get3A_203, %get3A_207 : vector<16xf32>
      %mul3A_209 = arith.mulf %sub3A_208, %sub3A_208 : vector<16xf32>
      %add3A_210 = arith.addf %add3A_199, %mul3A_209 : vector<16xf32>
      %get3A_211 = arith.constant 17 : i32
      %get3A_212 = arith.index_cast %get3A_211 : i32 to index
      %get3A_213 = arith.index_cast %mul3A_135 : i32 to index
      %get3A_214 = tpu.vector_load %arg5[%get3A_212, %get3A_213] {strides = array<i32>} : memref<30x128xf32, #tpu.memory_space<vmem>>, vector<16xf32>,
      %get3A_215 = arith.constant 17 : i32
      %get3A_216 = arith.index_cast %get3A_215 : i32 to index
      %get3A_217 = arith.index_cast %mul3A_135 : i32 to index
      %get3A_218 = tpu.vector_load %arg6[%get3A_216, %get3A_217] {strides = array<i32>} : memref<30x128xf32, #tpu.memory_space<vmem>>, vector<16xf32>,
      %sub3A_219 = arith.subf %get3A_214, %get3A_218 : vector<16xf32>
      %mul3A_220 = arith.mulf %sub3A_219, %sub3A_219 : vector<16xf32>
      %add3A_221 = arith.addf %add3A_210, %mul3A_220 : vector<16xf32>
      %get3A_222 = arith.constant 18 : i32
      %get3A_223 = arith.index_cast %get3A_222 : i32 to index
      %get3A_224 = arith.index_cast %mul3A_135 : i32 to index
      %get3A_225 = tpu.vector_load %arg5[%get3A_223, %get3A_224] {strides = array<i32>} : memref<30x128xf32, #tpu.memory_space<vmem>>, vector<16xf32>,
      %get3A_226 = arith.constant 18 : i32
      %get3A_227 = arith.index_cast %get3A_226 : i32 to index
      %get3A_228 = arith.index_cast %mul3A_135 : i32 to index
      %get3A_229 = tpu.vector_load %arg6[%get3A_227, %get3A_228] {strides = array<i32>} : memref<30x128xf32, #tpu.memory_space<vmem>>, vector<16xf32>,
      %sub3A_230 = arith.subf %get3A_225, %get3A_229 : vector<16xf32>
      %mul3A_231 = arith.mulf %sub3A_230, %sub3A_230 : vector<16xf32>
      %add3A_232 = arith.addf %add3A_221, %mul3A_231 : vector<16xf32>
      %get3A_233 = arith.constant 19 : i32
      %get3A_234 = arith.index_cast %get3A_233 : i32 to index
      %get3A_235 = arith.index_cast %mul3A_135 : i32 to index
      %get3A_236 = tpu.vector_load %arg5[%get3A_234, %get3A_235] {strides = array<i32>} : memref<30x128xf32, #tpu.memory_space<vmem>>, vector<16xf32>,
      %get3A_237 = arith.constant 19 : i32
      %get3A_238 = arith.index_cast %get3A_237 : i32 to index
      %get3A_239 = arith.index_cast %mul3A_135 : i32 to index
      %get3A_240 = tpu.vector_load %arg6[%get3A_238, %get3A_239] {strides = array<i32>} : memref<30x128xf32, #tpu.memory_space<vmem>>, vector<16xf32>,
      %sub3A_241 = arith.subf %get3A_236, %get3A_240 : vector<16xf32>
      %mul3A_242 = arith.mulf %sub3A_241, %sub3A_241 : vector<16xf32>
      %add3A_243 = arith.addf %add3A_232, %mul3A_242 : vector<16xf32>
      %get3A_244 = arith.constant 20 : i32
      %get3A_245 = arith.index_cast %get3A_244 : i32 to index
      %get3A_246 = arith.index_cast %mul3A_135 : i32 to index
      %get3A_247 = tpu.vector_load %arg5[%get3A_245, %get3A_246] {strides = array<i32>} : memref<30x128xf32, #tpu.memory_space<vmem>>, vector<16xf32>,
      %get3A_248 = arith.constant 20 : i32
      %get3A_249 = arith.index_cast %get3A_248 : i32 to index
      %get3A_250 = arith.index_cast %mul3A_135 : i32 to index
      %get3A_251 = tpu.vector_load %arg6[%get3A_249, %get3A_250] {strides = array<i32>} : memref<30x128xf32, #tpu.memory_space<vmem>>, vector<16xf32>,
      %sub3A_252 = arith.subf %get3A_247, %get3A_251 : vector<16xf32>
      %mul3A_253 = arith.mulf %sub3A_252, %sub3A_252 : vector<16xf32>
      %add3A_254 = arith.addf %add3A_243, %mul3A_253 : vector<16xf32>
      %get3A_255 = arith.constant 21 : i32
      %get3A_256 = arith.index_cast %get3A_255 : i32 to index
      %get3A_257 = arith.index_cast %mul3A_135 : i32 to index
      %get3A_258 = tpu.vector_load %arg5[%get3A_256, %get3A_257] {strides = array<i32>} : memref<30x128xf32, #tpu.memory_space<vmem>>, vector<16xf32>,
      %get3A_259 = arith.constant 21 : i32
      %get3A_260 = arith.index_cast %get3A_259 : i32 to index
      %get3A_261 = arith.index_cast %mul3A_135 : i32 to index
      %get3A_262 = tpu.vector_load %arg6[%get3A_260, %get3A_261] {strides = array<i32>} : memref<30x128xf32, #tpu.memory_space<vmem>>, vector<16xf32>,
      %sub3A_263 = arith.subf %get3A_258, %get3A_262 : vector<16xf32>
      %mul3A_264 = arith.mulf %sub3A_263, %sub3A_263 : vector<16xf32>
      %add3A_265 = arith.addf %add3A_254, %mul3A_264 : vector<16xf32>
      %get3A_266 = arith.constant 22 : i32
      %get3A_267 = arith.index_cast %get3A_266 : i32 to index
      %get3A_268 = arith.index_cast %mul3A_135 : i32 to index
      %get3A_269 = tpu.vector_load %arg5[%get3A_267, %get3A_268] {strides = array<i32>} : memref<30x128xf32, #tpu.memory_space<vmem>>, vector<16xf32>,
      %get3A_270 = arith.constant 22 : i32
      %get3A_271 = arith.index_cast %get3A_270 : i32 to index
      %get3A_272 = arith.index_cast %mul3A_135 : i32 to index
      %get3A_273 = tpu.vector_load %arg6[%get3A_271, %get3A_272] {strides = array<i32>} : memref<30x128xf32, #tpu.memory_space<vmem>>, vector<16xf32>,
      %sub3A_274 = arith.subf %get3A_269, %get3A_273 : vector<16xf32>
      %mul3A_275 = arith.mulf %sub3A_274, %sub3A_274 : vector<16xf32>
      %add3A_276 = arith.addf %add3A_265, %mul3A_275 : vector<16xf32>
      %get3A_277 = arith.constant 23 : i32
      %get3A_278 = arith.index_cast %get3A_277 : i32 to index
      %get3A_279 = arith.index_cast %mul3A_135 : i32 to index
      %get3A_280 = tpu.vector_load %arg5[%get3A_278, %get3A_279] {strides = array<i32>} : memref<30x128xf32, #tpu.memory_space<vmem>>, vector<16xf32>,
      %get3A_281 = arith.constant 23 : i32
      %get3A_282 = arith.index_cast %get3A_281 : i32 to index
      %get3A_283 = arith.index_cast %mul3A_135 : i32 to index
      %get3A_284 = tpu.vector_load %arg6[%get3A_282, %get3A_283] {strides = array<i32>} : memref<30x128xf32, #tpu.memory_space<vmem>>, vector<16xf32>,
      %sub3A_285 = arith.subf %get3A_280, %get3A_284 : vector<16xf32>
      %mul3A_286 = arith.mulf %sub3A_285, %sub3A_285 : vector<16xf32>
      %add3A_287 = arith.addf %add3A_276, %mul3A_286 : vector<16xf32>
      %get3A_288 = arith.constant 24 : i32
      %get3A_289 = arith.index_cast %get3A_288 : i32 to index
      %get3A_290 = arith.index_cast %mul3A_135 : i32 to index
      %get3A_291 = tpu.vector_load %arg5[%get3A_289, %get3A_290] {strides = array<i32>} : memref<30x128xf32, #tpu.memory_space<vmem>>, vector<16xf32>,
      %get3A_292 = arith.constant 24 : i32
      %get3A_293 = arith.index_cast %get3A_292 : i32 to index
      %get3A_294 = arith.index_cast %mul3A_135 : i32 to index
      %get3A_295 = tpu.vector_load %arg6[%get3A_293, %get3A_294] {strides = array<i32>} : memref<30x128xf32, #tpu.memory_space<vmem>>, vector<16xf32>,
      %sub3A_296 = arith.subf %get3A_291, %get3A_295 : vector<16xf32>
      %mul3A_297 = arith.mulf %sub3A_296, %sub3A_296 : vector<16xf32>
      %add3A_298 = arith.addf %add3A_287, %mul3A_297 : vector<16xf32>
      %get3A_299 = arith.constant 25 : i32
      %get3A_300 = arith.index_cast %get3A_299 : i32 to index
      %get3A_301 = arith.index_cast %mul3A_135 : i32 to index
      %get3A_302 = tpu.vector_load %arg5[%get3A_300, %get3A_301] {strides = array<i32>} : memref<30x128xf32, #tpu.memory_space<vmem>>, vector<16xf32>,
      %get3A_303 = arith.constant 25 : i32
      %get3A_304 = arith.index_cast %get3A_303 : i32 to index
      %get3A_305 = arith.index_cast %mul3A_135 : i32 to index
      %get3A_306 = tpu.vector_load %arg6[%get3A_304, %get3A_305] {strides = array<i32>} : memref<30x128xf32, #tpu.memory_space<vmem>>, vector<16xf32>,
      %sub3A_307 = arith.subf %get3A_302, %get3A_306 : vector<16xf32>
      %mul3A_308 = arith.mulf %sub3A_307, %sub3A_307 : vector<16xf32>
      %add3A_309 = arith.addf %add3A_298, %mul3A_308 : vector<16xf32>
      %get3A_310 = arith.constant 26 : i32
      %get3A_311 = arith.index_cast %get3A_310 : i32 to index
      %get3A_312 = arith.index_cast %mul3A_135 : i32 to index
      %get3A_313 = tpu.vector_load %arg5[%get3A_311, %get3A_312] {strides = array<i32>} : memref<30x128xf32, #tpu.memory_space<vmem>>, vector<16xf32>,
      %get3A_314 = arith.constant 26 : i32
      %get3A_315 = arith.index_cast %get3A_314 : i32 to index
      %get3A_316 = arith.index_cast %mul3A_135 : i32 to index
      %get3A_317 = tpu.vector_load %arg6[%get3A_315, %get3A_316] {strides = array<i32>} : memref<30x128xf32, #tpu.memory_space<vmem>>, vector<16xf32>,
      %sub3A_318 = arith.subf %get3A_313, %get3A_317 : vector<16xf32>
      %mul3A_319 = arith.mulf %sub3A_318, %sub3A_318 : vector<16xf32>
      %add3A_320 = arith.addf %add3A_309, %mul3A_319 : vector<16xf32>
      %get3A_321 = arith.constant 27 : i32
      %get3A_322 = arith.index_cast %get3A_321 : i32 to index
      %get3A_323 = arith.index_cast %mul3A_135 : i32 to index
      %get3A_324 = tpu.vector_load %arg5[%get3A_322, %get3A_323] {strides = array<i32>} : memref<30x128xf32, #tpu.memory_space<vmem>>, vector<16xf32>,
      %get3A_325 = arith.constant 27 : i32
      %get3A_326 = arith.index_cast %get3A_325 : i32 to index
      %get3A_327 = arith.index_cast %mul3A_135 : i32 to index
      %get3A_328 = tpu.vector_load %arg6[%get3A_326, %get3A_327] {strides = array<i32>} : memref<30x128xf32, #tpu.memory_space<vmem>>, vector<16xf32>,
      %sub3A_329 = arith.subf %get3A_324, %get3A_328 : vector<16xf32>
      %mul3A_330 = arith.mulf %sub3A_329, %sub3A_329 : vector<16xf32>
      %add3A_331 = arith.addf %add3A_320, %mul3A_330 : vector<16xf32>
      %get3A_332 = arith.constant 28 : i32
      %get3A_333 = arith.index_cast %get3A_332 : i32 to index
      %get3A_334 = arith.index_cast %mul3A_135 : i32 to index
      %get3A_335 = tpu.vector_load %arg5[%get3A_333, %get3A_334] {strides = array<i32>} : memref<30x128xf32, #tpu.memory_space<vmem>>, vector<16xf32>,
      %get3A_336 = arith.constant 28 : i32
      %get3A_337 = arith.index_cast %get3A_336 : i32 to index
      %get3A_338 = arith.index_cast %mul3A_135 : i32 to index
      %get3A_339 = tpu.vector_load %arg6[%get3A_337, %get3A_338] {strides = array<i32>} : memref<30x128xf32, #tpu.memory_space<vmem>>, vector<16xf32>,
      %sub3A_340 = arith.subf %get3A_335, %get3A_339 : vector<16xf32>
      %mul3A_341 = arith.mulf %sub3A_340, %sub3A_340 : vector<16xf32>
      %add3A_342 = arith.addf %add3A_331, %mul3A_341 : vector<16xf32>
      %get3A_343 = arith.constant 29 : i32
      %get3A_344 = arith.index_cast %get3A_343 : i32 to index
      %get3A_345 = arith.index_cast %mul3A_135 : i32 to index
      %get3A_346 = tpu.vector_load %arg5[%get3A_344, %get3A_345] {strides = array<i32>} : memref<30x128xf32, #tpu.memory_space<vmem>>, vector<16xf32>,
      %get3A_347 = arith.constant 29 : i32
      %get3A_348 = arith.index_cast %get3A_347 : i32 to index
      %get3A_349 = arith.index_cast %mul3A_135 : i32 to index
      %get3A_350 = tpu.vector_load %arg6[%get3A_348, %get3A_349] {strides = array<i32>} : memref<30x128xf32, #tpu.memory_space<vmem>>, vector<16xf32>,
      %sub3A_351 = arith.subf %get3A_346, %get3A_350 : vector<16xf32>
      %mul3A_352 = arith.mulf %sub3A_351, %sub3A_351 : vector<16xf32>
      %add3A_353 = arith.addf %add3A_342, %mul3A_352 : vector<16xf32>
      %get3A_354 = arith.constant 0 : i32
      %get3A_355 = arith.index_cast %get3A_354 : i32 to index
      %get3A_356 = arith.index_cast %mul3A_135 : i32 to index
      %get3A_357 = tpu.vector_load %arg5[%get3A_355, %get3A_356] {strides = array<i32>} : memref<30x128xf32, #tpu.memory_space<vmem>>, vector<16xf32>,
      %get3A_358 = arith.constant 1 : i32
      %get3A_359 = arith.index_cast %get3A_358 : i32 to index
      %get3A_360 = arith.index_cast %mul3A_135 : i32 to index
      %get3A_361 = tpu.vector_load %arg5[%get3A_359, %get3A_360] {strides = array<i32>} : memref<30x128xf32, #tpu.memory_space<vmem>>, vector<16xf32>,
      %get3A_362 = arith.constant 2 : i32
      %get3A_363 = arith.index_cast %get3A_362 : i32 to index
      %get3A_364 = arith.index_cast %mul3A_135 : i32 to index
      %get3A_365 = tpu.vector_load %arg5[%get3A_363, %get3A_364] {strides = array<i32>} : memref<30x128xf32, #tpu.memory_space<vmem>>, vector<16xf32>,
      %get3A_366 = arith.constant 3 : i32
      %get3A_367 = arith.index_cast %get3A_366 : i32 to index
      %get3A_368 = arith.index_cast %mul3A_135 : i32 to index
      %get3A_369 = tpu.vector_load %arg5[%get3A_367, %get3A_368] {strides = array<i32>} : memref<30x128xf32, #tpu.memory_space<vmem>>, vector<16xf32>,
      %get3A_370 = arith.constant 4 : i32
      %get3A_371 = arith.index_cast %get3A_370 : i32 to index
      %get3A_372 = arith.index_cast %mul3A_135 : i32 to index
      %get3A_373 = tpu.vector_load %arg5[%get3A_371, %get3A_372] {strides = array<i32>} : memref<30x128xf32, #tpu.memory_space<vmem>>, vector<16xf32>,
      %get3A_374 = arith.constant 5 : i32
      %get3A_375 = arith.index_cast %get3A_374 : i32 to index
      %get3A_376 = arith.index_cast %mul3A_135 : i32 to index
      %get3A_377 = tpu.vector_load %arg5[%get3A_375, %get3A_376] {strides = array<i32>} : memref<30x128xf32, #tpu.memory_space<vmem>>, vector<16xf32>,
      %get3A_378 = arith.constant 6 : i32
      %get3A_379 = arith.index_cast %get3A_378 : i32 to index
      %get3A_380 = arith.index_cast %mul3A_135 : i32 to index
      %get3A_381 = tpu.vector_load %arg5[%get3A_379, %get3A_380] {strides = array<i32>} : memref<30x128xf32, #tpu.memory_space<vmem>>, vector<16xf32>,
      %get3A_382 = arith.constant 7 : i32
      %get3A_383 = arith.index_cast %get3A_382 : i32 to index
      %get3A_384 = arith.index_cast %mul3A_135 : i32 to index
      %get3A_385 = tpu.vector_load %arg5[%get3A_383, %get3A_384] {strides = array<i32>} : memref<30x128xf32, #tpu.memory_space<vmem>>, vector<16xf32>,
      %get3A_386 = arith.constant 8 : i32
      %get3A_387 = arith.index_cast %get3A_386 : i32 to index
      %get3A_388 = arith.index_cast %mul3A_135 : i32 to index
      %get3A_389 = tpu.vector_load %arg5[%get3A_387, %get3A_388] {strides = array<i32>} : memref<30x128xf32, #tpu.memory_space<vmem>>, vector<16xf32>,
      %get3A_390 = arith.constant 9 : i32
      %get3A_391 = arith.index_cast %get3A_390 : i32 to index
      %get3A_392 = arith.index_cast %mul3A_135 : i32 to index
      %get3A_393 = tpu.vector_load %arg5[%get3A_391, %get3A_392] {strides = array<i32>} : memref<30x128xf32, #tpu.memory_space<vmem>>, vector<16xf32>,
      %get3A_394 = arith.constant 0 : i32
      %get3A_395 = arith.index_cast %get3A_394 : i32 to index
      %get3A_396 = arith.index_cast %mul3A_135 : i32 to index
      %get3A_397 = tpu.vector_load %arg6[%get3A_395, %get3A_396] {strides = array<i32>} : memref<30x128xf32, #tpu.memory_space<vmem>>, vector<16xf32>,
      %get3A_398 = arith.constant 1 : i32
      %get3A_399 = arith.index_cast %get3A_398 : i32 to index
      %get3A_400 = arith.index_cast %mul3A_135 : i32 to index
      %get3A_401 = tpu.vector_load %arg6[%get3A_399, %get3A_400] {strides = array<i32>} : memref<30x128xf32, #tpu.memory_space<vmem>>, vector<16xf32>,
      %get3A_402 = arith.constant 2 : i32
      %get3A_403 = arith.index_cast %get3A_402 : i32 to index
      %get3A_404 = arith.index_cast %mul3A_135 : i32 to index
      %get3A_405 = tpu.vector_load %arg6[%get3A_403, %get3A_404] {strides = array<i32>} : memref<30x128xf32, #tpu.memory_space<vmem>>, vector<16xf32>,
      %get3A_406 = arith.constant 3 : i32
      %get3A_407 = arith.index_cast %get3A_406 : i32 to index
      %get3A_408 = arith.index_cast %mul3A_135 : i32 to index
      %get3A_409 = tpu.vector_load %arg6[%get3A_407, %get3A_408] {strides = array<i32>} : memref<30x128xf32, #tpu.memory_space<vmem>>, vector<16xf32>,
      %get3A_410 = arith.constant 4 : i32
      %get3A_411 = arith.index_cast %get3A_410 : i32 to index
      %get3A_412 = arith.index_cast %mul3A_135 : i32 to index
      %get3A_413 = tpu.vector_load %arg6[%get3A_411, %get3A_412] {strides = array<i32>} : memref<30x128xf32, #tpu.memory_space<vmem>>, vector<16xf32>,
      %get3A_414 = arith.constant 5 : i32
      %get3A_415 = arith.index_cast %get3A_414 : i32 to index
      %get3A_416 = arith.index_cast %mul3A_135 : i32 to index
      %get3A_417 = tpu.vector_load %arg6[%get3A_415, %get3A_416] {strides = array<i32>} : memref<30x128xf32, #tpu.memory_space<vmem>>, vector<16xf32>,
      %get3A_418 = arith.constant 6 : i32
      %get3A_419 = arith.index_cast %get3A_418 : i32 to index
      %get3A_420 = arith.index_cast %mul3A_135 : i32 to index
      %get3A_421 = tpu.vector_load %arg6[%get3A_419, %get3A_420] {strides = array<i32>} : memref<30x128xf32, #tpu.memory_space<vmem>>, vector<16xf32>,
      %get3A_422 = arith.constant 7 : i32
      %get3A_423 = arith.index_cast %get3A_422 : i32 to index
      %get3A_424 = arith.index_cast %mul3A_135 : i32 to index
      %get3A_425 = tpu.vector_load %arg6[%get3A_423, %get3A_424] {strides = array<i32>} : memref<30x128xf32, #tpu.memory_space<vmem>>, vector<16xf32>,
      %get3A_426 = arith.constant 8 : i32
      %get3A_427 = arith.index_cast %get3A_426 : i32 to index
      %get3A_428 = arith.index_cast %mul3A_135 : i32 to index
      %get3A_429 = tpu.vector_load %arg6[%get3A_427, %get3A_428] {strides = array<i32>} : memref<30x128xf32, #tpu.memory_space<vmem>>, vector<16xf32>,
      %get3A_430 = arith.constant 9 : i32
      %get3A_431 = arith.index_cast %get3A_430 : i32 to index
      %get3A_432 = arith.index_cast %mul3A_135 : i32 to index
      %get3A_433 = tpu.vector_load %arg6[%get3A_431, %get3A_432] {strides = array<i32>} : memref<30x128xf32, #tpu.memory_space<vmem>>, vector<16xf32>,
      %gt3A = arith.constant 0.000000e+00 : f32
      %gt3A_434 = vector.broadcast %gt3A : f32 to vector<16xf32>
      %gt3A_435 = arith.cmpf ogt, %get3A_413, %gt3A_434 : vector<16xf32>
      %jit3A_436 = arith.constant 1.000000e+00 : f32
      %jit3A_437 = arith.constant 0.000000e+00 : f32
      %broadcast_in_dim3A_438 = vector.broadcast %jit3A_436 : f32 to vector<16xf32>
      %broadcast_in_dim3A_439 = vector.broadcast %jit3A_437 : f32 to vector<16xf32>
      %select_n3A_440 = arith.select %gt3A_435, %broadcast_in_dim3A_438, %broadcast_in_dim3A_439 : vector<16xi1>, vector<16xf32>
      %eq3A = arith.constant 0.000000e+00 : f32
      %eq3A_441 = vector.broadcast %eq3A : f32 to vector<16xf32>
      %eq3A_442 = arith.cmpf oeq, %get3A_413, %eq3A_441 : vector<16xf32>
      %jit3A_443 = arith.constant 1.000000e+00 : f32
      %jit3A_444 = arith.constant 0.000000e+00 : f32
      %broadcast_in_dim3A_445 = vector.broadcast %jit3A_443 : f32 to vector<16xf32>
      %broadcast_in_dim3A_446 = vector.broadcast %jit3A_444 : f32 to vector<16xf32>
      %select_n3A_447 = arith.select %eq3A_442, %broadcast_in_dim3A_445, %broadcast_in_dim3A_446 : vector<16xi1>, vector<16xf32>
      %sub3A_448 = arith.subf %get3A_373, %get3A_413 : vector<16xf32>
      %mul3A_449 = arith.mulf %sub3A_448, %sub3A_448 : vector<16xf32>
      %sub3A_450 = arith.subf %get3A_393, %get3A_433 : vector<16xf32>
      %mul3A_451 = arith.mulf %sub3A_450, %sub3A_450 : vector<16xf32>
      %add3A_452 = arith.addf %mul3A_449, %mul3A_451 : vector<16xf32>
      %mul3A_453 = arith.constant 5.000000e-01 : f32
      %mul3A_454 = vector.broadcast %mul3A_453 : f32 to vector<16xf32>
      %mul3A_455 = arith.mulf %mul3A_454, %get3A_405 : vector<16xf32>
      %sub3A_456 = arith.subf %get3A_397, %mul3A_455 : vector<16xf32>
      %mul3A_457 = arith.constant 5.000000e-01 : f32
      %mul3A_458 = vector.broadcast %mul3A_457 : f32 to vector<16xf32>
      %mul3A_459 = arith.mulf %mul3A_458, %get3A_409 : vector<16xf32>
      %sub3A_460 = arith.subf %get3A_401, %mul3A_459 : vector<16xf32>
      %mul3A_461 = arith.constant 5.000000e-01 : f32
      %mul3A_462 = vector.broadcast %mul3A_461 : f32 to vector<16xf32>
      %mul3A_463 = arith.mulf %mul3A_462, %get3A_405 : vector<16xf32>
      %add3A_464 = arith.addf %get3A_397, %mul3A_463 : vector<16xf32>
      %mul3A_465 = arith.constant 5.000000e-01 : f32
      %mul3A_466 = vector.broadcast %mul3A_465 : f32 to vector<16xf32>
      %mul3A_467 = arith.mulf %mul3A_466, %get3A_409 : vector<16xf32>
      %add3A_468 = arith.addf %get3A_401, %mul3A_467 : vector<16xf32>
      %mul3A_469 = arith.mulf %get3A_405, %get3A_409 : vector<16xf32>
      %mul3A_470 = arith.constant 5.000000e-01 : f32
      %mul3A_471 = vector.broadcast %mul3A_470 : f32 to vector<16xf32>
      %mul3A_472 = arith.mulf %mul3A_471, %get3A_365 : vector<16xf32>
      %sub3A_473 = arith.subf %get3A_357, %mul3A_472 : vector<16xf32>
      %mul3A_474 = arith.constant 5.000000e-01 : f32
      %mul3A_475 = vector.broadcast %mul3A_474 : f32 to vector<16xf32>
      %mul3A_476 = arith.mulf %mul3A_475, %get3A_369 : vector<16xf32>
      %sub3A_477 = arith.subf %get3A_361, %mul3A_476 : vector<16xf32>
      %mul3A_478 = arith.constant 5.000000e-01 : f32
      %mul3A_479 = vector.broadcast %mul3A_478 : f32 to vector<16xf32>
      %mul3A_480 = arith.mulf %mul3A_479, %get3A_365 : vector<16xf32>
      %add3A_481 = arith.addf %get3A_357, %mul3A_480 : vector<16xf32>
      %mul3A_482 = arith.constant 5.000000e-01 : f32
      %mul3A_483 = vector.broadcast %mul3A_482 : f32 to vector<16xf32>
      %mul3A_484 = arith.mulf %mul3A_483, %get3A_369 : vector<16xf32>
      %add3A_485 = arith.addf %get3A_361, %mul3A_484 : vector<16xf32>
      %max3A = arith.maximumf %sub3A_473, %sub3A_456 : vector<16xf32>
      %max3A_486 = arith.maximumf %sub3A_477, %sub3A_460 : vector<16xf32>
      %min3A_487 = arith.minimumf %add3A_481, %add3A_464 : vector<16xf32>
      %min3A_488 = arith.minimumf %add3A_485, %add3A_468 : vector<16xf32>
      %sub3A_489 = arith.subf %min3A_487, %max3A : vector<16xf32>
      %lt3A_490 = arith.constant 0.000000e+00 : f32
      %lt3A_491 = vector.broadcast %lt3A_490 : f32 to vector<16xf32>
      %lt3A_492 = arith.cmpf olt, %sub3A_489, %lt3A_491 : vector<16xf32>
      %jit3A_493 = arith.constant 1.000000e+00 : f32
      %jit3A_494 = arith.constant 0.000000e+00 : f32
      %broadcast_in_dim3A_495 = vector.broadcast %jit3A_493 : f32 to vector<16xf32>
      %broadcast_in_dim3A_496 = vector.broadcast %jit3A_494 : f32 to vector<16xf32>
      %select_n3A_497 = arith.select %lt3A_492, %broadcast_in_dim3A_495, %broadcast_in_dim3A_496 : vector<16xi1>, vector<16xf32>
      %sub3A_498 = arith.subf %min3A_488, %max3A_486 : vector<16xf32>
      %lt3A_499 = arith.constant 0.000000e+00 : f32
      %lt3A_500 = vector.broadcast %lt3A_499 : f32 to vector<16xf32>
      %lt3A_501 = arith.cmpf olt, %sub3A_498, %lt3A_500 : vector<16xf32>
      %jit3A_502 = arith.constant 1.000000e+00 : f32
      %jit3A_503 = arith.constant 0.000000e+00 : f32
      %broadcast_in_dim3A_504 = vector.broadcast %jit3A_502 : f32 to vector<16xf32>
      %broadcast_in_dim3A_505 = vector.broadcast %jit3A_503 : f32 to vector<16xf32>
      %select_n3A_506 = arith.select %lt3A_501, %broadcast_in_dim3A_504, %broadcast_in_dim3A_505 : vector<16xi1>, vector<16xf32>
      %mul3A_507 = arith.mulf %select_n3A_497, %select_n3A_506 : vector<16xf32>
      %mul3A_508 = arith.mulf %get3A_365, %get3A_369 : vector<16xf32>
      %add3A_509 = arith.addf %mul3A_508, %mul3A_469 : vector<16xf32>
      %sub3A_510 = arith.subf %add3A_509, %mul3A_507 : vector<16xf32>
      %div3A_511 = arith.divf %mul3A_507, %sub3A_510 : vector<16xf32>
      %mul3A_512 = arith.constant 5.000000e-01 : f32
      %mul3A_513 = vector.broadcast %mul3A_512 : f32 to vector<16xf32>
      %mul3A_514 = arith.mulf %mul3A_513, %get3A_385 : vector<16xf32>
      %sub3A_515 = arith.subf %get3A_377, %mul3A_514 : vector<16xf32>
      %mul3A_516 = arith.constant 5.000000e-01 : f32
      %mul3A_517 = vector.broadcast %mul3A_516 : f32 to vector<16xf32>
      %mul3A_518 = arith.mulf %mul3A_517, %get3A_389 : vector<16xf32>
      %sub3A_519 = arith.subf %get3A_381, %mul3A_518 : vector<16xf32>
      %mul3A_520 = arith.constant 5.000000e-01 : f32
      %mul3A_521 = vector.broadcast %mul3A_520 : f32 to vector<16xf32>
      %mul3A_522 = arith.mulf %mul3A_521, %get3A_385 : vector<16xf32>
      %add3A_523 = arith.addf %get3A_377, %mul3A_522 : vector<16xf32>
      %mul3A_524 = arith.constant 5.000000e-01 : f32
      %mul3A_525 = vector.broadcast %mul3A_524 : f32 to vector<16xf32>
      %mul3A_526 = arith.mulf %mul3A_525, %get3A_389 : vector<16xf32>
      %add3A_527 = arith.addf %get3A_381, %mul3A_526 : vector<16xf32>
      %max3A_528 = arith.maximumf %sub3A_515, %sub3A_456 : vector<16xf32>
      %max3A_529 = arith.maximumf %sub3A_519, %sub3A_460 : vector<16xf32>
      %min3A_530 = arith.minimumf %add3A_523, %add3A_464 : vector<16xf32>
      %min3A_531 = arith.minimumf %add3A_527, %add3A_468 : vector<16xf32>
      %sub3A_532 = arith.subf %min3A_530, %max3A_528 : vector<16xf32>
      %lt3A_533 = arith.constant 0.000000e+00 : f32
      %lt3A_534 = vector.broadcast %lt3A_533 : f32 to vector<16xf32>
      %lt3A_535 = arith.cmpf olt, %sub3A_532, %lt3A_534 : vector<16xf32>
      %jit3A_536 = arith.constant 1.000000e+00 : f32
      %jit3A_537 = arith.constant 0.000000e+00 : f32
      %broadcast_in_dim3A_538 = vector.broadcast %jit3A_536 : f32 to vector<16xf32>
      %broadcast_in_dim3A_539 = vector.broadcast %jit3A_537 : f32 to vector<16xf32>
      %select_n3A_540 = arith.select %lt3A_535, %broadcast_in_dim3A_538, %broadcast_in_dim3A_539 : vector<16xi1>, vector<16xf32>
      %sub3A_541 = arith.subf %min3A_531, %max3A_529 : vector<16xf32>
      %lt3A_542 = arith.constant 0.000000e+00 : f32
      %lt3A_543 = vector.broadcast %lt3A_542 : f32 to vector<16xf32>
      %lt3A_544 = arith.cmpf olt, %sub3A_541, %lt3A_543 : vector<16xf32>
      %jit3A_545 = arith.constant 1.000000e+00 : f32
      %jit3A_546 = arith.constant 0.000000e+00 : f32
      %broadcast_in_dim3A_547 = vector.broadcast %jit3A_545 : f32 to vector<16xf32>
      %broadcast_in_dim3A_548 = vector.broadcast %jit3A_546 : f32 to vector<16xf32>
      %select_n3A_549 = arith.select %lt3A_544, %broadcast_in_dim3A_547, %broadcast_in_dim3A_548 : vector<16xi1>, vector<16xf32>
      %mul3A_550 = arith.mulf %select_n3A_540, %select_n3A_549 : vector<16xf32>
      %mul3A_551 = arith.mulf %get3A_385, %get3A_389 : vector<16xf32>
      %add3A_552 = arith.addf %mul3A_551, %mul3A_469 : vector<16xf32>
      %sub3A_553 = arith.subf %add3A_552, %mul3A_550 : vector<16xf32>
      %div3A_554 = arith.divf %mul3A_550, %sub3A_553 : vector<16xf32>
      %ne3A_555 = arith.cmpf one, %div3A_511, %div3A_511 : vector<16xf32>
      %ne3A_556 = arith.cmpf one, %div3A_554, %div3A_554 : vector<16xf32>
      %gt3A_557 = arith.cmpf ogt, %div3A_554, %div3A_511 : vector<16xf32>
      %not3A = arith.constant dense<true> : vector<16xi1>
      %not3A_558 = arith.xori %ne3A_555, %not3A : vector<16xi1>
      %and3A_559 = arith.andi %ne3A_556, %not3A_558 : vector<16xi1>
      %or3A = arith.ori %gt3A_557, %and3A_559 : vector<16xi1>
      %select_n3A_560 = arith.select %or3A, %get3A_377, %get3A_357 : vector<16xi1>, vector<16xf32>
      %select_n3A_561 = arith.select %or3A, %get3A_381, %get3A_361 : vector<16xi1>, vector<16xf32>
      %select_n3A_562 = arith.select %or3A, %get3A_385, %get3A_365 : vector<16xi1>, vector<16xf32>
      %select_n3A_563 = arith.select %or3A, %get3A_389, %get3A_369 : vector<16xi1>, vector<16xf32>
      %select_n3A_564 = arith.select %or3A, %get3A_393, %get3A_373 : vector<16xi1>, vector<16xf32>
      %select_n3A_565 = arith.select %or3A, %get3A_417, %get3A_397 : vector<16xi1>, vector<16xf32>
      %select_n3A_566 = arith.select %or3A, %get3A_421, %get3A_401 : vector<16xi1>, vector<16xf32>
      %select_n3A_567 = arith.select %or3A, %get3A_425, %get3A_405 : vector<16xi1>, vector<16xf32>
      %select_n3A_568 = arith.select %or3A, %get3A_429, %get3A_409 : vector<16xi1>, vector<16xf32>
      %select_n3A_569 = arith.select %or3A, %get3A_433, %get3A_413 : vector<16xi1>, vector<16xf32>
      %sub3A_570 = arith.subf %select_n3A_564, %select_n3A_569 : vector<16xf32>
      %mul3A_571 = arith.mulf %sub3A_570, %sub3A_570 : vector<16xf32>
      %sub3A_572 = arith.subf %select_n3A_560, %select_n3A_565 : vector<16xf32>
      %mul3A_573 = arith.mulf %sub3A_572, %sub3A_572 : vector<16xf32>
      %sub3A_574 = arith.subf %select_n3A_561, %select_n3A_566 : vector<16xf32>
      %mul3A_575 = arith.mulf %sub3A_574, %sub3A_574 : vector<16xf32>
      %add3A_576 = arith.addf %mul3A_573, %mul3A_575 : vector<16xf32>
      %bitcast_convert_type3A = tpu.bitcast %select_n3A_562 : vector<16xf32> -> vector<16xi32>
      %shift_right_arithmetic3A = arith.constant 1 : i32
      %shift_right_arithmetic3A_577 = vector.broadcast %shift_right_arithmetic3A : i32 to vector<16xi32>
      %shift_right_arithmetic3A_578 = arith.shrsi %bitcast_convert_type3A, %shift_right_arithmetic3A_577 : vector<16xi32>
      %sub3A_579 = arith.constant 1597463007 : i32
      %sub3A_580 = vector.broadcast %sub3A_579 : i32 to vector<16xi32>
      %sub3A_581 = arith.subi %sub3A_580, %shift_right_arithmetic3A_578 : vector<16xi32>
      %bitcast_convert_type3A_582 = tpu.bitcast %sub3A_581 : vector<16xi32> -> vector<16xf32>
      %mul3A_583 = arith.constant 5.000000e-01 : f32
      %mul3A_584 = vector.broadcast %mul3A_583 : f32 to vector<16xf32>
      %mul3A_585 = arith.mulf %mul3A_584, %select_n3A_562 : vector<16xf32>
      %mul3A_586 = arith.mulf %mul3A_585, %bitcast_convert_type3A_582 : vector<16xf32>
      %mul3A_587 = arith.mulf %mul3A_586, %bitcast_convert_type3A_582 : vector<16xf32>
      %sub3A_588 = arith.constant 1.500000e+00 : f32
      %sub3A_589 = vector.broadcast %sub3A_588 : f32 to vector<16xf32>
      %sub3A_590 = arith.subf %sub3A_589, %mul3A_587 : vector<16xf32>
      %mul3A_591 = arith.mulf %bitcast_convert_type3A_582, %sub3A_590 : vector<16xf32>
      %mul3A_592 = arith.constant 5.000000e-01 : f32
      %mul3A_593 = vector.broadcast %mul3A_592 : f32 to vector<16xf32>
      %mul3A_594 = arith.mulf %mul3A_593, %select_n3A_562 : vector<16xf32>
      %mul3A_595 = arith.mulf %mul3A_594, %mul3A_591 : vector<16xf32>
      %mul3A_596 = arith.mulf %mul3A_595, %mul3A_591 : vector<16xf32>
      %sub3A_597 = arith.constant 1.500000e+00 : f32
      %sub3A_598 = vector.broadcast %sub3A_597 : f32 to vector<16xf32>
      %sub3A_599 = arith.subf %sub3A_598, %mul3A_596 : vector<16xf32>
      %mul3A_600 = arith.mulf %mul3A_591, %sub3A_599 : vector<16xf32>
      %mul3A_601 = arith.constant 5.000000e-01 : f32
      %mul3A_602 = vector.broadcast %mul3A_601 : f32 to vector<16xf32>
      %mul3A_603 = arith.mulf %mul3A_602, %select_n3A_562 : vector<16xf32>
      %mul3A_604 = arith.mulf %mul3A_603, %mul3A_600 : vector<16xf32>
      %mul3A_605 = arith.mulf %mul3A_604, %mul3A_600 : vector<16xf32>
      %sub3A_606 = arith.constant 1.500000e+00 : f32
      %sub3A_607 = vector.broadcast %sub3A_606 : f32 to vector<16xf32>
      %sub3A_608 = arith.subf %sub3A_607, %mul3A_605 : vector<16xf32>
      %mul3A_609 = arith.mulf %mul3A_600, %sub3A_608 : vector<16xf32>
      %mul3A_610 = arith.constant 5.000000e-01 : f32
      %mul3A_611 = vector.broadcast %mul3A_610 : f32 to vector<16xf32>
      %mul3A_612 = arith.mulf %mul3A_611, %select_n3A_562 : vector<16xf32>
      %mul3A_613 = arith.mulf %mul3A_612, %mul3A_609 : vector<16xf32>
      %mul3A_614 = arith.mulf %mul3A_613, %mul3A_609 : vector<16xf32>
      %sub3A_615 = arith.constant 1.500000e+00 : f32
      %sub3A_616 = vector.broadcast %sub3A_615 : f32 to vector<16xf32>
      %sub3A_617 = arith.subf %sub3A_616, %mul3A_614 : vector<16xf32>
      %mul3A_618 = arith.mulf %mul3A_609, %sub3A_617 : vector<16xf32>
      %mul3A_619 = arith.mulf %select_n3A_562, %mul3A_618 : vector<16xf32>
      %bitcast_convert_type3A_620 = tpu.bitcast %select_n3A_567 : vector<16xf32> -> vector<16xi32>
      %shift_right_arithmetic3A_621 = arith.constant 1 : i32
      %shift_right_arithmetic3A_622 = vector.broadcast %shift_right_arithmetic3A_621 : i32 to vector<16xi32>
      %shift_right_arithmetic3A_623 = arith.shrsi %bitcast_convert_type3A_620, %shift_right_arithmetic3A_622 : vector<16xi32>
      %sub3A_624 = arith.constant 1597463007 : i32
      %sub3A_625 = vector.broadcast %sub3A_624 : i32 to vector<16xi32>
      %sub3A_626 = arith.subi %sub3A_625, %shift_right_arithmetic3A_623 : vector<16xi32>
      %bitcast_convert_type3A_627 = tpu.bitcast %sub3A_626 : vector<16xi32> -> vector<16xf32>
      %mul3A_628 = arith.constant 5.000000e-01 : f32
      %mul3A_629 = vector.broadcast %mul3A_628 : f32 to vector<16xf32>
      %mul3A_630 = arith.mulf %mul3A_629, %select_n3A_567 : vector<16xf32>
      %mul3A_631 = arith.mulf %mul3A_630, %bitcast_convert_type3A_627 : vector<16xf32>
      %mul3A_632 = arith.mulf %mul3A_631, %bitcast_convert_type3A_627 : vector<16xf32>
      %sub3A_633 = arith.constant 1.500000e+00 : f32
      %sub3A_634 = vector.broadcast %sub3A_633 : f32 to vector<16xf32>
      %sub3A_635 = arith.subf %sub3A_634, %mul3A_632 : vector<16xf32>
      %mul3A_636 = arith.mulf %bitcast_convert_type3A_627, %sub3A_635 : vector<16xf32>
      %mul3A_637 = arith.constant 5.000000e-01 : f32
      %mul3A_638 = vector.broadcast %mul3A_637 : f32 to vector<16xf32>
      %mul3A_639 = arith.mulf %mul3A_638, %select_n3A_567 : vector<16xf32>
      %mul3A_640 = arith.mulf %mul3A_639, %mul3A_636 : vector<16xf32>
      %mul3A_641 = arith.mulf %mul3A_640, %mul3A_636 : vector<16xf32>
      %sub3A_642 = arith.constant 1.500000e+00 : f32
      %sub3A_643 = vector.broadcast %sub3A_642 : f32 to vector<16xf32>
      %sub3A_644 = arith.subf %sub3A_643, %mul3A_641 : vector<16xf32>
      %mul3A_645 = arith.mulf %mul3A_636, %sub3A_644 : vector<16xf32>
      %mul3A_646 = arith.constant 5.000000e-01 : f32
      %mul3A_647 = vector.broadcast %mul3A_646 : f32 to vector<16xf32>
      %mul3A_648 = arith.mulf %mul3A_647, %select_n3A_567 : vector<16xf32>
      %mul3A_649 = arith.mulf %mul3A_648, %mul3A_645 : vector<16xf32>
      %mul3A_650 = arith.mulf %mul3A_649, %mul3A_645 : vector<16xf32>
      %sub3A_651 = arith.constant 1.500000e+00 : f32
      %sub3A_652 = vector.broadcast %sub3A_651 : f32 to vector<16xf32>
      %sub3A_653 = arith.subf %sub3A_652, %mul3A_650 : vector<16xf32>
      %mul3A_654 = arith.mulf %mul3A_645, %sub3A_653 : vector<16xf32>
      %mul3A_655 = arith.constant 5.000000e-01 : f32
      %mul3A_656 = vector.broadcast %mul3A_655 : f32 to vector<16xf32>
      %mul3A_657 = arith.mulf %mul3A_656, %select_n3A_567 : vector<16xf32>
      %mul3A_658 = arith.mulf %mul3A_657, %mul3A_654 : vector<16xf32>
      %mul3A_659 = arith.mulf %mul3A_658, %mul3A_654 : vector<16xf32>
      %sub3A_660 = arith.constant 1.500000e+00 : f32
      %sub3A_661 = vector.broadcast %sub3A_660 : f32 to vector<16xf32>
      %sub3A_662 = arith.subf %sub3A_661, %mul3A_659 : vector<16xf32>
      %mul3A_663 = arith.mulf %mul3A_654, %sub3A_662 : vector<16xf32>
      %mul3A_664 = arith.mulf %select_n3A_567, %mul3A_663 : vector<16xf32>
      %sub3A_665 = arith.subf %mul3A_619, %mul3A_664 : vector<16xf32>
      %mul3A_666 = arith.mulf %sub3A_665, %sub3A_665 : vector<16xf32>
      %add3A_667 = arith.addf %add3A_576, %mul3A_666 : vector<16xf32>
      %bitcast_convert_type3A_668 = tpu.bitcast %select_n3A_563 : vector<16xf32> -> vector<16xi32>
      %shift_right_arithmetic3A_669 = arith.constant 1 : i32
      %shift_right_arithmetic3A_670 = vector.broadcast %shift_right_arithmetic3A_669 : i32 to vector<16xi32>
      %shift_right_arithmetic3A_671 = arith.shrsi %bitcast_convert_type3A_668, %shift_right_arithmetic3A_670 : vector<16xi32>
      %sub3A_672 = arith.constant 1597463007 : i32
      %sub3A_673 = vector.broadcast %sub3A_672 : i32 to vector<16xi32>
      %sub3A_674 = arith.subi %sub3A_673, %shift_right_arithmetic3A_671 : vector<16xi32>
      %bitcast_convert_type3A_675 = tpu.bitcast %sub3A_674 : vector<16xi32> -> vector<16xf32>
      %mul3A_676 = arith.constant 5.000000e-01 : f32
      %mul3A_677 = vector.broadcast %mul3A_676 : f32 to vector<16xf32>
      %mul3A_678 = arith.mulf %mul3A_677, %select_n3A_563 : vector<16xf32>
      %mul3A_679 = arith.mulf %mul3A_678, %bitcast_convert_type3A_675 : vector<16xf32>
      %mul3A_680 = arith.mulf %mul3A_679, %bitcast_convert_type3A_675 : vector<16xf32>
      %sub3A_681 = arith.constant 1.500000e+00 : f32
      %sub3A_682 = vector.broadcast %sub3A_681 : f32 to vector<16xf32>
      %sub3A_683 = arith.subf %sub3A_682, %mul3A_680 : vector<16xf32>
      %mul3A_684 = arith.mulf %bitcast_convert_type3A_675, %sub3A_683 : vector<16xf32>
      %mul3A_685 = arith.constant 5.000000e-01 : f32
      %mul3A_686 = vector.broadcast %mul3A_685 : f32 to vector<16xf32>
      %mul3A_687 = arith.mulf %mul3A_686, %select_n3A_563 : vector<16xf32>
      %mul3A_688 = arith.mulf %mul3A_687, %mul3A_684 : vector<16xf32>
      %mul3A_689 = arith.mulf %mul3A_688, %mul3A_684 : vector<16xf32>
      %sub3A_690 = arith.constant 1.500000e+00 : f32
      %sub3A_691 = vector.broadcast %sub3A_690 : f32 to vector<16xf32>
      %sub3A_692 = arith.subf %sub3A_691, %mul3A_689 : vector<16xf32>
      %mul3A_693 = arith.mulf %mul3A_684, %sub3A_692 : vector<16xf32>
      %mul3A_694 = arith.constant 5.000000e-01 : f32
      %mul3A_695 = vector.broadcast %mul3A_694 : f32 to vector<16xf32>
      %mul3A_696 = arith.mulf %mul3A_695, %select_n3A_563 : vector<16xf32>
      %mul3A_697 = arith.mulf %mul3A_696, %mul3A_693 : vector<16xf32>
      %mul3A_698 = arith.mulf %mul3A_697, %mul3A_693 : vector<16xf32>
      %sub3A_699 = arith.constant 1.500000e+00 : f32
      %sub3A_700 = vector.broadcast %sub3A_699 : f32 to vector<16xf32>
      %sub3A_701 = arith.subf %sub3A_700, %mul3A_698 : vector<16xf32>
      %mul3A_702 = arith.mulf %mul3A_693, %sub3A_701 : vector<16xf32>
      %mul3A_703 = arith.constant 5.000000e-01 : f32
      %mul3A_704 = vector.broadcast %mul3A_703 : f32 to vector<16xf32>
      %mul3A_705 = arith.mulf %mul3A_704, %select_n3A_563 : vector<16xf32>
      %mul3A_706 = arith.mulf %mul3A_705, %mul3A_702 : vector<16xf32>
      %mul3A_707 = arith.mulf %mul3A_706, %mul3A_702 : vector<16xf32>
      %sub3A_708 = arith.constant 1.500000e+00 : f32
      %sub3A_709 = vector.broadcast %sub3A_708 : f32 to vector<16xf32>
      %sub3A_710 = arith.subf %sub3A_709, %mul3A_707 : vector<16xf32>
      %mul3A_711 = arith.mulf %mul3A_702, %sub3A_710 : vector<16xf32>
      %mul3A_712 = arith.mulf %select_n3A_563, %mul3A_711 : vector<16xf32>
      %bitcast_convert_type3A_713 = tpu.bitcast %select_n3A_568 : vector<16xf32> -> vector<16xi32>
      %shift_right_arithmetic3A_714 = arith.constant 1 : i32
      %shift_right_arithmetic3A_715 = vector.broadcast %shift_right_arithmetic3A_714 : i32 to vector<16xi32>
      %shift_right_arithmetic3A_716 = arith.shrsi %bitcast_convert_type3A_713, %shift_right_arithmetic3A_715 : vector<16xi32>
      %sub3A_717 = arith.constant 1597463007 : i32
      %sub3A_718 = vector.broadcast %sub3A_717 : i32 to vector<16xi32>
      %sub3A_719 = arith.subi %sub3A_718, %shift_right_arithmetic3A_716 : vector<16xi32>
      %bitcast_convert_type3A_720 = tpu.bitcast %sub3A_719 : vector<16xi32> -> vector<16xf32>
      %mul3A_721 = arith.constant 5.000000e-01 : f32
      %mul3A_722 = vector.broadcast %mul3A_721 : f32 to vector<16xf32>
      %mul3A_723 = arith.mulf %mul3A_722, %select_n3A_568 : vector<16xf32>
      %mul3A_724 = arith.mulf %mul3A_723, %bitcast_convert_type3A_720 : vector<16xf32>
      %mul3A_725 = arith.mulf %mul3A_724, %bitcast_convert_type3A_720 : vector<16xf32>
      %sub3A_726 = arith.constant 1.500000e+00 : f32
      %sub3A_727 = vector.broadcast %sub3A_726 : f32 to vector<16xf32>
      %sub3A_728 = arith.subf %sub3A_727, %mul3A_725 : vector<16xf32>
      %mul3A_729 = arith.mulf %bitcast_convert_type3A_720, %sub3A_728 : vector<16xf32>
      %mul3A_730 = arith.constant 5.000000e-01 : f32
      %mul3A_731 = vector.broadcast %mul3A_730 : f32 to vector<16xf32>
      %mul3A_732 = arith.mulf %mul3A_731, %select_n3A_568 : vector<16xf32>
      %mul3A_733 = arith.mulf %mul3A_732, %mul3A_729 : vector<16xf32>
      %mul3A_734 = arith.mulf %mul3A_733, %mul3A_729 : vector<16xf32>
      %sub3A_735 = arith.constant 1.500000e+00 : f32
      %sub3A_736 = vector.broadcast %sub3A_735 : f32 to vector<16xf32>
      %sub3A_737 = arith.subf %sub3A_736, %mul3A_734 : vector<16xf32>
      %mul3A_738 = arith.mulf %mul3A_729, %sub3A_737 : vector<16xf32>
      %mul3A_739 = arith.constant 5.000000e-01 : f32
      %mul3A_740 = vector.broadcast %mul3A_739 : f32 to vector<16xf32>
      %mul3A_741 = arith.mulf %mul3A_740, %select_n3A_568 : vector<16xf32>
      %mul3A_742 = arith.mulf %mul3A_741, %mul3A_738 : vector<16xf32>
      %mul3A_743 = arith.mulf %mul3A_742, %mul3A_738 : vector<16xf32>
      %sub3A_744 = arith.constant 1.500000e+00 : f32
      %sub3A_745 = vector.broadcast %sub3A_744 : f32 to vector<16xf32>
      %sub3A_746 = arith.subf %sub3A_745, %mul3A_743 : vector<16xf32>
      %mul3A_747 = arith.mulf %mul3A_738, %sub3A_746 : vector<16xf32>
      %mul3A_748 = arith.constant 5.000000e-01 : f32
      %mul3A_749 = vector.broadcast %mul3A_748 : f32 to vector<16xf32>
      %mul3A_750 = arith.mulf %mul3A_749, %select_n3A_568 : vector<16xf32>
      %mul3A_751 = arith.mulf %mul3A_750, %mul3A_747 : vector<16xf32>
      %mul3A_752 = arith.mulf %mul3A_751, %mul3A_747 : vector<16xf32>
      %sub3A_753 = arith.constant 1.500000e+00 : f32
      %sub3A_754 = vector.broadcast %sub3A_753 : f32 to vector<16xf32>
      %sub3A_755 = arith.subf %sub3A_754, %mul3A_752 : vector<16xf32>
      %mul3A_756 = arith.mulf %mul3A_747, %sub3A_755 : vector<16xf32>
      %mul3A_757 = arith.mulf %select_n3A_568, %mul3A_756 : vector<16xf32>
      %sub3A_758 = arith.subf %mul3A_712, %mul3A_757 : vector<16xf32>
      %mul3A_759 = arith.mulf %sub3A_758, %sub3A_758 : vector<16xf32>
      %add3A_760 = arith.addf %add3A_667, %mul3A_759 : vector<16xf32>
      %mul3A_761 = arith.constant 2.000000e+00 : f32
      %mul3A_762 = vector.broadcast %mul3A_761 : f32 to vector<16xf32>
      %mul3A_763 = arith.mulf %mul3A_762, %mul3A_571 : vector<16xf32>
      %add3A_764 = arith.addf %add3A_760, %mul3A_763 : vector<16xf32>
      %add3A_765 = arith.addf %add3A_764, %add3A_353 : vector<16xf32>
      %mul3A_766 = arith.mulf %select_n3A_440, %add3A_765 : vector<16xf32>
      %mul3A_767 = arith.mulf %select_n3A_447, %add3A_452 : vector<16xf32>
      %add3A_768 = arith.addf %mul3A_766, %mul3A_767 : vector<16xf32>
      %add3A_769 = arith.addf %scan3A_133, %add3A_768 : vector<16xf32>
      scf.yield %add3A_769 : vector<16xf32>
    }
    %scan3A_95 = arith.constant 8 : i32
    %add3A_96 = arith.constant 384 : i32
    %add3A_97 = arith.addi %add3A, %add3A_96 : i32
    %lt3A = arith.constant 392 : i32
    %lt3A_98 = arith.cmpi slt, %add3A_97, %lt3A : i32
    %jit3A_99 = arith.constant 0.000000e+00 : f32
    %broadcast_in_dim3A_100 = vector.broadcast %jit3A_99 : f32 to vector<16xf32>
    %select_n3A_101 = arith.select %lt3A_98, %scan3A_94, %broadcast_in_dim3A_100 : vector<16xf32>
    %add3A_102 = arith.addf %scan3A_67, %select_n3A_101 : vector<16xf32>
    %swap3A = arith.constant 0 : index
    %swap3A_103 = tpu.vector_load %arg9[%swap3A] {strides = array<i32>} : memref<128xf32, #tpu.memory_space<vmem>>, vector<16xf32>,
    tpu.vector_store %arg9[%swap3A], %add3A_102 {strides = array<i32>} : memref<128xf32, #tpu.memory_space<vmem>>, vector<16xf32>,
    %broadcast_in_dim3A_104 = arith.constant 0.000000e+00 : f32
    %broadcast_in_dim3A_105 = vector.broadcast %broadcast_in_dim3A_104 : f32 to vector<16xf32>
    %swap3A_106 = arith.constant 16 : index
    %swap3A_107 = tpu.vector_load %arg9[%swap3A_106] {strides = array<i32>} : memref<128xf32, #tpu.memory_space<vmem>>, vector<16xf32>,
    tpu.vector_store %arg9[%swap3A_106], %broadcast_in_dim3A_105 {strides = array<i32>} : memref<128xf32, #tpu.memory_space<vmem>>, vector<16xf32>,
    %broadcast_in_dim3A_108 = arith.constant 0.000000e+00 : f32
    %broadcast_in_dim3A_109 = vector.broadcast %broadcast_in_dim3A_108 : f32 to vector<16xf32>
    %swap3A_110 = arith.constant 32 : index
    %swap3A_111 = tpu.vector_load %arg9[%swap3A_110] {strides = array<i32>} : memref<128xf32, #tpu.memory_space<vmem>>, vector<16xf32>,
    tpu.vector_store %arg9[%swap3A_110], %broadcast_in_dim3A_109 {strides = array<i32>} : memref<128xf32, #tpu.memory_space<vmem>>, vector<16xf32>,
    %broadcast_in_dim3A_112 = arith.constant 0.000000e+00 : f32
    %broadcast_in_dim3A_113 = vector.broadcast %broadcast_in_dim3A_112 : f32 to vector<16xf32>
    %swap3A_114 = arith.constant 48 : index
    %swap3A_115 = tpu.vector_load %arg9[%swap3A_114] {strides = array<i32>} : memref<128xf32, #tpu.memory_space<vmem>>, vector<16xf32>,
    tpu.vector_store %arg9[%swap3A_114], %broadcast_in_dim3A_113 {strides = array<i32>} : memref<128xf32, #tpu.memory_space<vmem>>, vector<16xf32>,
    %broadcast_in_dim3A_116 = arith.constant 0.000000e+00 : f32
    %broadcast_in_dim3A_117 = vector.broadcast %broadcast_in_dim3A_116 : f32 to vector<16xf32>
    %swap3A_118 = arith.constant 64 : index
    %swap3A_119 = tpu.vector_load %arg9[%swap3A_118] {strides = array<i32>} : memref<128xf32, #tpu.memory_space<vmem>>, vector<16xf32>,
    tpu.vector_store %arg9[%swap3A_118], %broadcast_in_dim3A_117 {strides = array<i32>} : memref<128xf32, #tpu.memory_space<vmem>>, vector<16xf32>,
    %broadcast_in_dim3A_120 = arith.constant 0.000000e+00 : f32
    %broadcast_in_dim3A_121 = vector.broadcast %broadcast_in_dim3A_120 : f32 to vector<16xf32>
    %swap3A_122 = arith.constant 80 : index
    %swap3A_123 = tpu.vector_load %arg9[%swap3A_122] {strides = array<i32>} : memref<128xf32, #tpu.memory_space<vmem>>, vector<16xf32>,
    tpu.vector_store %arg9[%swap3A_122], %broadcast_in_dim3A_121 {strides = array<i32>} : memref<128xf32, #tpu.memory_space<vmem>>, vector<16xf32>,
    %broadcast_in_dim3A_124 = arith.constant 0.000000e+00 : f32
    %broadcast_in_dim3A_125 = vector.broadcast %broadcast_in_dim3A_124 : f32 to vector<16xf32>
    %swap3A_126 = arith.constant 96 : index
    %swap3A_127 = tpu.vector_load %arg9[%swap3A_126] {strides = array<i32>} : memref<128xf32, #tpu.memory_space<vmem>>, vector<16xf32>,
    tpu.vector_store %arg9[%swap3A_126], %broadcast_in_dim3A_125 {strides = array<i32>} : memref<128xf32, #tpu.memory_space<vmem>>, vector<16xf32>,
    %broadcast_in_dim3A_128 = arith.constant 0.000000e+00 : f32
    %broadcast_in_dim3A_129 = vector.broadcast %broadcast_in_dim3A_128 : f32 to vector<16xf32>
    %swap3A_130 = arith.constant 112 : index
    %swap3A_131 = tpu.vector_load %arg9[%swap3A_130] {strides = array<i32>} : memref<128xf32, #tpu.memory_space<vmem>>, vector<16xf32>,
    tpu.vector_store %arg9[%swap3A_130], %broadcast_in_dim3A_129 {strides = array<i32>} : memref<128xf32, #tpu.memory_space<vmem>>, vector<16xf32>,
    "tpu.region"() ({
      %run_scoped3A = tpu.sem_alloc : memref<!tpu.dma_semaphore, #tpu.memory_space<semaphore_mem>>
      %dma_start3A_132 = arith.constant 0 : i32
      %dma_start3A_133 = tpu.memref_slice %arg4[%add3A, %dma_start3A_132] : memref<32x128xf32, #tpu.memory_space<hbm>> -> memref<1x128xf32, #tpu.memory_space<hbm>>
      %dma_start3A_134 = tpu.memref_squeeze %dma_start3A_133 : memref<1x128xf32, #tpu.memory_space<hbm>> -> memref<128xf32, #tpu.memory_space<hbm>>
      %dma_start3A_135 = arith.constant 0 : i32
      %dma_start3A_136 = tpu.memref_slice %arg4[%add3A, %dma_start3A_135] : memref<32x128xf32, #tpu.memory_space<hbm>> -> memref<1x128xf32, #tpu.memory_space<hbm>>
      %dma_start3A_137 = tpu.memref_squeeze %dma_start3A_136 : memref<1x128xf32, #tpu.memory_space<hbm>> -> memref<128xf32, #tpu.memory_space<hbm>>
      tpu.enqueue_dma source(%arg9 : memref<128xf32, #tpu.memory_space<vmem>>) target(%dma_start3A_137 : memref<128xf32, #tpu.memory_space<hbm>>) target_semaphore(%run_scoped3A : memref<!tpu.dma_semaphore, #tpu.memory_space<semaphore_mem>>)
      %dma_wait3A_138 = arith.constant 0 : i32
      %dma_wait3A_139 = tpu.memref_slice %arg4[%add3A, %dma_wait3A_138] : memref<32x128xf32, #tpu.memory_space<hbm>> -> memref<1x128xf32, #tpu.memory_space<hbm>>
      %dma_wait3A_140 = tpu.memref_squeeze %dma_wait3A_139 : memref<1x128xf32, #tpu.memory_space<hbm>> -> memref<128xf32, #tpu.memory_space<hbm>>
      %dma_wait3A_141 = arith.constant 0 : i32
      %dma_wait3A_142 = tpu.memref_slice %arg4[%add3A, %dma_wait3A_141] : memref<32x128xf32, #tpu.memory_space<hbm>> -> memref<1x128xf32, #tpu.memory_space<hbm>>
      %dma_wait3A_143 = tpu.memref_squeeze %dma_wait3A_142 : memref<1x128xf32, #tpu.memory_space<hbm>> -> memref<128xf32, #tpu.memory_space<hbm>>
      tpu.wait_dma2 semaphore(%run_scoped3A : memref<!tpu.dma_semaphore, #tpu.memory_space<semaphore_mem>>) src(%arg9 : memref<128xf32, #tpu.memory_space<vmem>>) dst(%dma_wait3A_143 : memref<128xf32, #tpu.memory_space<hbm>>)
      tpu.yield
    }) : () -> ()
    return
  }
}

</mosaic_0001>

<sc_bundles>
// kernel: _sc_loss.3.cloned.1.call-start
scs
__scs_entry_jumppad:
0x0: {  	(pc) =	sbr.rel $0x88, $3  }
0x1: {  	(tag) =	ssettag $0x0;
	lr =	simm.s32 $0x1  }
0x2: {  	[smem:$0x3F9F] =	sst lr;
	_ =	strace $0xD0000000  }
0x3: {  	_ = 	snop  }
0x4: {  	_ = 	snop  }
0x5: {  	_ = 	snop  }
0x6: {  	_ = 	snop  }
0x7: {  	_ = 	snop  }
__scs_overlays_trampoline_lowered:
0x8: {  	[smem:$0x3FAE] =	sst s0  }
0x9: {  	[smem:$0x3FAF] =	sst s1  }
0xa: {  	[smem:$0x3FB0] =	sst s2  }
0xb: {  	[smem:$0x3FB1] =	sst s3  }
0xc: {  	[smem:$0x3FB2] =	sst s4  }
0xd: {  	[smem:$0x3FB3] =	sst s5  }
0xe: {  	[smem:$0x3FB4] =	sst s6  }
0xf: {  	[smem:$0x3FB5] =	sst s7  }
0x10: {  	[smem:$0x3FB6] =	sst s8  }
0x11: {  	[smem:$0x3FB7] =	sst s9;
	s0 =	simm.s32 @!p0 $0x0  }
0x12: {  	s1 =	sld [smem:$0x3F9D];
	s0 =	simm.s32 @p0 $0x1  }
0x13: {  	[smem:$0x3FB8] =	sst s0;
	s0 =	simm.s32 @!p1 $0x0  }
0x14: {  	s2 =	sld [smem:$0x3F9C];
	s0 =	simm.s32 @p1 $0x1  }
0x15: {  	[smem:$0x3FB9] =	sst s0;
	s0 =	simm.s32 @!p2 $0x0  }
0x16: {  	s3 =	sld [smem:$0x3FDB];
	s0 =	simm.s32 @p2 $0x1  }
0x17: {  	s4 =	simm.s32 $0x1BF5;
	[smem:$0x3FBB] =	sst s0  }
0x18: {  	s0 =	sld [smem:$0x3F9E];
	_ =	swait.ge [sflag:s4], $0x0  }
0x19: {  	s7 =	sld [smem:$0x3F9F]  }
0x1a: {  	s8 =	sadd.s32 $0xFFFFE003, lr  }
0x1b: {  	s9 =	sadd.s32 $0xFFFFFEF7, lr;
	s5 =	simm.s32 $0xFFFFFFFF;
	p2 =	slt.u32 s8, $0xFFFFF086  }
0x1c: {  	p1 =	slt.u32 s9, $0xF7A;
	s5 =	simm.s32 @!p2 $0x0  }
0x1d: {  	s5 =	simm.s32 @p1 $0x1;
	p0 =	seq.s32 s7, s2  }
0x1e: {  	s7 =	smul.u32 @!p0 $0xF7A, s2;
	p2 =	seq.s32 @!p0 s5, $0x0  }
0x1f: {  	s9 =	smul.u32 $0xF7A, s1;
	s8 =	simm.s32 @!p0 $0x1BF5;
	p2 =	por !p2, p0  }
0x20: {  	[sflag:s8] =	ssyncset.s32 @!p0 $0xFFFFF086;
	s6 =	sadd.s32 @!p0 s3, s7;
	s7 =	simm.s32 @!p0 $0x108  }
0x21: {  	s3 =	sadd.s32 s3, s9;
	s6 =	sadd.s32 @!p0 $0x88, s6;
	s7 =	simm.s32 @p2 $0x1082  }
0x22: {  	[simem:s7], [sflag:s8] =	dma.local @!p0 [hbm:s6], $0xF7A  }
0x23: {  	s9 =	sor.u32 $0xD0000000, s2;
	s6 =	simm.s32 $0x108;
	_ =	swait.ge @!p0 [sflag:s8], $0x0  }
0x24: {  	s3 =	sadd.s32 $0x88, s3;
	s6 =	simm.s32 @!p1 $0x1082;
	[sflag:s4] =	ssyncset.s32 $0xFFFFF086  }
0x25: {  	[simem:s6], [sflag:s4] =	dma.local [hbm:s3], $0xF7A  }
0x26: {  	[smem:$0x3F9F] =	sst s1;
	(tag) =	ssettag s2;
	_ =	strace s9  }
0x27: {  	s1 =	sld [smem:$0x3FAF]  }
0x28: {  	s2 =	sld [smem:$0x3FB0]  }
0x29: {  	s4 =	sld [smem:$0x3FB2]  }
0x2a: {  	p0 =	seq.s32 s5, $0x0;
	s5 =	sld [smem:$0x3FB3]  }
0x2b: {  	s6 =	sld [smem:$0x3FB4]  }
0x2c: {  	s7 =	sld [smem:$0x3FB5]  }
0x2d: {  	s3 =	simm.s32 $0x108;
	s8 =	sld [smem:$0x3FB6]  }
0x2e: {  	s3 =	simm.s32 @!p0 $0x1082;
	s9 =	sld [smem:$0x3FB7]  }
0x2f: {  	lr =	sadd.s32 s0, s3;
	s0 =	sld [smem:$0x3FAE]  }
0x30: {  	s3 =	sld [smem:$0x3FB1]  }
0x31: {  	[smem:$0x3FBA] =	sst s10  }
0x32: {  	s10 =	sld [smem:$0x3FB8];
	_ =	sdelay $0x3  }
0x33: {  	p0 =	seq.s32 s10, $0x1;
	s10 =	sld [smem:$0x3FBA];
	_ =	sdelay $0x3  }
0x34: {  	[smem:$0x3FBA] =	sst s10  }
0x35: {  	s10 =	sld [smem:$0x3FB9];
	_ =	sdelay $0x3  }
0x36: {  	p1 =	seq.s32 s10, $0x1;
	s10 =	sld [smem:$0x3FBA];
	_ =	sdelay $0x3  }
0x37: {  	[smem:$0x3FBA] =	sst s10  }
0x38: {  	s10 =	sld [smem:$0x3FBB]  }
0x39: {  	_ = 	snop;
	(pc) =	sbr.ind lr, $3  }
0x3a: {  	_ = 	snop  }
0x3b: {  	_ = 	snop  }
0x3c: {  	p2 =	seq.s32 s10, $0x1;
	s10 =	sld [smem:$0x3FBA]  }
0x3d: {  	_ =	shalt  }
0x3e: {  	_ =	shalt  }
0x3f: {  	_ =	shalt  }
0x40: {  	_ =	shalt  }
0x41: {  	_ =	shalt  }
0x42: {  	_ =	shalt  }
0x43: {  	_ =	shalt  }
0x44: {  	_ =	shalt  }
0x45: {  	_ =	shalt  }
0x46: {  	_ =	shalt  }
0x47: {  	_ =	shalt  }
0x48: {  	_ =	shalt  }
0x49: {  	_ =	shalt  }
0x4a: {  	_ =	shalt  }
0x4b: {  	_ =	shalt  }
0x4c: {  	_ =	shalt  }
0x4d: {  	_ =	shalt  }
0x4e: {  	_ =	shalt  }
0x4f: {  	_ =	shalt  }
0x50: {  	_ =	shalt  }
0x51: {  	_ =	shalt  }
0x52: {  	_ =	shalt  }
0x53: {  	_ =	shalt  }
0x54: {  	_ =	shalt  }
0x55: {  	_ =	shalt  }
0x56: {  	_ =	shalt  }
0x57: {  	_ =	shalt  }
0x58: {  	_ =	shalt  }
0x59: {  	_ =	shalt  }
0x5a: {  	_ =	shalt  }
0x5b: {  	_ =	shalt  }
0x5c: {  	_ =	shalt  }
0x5d: {  	_ =	shalt  }
0x5e: {  	_ =	shalt  }
0x5f: {  	_ =	shalt  }
0x60: {  	_ =	shalt  }
0x61: {  	_ =	shalt  }
0x62: {  	_ =	shalt  }
0x63: {  	_ =	shalt  }
0x64: {  	_ =	shalt  }
0x65: {  	_ =	shalt  }
0x66: {  	_ =	shalt  }
0x67: {  	_ =	shalt  }
0x68: {  	_ =	shalt  }
0x69: {  	_ =	shalt  }
0x6a: {  	_ =	shalt  }
0x6b: {  	_ =	shalt  }
0x6c: {  	_ =	shalt  }
0x6d: {  	_ =	shalt  }
0x6e: {  	_ =	shalt  }
0x6f: {  	_ =	shalt  }
0x70: {  	_ =	shalt  }
0x71: {  	_ =	shalt  }
0x72: {  	_ =	shalt  }
0x73: {  	_ =	shalt  }
0x74: {  	_ =	shalt  }
0x75: {  	_ =	shalt  }
0x76: {  	_ =	shalt  }
0x77: {  	_ =	shalt  }
0x78: {  	_ =	shalt  }
0x79: {  	_ =	shalt  }
0x7a: {  	_ =	shalt  }
0x7b: {  	_ =	shalt  }
0x7c: {  	_ =	shalt  }
0x7d: {  	_ =	shalt  }
0x7e: {  	_ =	shalt  }
0x7f: {  	_ =	shalt  }
0x80: {  	_ =	shalt  }
0x81: {  	_ =	shalt  }
0x82: {  	_ =	shalt  }
0x83: {  	_ =	shalt  }
0x84: {  	_ =	shalt  }
0x85: {  	_ =	shalt  }
0x86: {  	_ =	shalt  }
0x87: {  	_ =	shalt  }
.Lfunc_end0:
.L_simem_size_0:
called_computation_lowered:
.L_overlay_start_0:
0x88: {  	s2 =	sld [smem:$0x3FD9]  }
0x89: {  	s3 =	sld [smem:$0x3FFE];
	_ =	sdelay $0x1  }
0x8a: {  	s1 =	srdreg.scid  }
0x8b: {  	s0 =	sand.u32 $0x1, s1  }
0x8c: {  	s18 =	sshll.u32 s0, $0xA;
	s2 =	sadd.s32 s3, s2  }
0x8d: {  	s2 =	sadd.s32 s2, s18  }
0x8e: {  	[smem:$0x3FC6] =	sst s2  }
0x8f: {  	_ = 	snop  }
0x90: {  	s2 =	sld [smem:$0x3FC9]  }
0x91: {  	s19 =	sld [smem:$0x3FC8]  }
0x92: {  	s4 =	sld [smem:$0x3FD0];
	(tm) =	ssettm $0x1  }
0x93: {  	s5 =	sld [smem:$0x3FFB];
	_ =	sdelay $0x3  }
0x94: {  	_ =	strace s5  }
0x95: {  	s5 =	sld [smem:$0x3FFC];
	_ =	sdelay $0x3  }
0x96: {  	_ =	strace s5  }
0x97: {  	s5 =	sld [smem:$0x3FFD];
	_ =	sdelay $0x3  }
0x98: {  	_ =	strace s5  }
0x99: {  	_ =	strace $0x8FFFFFFF  }
0x9a: {  	s20 =	sld [smem:$0x3FDB];
	_ =	sdelay $0x1  }
0x9b: {  	s6 =	simm.s32 $_scs_section_size  }
0x9c: {  	s7 =	simm.s32 $_size__tile_overlayer_lowered;
	s8 =	simm.s32 $_tile_overlayer_lowered  }
0x9d: {  	s23 =	simm.s32 $0x1BFF;
	s22 =	sshll.u32 s8, $0x1;
	s5 =	sadd.s32 s6, s20  }
0x9e: {  	s9 =	simm.s32 $0x0;
	s21 =	sshll.u32 s7, $0x1;
	s7 =	sadd.s32 s22, s5  }
0x9f: {  	[timem:s9], [sflag:s23] =	dma.local [hbm:s7], s21  }
0xa0: {  	_ =	swait.ge [sflag:s23], s21  }
0xa1: {  	s6 =	ssub.s32 $0x0, s21;
	[sflag:s23] =	ssyncset.done $0x0  }
0xa2: {  	[sflag:s23] =	ssyncadd.s32 s6;
	_ =	sdelay $0x1  }
0xa3: {  	s24 =	simm.s32 $0x1B8B  }
0xa4: {  	_ =	swait.ge [sflag:s24], $0x1  }
0xa5: {  	[sflag:s24] =	ssyncset.done $0x0  }
0xa6: {  	s25 =	simm.s32 $0x1B8E;
	[sflag:s24] =	ssyncadd.s32 $0xFFFFFFFF  }
0xa7: {  	s26 =	simm.s32 $execute0_lowered;
	[smem:$0x3FD2] =	sst s25  }
0xa8: {  	s6 =	sshll.u32 s26, $0x1;
	_ =	strace $0x80000046;
	[dreg:$0x1] =	wrdreg $0xFFFFFFFF  }
0xa9: {  	s28 =	simm.s32 $_size_execute0_lowered;
	s5 =	sadd.s32 s5, s6;
	[dreg:$0x0] =	wrdreg $0x0  }
0xaa: {  	s6 =	sshll.u32 s28, $0x1;
	[dreg:$0x2] =	wrdreg s5  }
0xab: {  	[dreg:$0x3] =	wrdreg s6  }
0xac: {  	[dreg:$0x4] =	wrdreg $0xC0  }
0xad: {  	_ =	task [dreg:s9], $0x5FFFF  }
0xae: {  	[dreg:$0x1] =	wrdreg $0xFFFFFFFF  }
0xaf: {  	[dreg:$0x0] =	wrdreg $0x60  }
0xb0: {  	[dreg:$0x2] =	wrdreg s2  }
0xb1: {  	[dreg:$0x3] =	wrdreg s19  }
0xb2: {  	[dreg:$0x4] =	wrdreg s4  }
0xb3: {  	[dreg:$0x5] =	wrdreg $0x9  }
0xb4: {  	_ =	task.clear_ibuf [dreg:s9], $0x6FFFF;
	_ =	strace $0x90000046  }
0xb5: {  	s29 =	simm.s32 $0x9;
	_ =	strace $0x80000048  }
0xb6: {  	_ =	swait.ge [sflag:s29], $0x1  }
0xb7: {  	[sflag:s29] =	ssyncadd.s32 $0xFFFFFFFF  }
0xb8: {  	_ =	strace $0x90000048  }
0xb9: {  	_ =	sfence  }
0xba: {  	s30 =	sld [smem:$0x0];
	_ =	sdelay $0x2  }
0xbb: {  	s31 =	sshll.u32 s1, $0xD;
	s1 =	sshrl.u32 s1, $0x2  }
0xbc: {  	s3 =	sand.u32 $0x4000, s31;
	s1 =	sadd.s32 s1, s30  }
0xbd: {  	s0 =	sor.u32 s3, s0;
	s1 =	sshll.u32 s1, $0x11  }
0xbe: {  	s0 =	sor.u32 s1, s0  }
0xbf: {  	s0 =	sadd.s32 $0x8F2B, s0  }
0xc0: {  	[sflag:s0] =	ssyncadd.remote.s32 $0x1  }
0xc1: {  	_ =	sfence.sel $0xFFFF  }
0xc2: {  	[dreg:$0x0] =	wrdreg $0xFFFFFFFF;
	(pc) =	sbr.abs _section_cstart, $3  }
0xc3: {  	[dreg:$0x1] =	wrdreg $0xFFFFFFFF  }
0xc4: {  	_ =	task.clear_ibuf [dreg:s9], $0x2FFFF;
	_ =	strace $0x9FFFFFFF  }
0xc5: {  	(tm) =	ssettm $0x7FFFFFFF  }
tec
execute0_lowered:
.L_overlay_start_1:
0x0: {  	(tag) =	ssettag $0x1  }
0x1: {  	s1 =	rddreg [dreg:$0x0]  }
0x2: {  	s3 =	rddreg [dreg:$0x1];
	s0 =	srdreg.scid  }
0x3: {  	s8 =	stileid.u32;
	s2 =	rddreg [dreg:$0x2];
	s5 =	simm.s32 $0xFFFFFFF2  }
0x4: {  	s13 =	simm.s32 $0x400;
	s14 =	simm.s32 $0x800;
	s15 =	simm.s32 $0xC00  }
0x5: {  	s16 =	simm.s32 $0x1000;
	s17 =	simm.s32 $0x1C00;
	s18 =	simm.s32 $0x1  }
0x6: {  	s19 =	simm.s32 $0x2;
	s20 =	simm.s32 $0x2000;
	s21 =	simm.s32 $0x2C00  }
0x7: {  	s22 =	simm.s32 $0x3000;
	s23 =	simm.s32 $0x3C00;
	s24 =	simm.s32 $0x3  }
0x8: {  	s28 =	simm.s32 $0x5;
	s29 =	simm.s32 $0x0;
	s0 =	sand.u32 $0x1, s0  }
0x9: {  	s4 =	sshll.u32 s8, $0x1;
	p0 =	sgt.u32 s8, $0xD;
	s6 =	sshll.u32 s8, $0xB  }
0xa: {  	s12 =	sor.u32 s0, s4;
	s4 =	simm.s32 $0x1C000;
	s5 =	simm.s32 @!p0 $0x0  }
0xb: {  	s0 =	ssub.s32 $0x2, s0;
	s4 =	simm.s32 @!p0 $0x0;
	s5 =	sadd.s32 s8, s5  }
0xc: {  	s7 =	sshll.u32 s12, $0xA;
	s25 =	sshrl.u32 s0, $0x1;
	s6 =	ssub.s32 s4, s6  }
0xd: {  	s10 =	sshll.u32 s12, $0x4;
	s5 =	sshll.u32 s5, $0xD;
	s6 =	sadd.s32 s7, s6  }
0xe: {  	s9 =	sor.u32 $0x40, s12;
	s12 =	sor.u32 $0x20, s12;
	s5 =	sadd.s32 s5, s6  }
0xf: {  	p0 =	slt.u32 s8, $0x4;
	s4 =	simm.s32 $0x0;
	s26 =	sshrl.u32 s5, $0x3  }
0x10: {  	s0 =	ssub.s32 s0, s25;
	s10 =	sadd.s32 s2, s10;
	s5 =	sadd.s32 s1, s26  }
0x11: {  	[smem:$0x7FF] =	sst s4;
	s6 =	sadd.s32 s3, s26;
	s30 =	sadd.s32 $0x300, s5  }
0x12: {  	_ =	strace $0x80000047;
	s31 =	sadd.s32 $0x300, s6;
	[dreg:$0x4] =	wrdreg s30  }
0x13: {  	v0 =	vimm.f32 $0.0e+00;
	s25 =	simm.s32 $0x4;
	s11 =	smax.u32 s0, $0x1;
	[dreg:$0x5] =	wrdreg s31  }
.LBB2_1:
0x14: {  	[tilespmem:s4], [sflag:$0x1] =	stream.strided.gather [hbm4b:s5+s13], $0xC00, s14, s13, $0x38;
	[tilespmem:$0x4080] =	vst v63  }
0x15: {  	s0 =	rddreg [dreg:$0x4]  }
0x16: {  	[tilespmem:s15], [sflag:$0x1] =	stream.linear.gather [hbm4b:s0+s4], $0x300, $0x38;
	[tilespmem:$0x4080] =	vst v63  }
0x17: {  	_ = 	snop  }
0x18: {  	[tilespmem:s16], [sflag:$0x2] =	stream.strided.gather [hbm4b:s6+s13], $0xC00, s14, s13, $0x38;
	[tilespmem:$0x4080] =	vst v63  }
0x19: {  	s31 =	rddreg [dreg:$0x5];
	s30 =	simm.s32 $0x0  }
0x1a: {  	v1 =	vimm.f32 $0.0e+00;
	[tilespmem:s17], [sflag:$0x2] =	stream.linear.gather [hbm4b:s31+s4], $0x300, $0x38;
	[tilespmem:$0x4080] =	vst v63  }
.LBB2_2:
0x1b: {  	s31 =	sshll.u32 s30, $0x6  }
0x1c: {  	s0 =	sor.u32 s12, s31  }
0x1d: {  	s2 =	smulhi.u32 $0x92492493, s0;
	_ =	sdelay $0x1  }
0x1e: {  	s2 =	sshrl.u32 s2, $0x4  }
0x1f: {  	_ =	swait.ge [sflag:s18], $0xF00;
	s7 =	sshrl.u32 s0, $0x1;
	s26 =	smul.u32 $0xFFFFFFF2, s2  }
0x20: {  	s0 =	sshll.u32 s0, $0xA;
	s8 =	sshll.u32 s7, $0xB;
	s2 =	smul.u32 $0x1C000, s2  }
0x21: {  	[sflag:s18] =	ssyncset.done $0x0;
	s0 =	ssub.s32 s0, s8;
	s7 =	sadd.s32 s7, s26  }
0x22: {  	[sflag:s18] =	ssyncadd.s32 $0xFFFFF100;
	s0 =	sadd.s32 s2, s0;
	s7 =	sshll.u32 s7, $0xD  }
0x23: {  	_ =	swait.ge [sflag:s19], $0xF00;
	s0 =	sadd.s32 s7, s0  }
0x24: {  	[sflag:s19] =	ssyncset.done $0x0;
	s0 =	sshrl.u32 s0, $0x3  }
0x25: {  	[sflag:s19] =	ssyncadd.s32 $0xFFFFF100;
	s8 =	sadd.s32 s1, s0  }
0x26: {  	[tilespmem:s20], [sflag:$0x3] =	stream.strided.gather [hbm4b:s8+s13], $0xC00, s14, s13, $0x38;
	[tilespmem:$0x4080] =	vst v63  }
0x27: {  	s2 =	sadd.s32 $0x300, s8  }
0x28: {  	[tilespmem:s21], [sflag:$0x3] =	stream.linear.gather [hbm4b:s2+s4], $0x300, $0x38;
	[tilespmem:$0x4080] =	vst v63  }
0x29: {  	s0 =	sadd.s32 s3, s0  }
0x2a: {  	[tilespmem:s22], [sflag:$0x4] =	stream.strided.gather [hbm4b:s0+s13], $0xC00, s14, s13, $0x38;
	[tilespmem:$0x4080] =	vst v63  }
0x2b: {  	s26 =	simm.s32 $0xFFFFFF80;
	s0 =	sadd.s32 $0x300, s0  }
0x2c: {  	[tilespmem:s23], [sflag:$0x4] =	stream.linear.gather [hbm4b:s0+s4], $0x300, $0x38;
	[tilespmem:$0x4080] =	vst v63  }
0x2d: {  	v19 =	vld [tilespmem:s26+$0x180]  }
0x2e: {  	v20 =	vld [tilespmem:s26+$0x200]  }
0x2f: {  	v10 =	vld [tilespmem:s26+$0x1180]  }
0x30: {  	v21 =	vld [tilespmem:s26+$0x1200]  }
0x31: {  	v12 =	vld [tilespmem:s26+$0xE80]  }
0x32: {  	v17 =	vld [tilespmem:s26+$0x1E80]  }
0x33: {  	v3 =	vld [tilespmem:s26+$0x280]  }
0x34: {  	v14 =	vld [tilespmem:s26+$0x1280]  }
0x35: {  	v25 =	vld [tilespmem:s26+$0xD80]  }
0x36: {  	v26 =	vld [tilespmem:s26+$0x1D80]  }
0x37: {  	v27 =	vld [tilespmem:s26+$0xD00]  }
0x38: {  	v28 =	vld [tilespmem:s26+$0x1D00]  }
0x39: {  	v29 =	vld [tilespmem:s26+$0xC80]  }
0x3a: {  	v5 =	vld [tilespmem:s26+$0x1080]  }
0x3b: {  	v11 =	vld [tilespmem:s26+$0x1100]  }
0x3c: {  	v30 =	vld [tilespmem:s26+$0x1C80]  }
0x3d: {  	v33 =	vld [tilespmem:s26+$0x400]  }
0x3e: {  	v31 =	vld [tilespmem:s26+$0xC00]  }
0x3f: {  	v18 =	vld [tilespmem:s26+$0x80]  }
0x40: {  	v13 =	vld [tilespmem:s26+$0x100]  }
0x41: {  	v34 =	vld [tilespmem:s26+$0x480]  }
0x42: {  	v32 =	vld [tilespmem:s26+$0x1C00];
	v2 =	vmul.f32 v21, v10;
	v6 =	vmul.f32 v20, v19  }
0x43: {  	v22 =	vld [tilespmem:s26+$0x300];
	v7 =	vmul.f32 $5.000000000e-01, v10;
	v8 =	vmul.f32 $5.000000000e-01, v21  }
0x44: {  	v16 =	vld [tilespmem:s26+$0x380];
	v9 =	vmul.f32 $5.000000000e-01, v19;
	v23 =	vadd.f32 v2, v6  }
0x45: {  	v35 =	vld [tilespmem:s26+$0xB80];
	v24 =	vmul.f32 $5.000000000e-01, v20;
	v6 =	vsub.f32 v5, v7;
	v36 =	vsub.f32 v11, v8  }
0x46: {  	v37 =	vld [tilespmem:s26+$0x1B80];
	v38 =	vmul.f32 $5.000000000e-01, v33;
	v7 =	vadd.f32 v7, v5;
	v8 =	vadd.f32 v8, v11  }
0x47: {  	v40 =	vld [tilespmem:s26+$0xA80];
	v42 =	vmul.f32 $5.000000000e-01, v34;
	v39 =	vsub.f32 v18, v9;
	v41 =	vsub.f32 v13, v24  }
0x48: {  	v43 =	vld [tilespmem:s26+$0x1A80];
	v9 =	vadd.f32 v9, v18;
	v24 =	vadd.f32 v24, v13  }
0x49: {  	v45 =	vld [tilespmem:s26+$0x900];
	v48 =	vmul.f32 v34, v33;
	v44 =	vsub.f32 v22, v38;
	v46 =	vsub.f32 v16, v42  }
0x4a: {  	v47 =	vld [tilespmem:s26+$0x1900];
	v38 =	vadd.f32 v38, v22;
	v42 =	vadd.f32 v42, v16;
	v39 =	vmax.f32 v39, v6  }
0x4b: {  	v49 =	vld [tilespmem:s26+$0x780];
	v41 =	vmax.f32 v41, v36;
	v9 =	vmin.f32 v9, v7;
	v24 =	vmin.f32 v24, v8  }
0x4c: {  	v50 =	vld [tilespmem:s26+$0x1780];
	v44 =	vmax.f32 v44, v6;
	v36 =	vmax.f32 v46, v36;
	v7 =	vmin.f32 v38, v7  }
0x4d: {  	v51 =	vld [tilespmem:s26+$0x680];
	vm0 =	vlt.f32 v9, v39;
	vm1 =	vlt.f32 v24, v41;
	v9 =	vmin.f32 v42, v8  }
0x4e: {  	v58 =	vld [tilespmem:s26+$0x1580];
	vm0 =	vmand vm0, vm1;
	vm1 =	vlt.f32 v7, v44;
	vm2 =	vlt.f32 v9, v36  }
0x4f: {  	v60 =	vld [tilespmem:s26+$0x600];
	v24 =	vadd.f32 v2, v48;
	v38 =	vsel vm0, $0x3F800000, v0;
	vm0 =	vmand vm1, vm2  }
0x50: {  	v62 =	vld [tilespmem:s26+$0x1600];
	v56 =	vsub.f32 v23, v38;
	v39 =	vsel vm0, $0x3F800000, v0  }
0x51: {  	v54 =	vld [tilespmem:s26+$0x700];
	v57 =	vsub.f32 v24, v39  }
0x52: {  	v63 =	vld [tilespmem:s26+$0x1700];
	v59 =	vsub.f32 v12, v17;
	(erf) = vrcp.f32 v56  }
0x53: {  	v61 =	vsub.f32 v27, v28;
	v26 =	vsub.f32 v25, v26;
	v41 =	vld [tilespmem:s26+$0x580];
	(erf) = vrcp.f32 v57  }
0x54: {  	v53 =	vld [tilespmem:s26+$0x1680];
	v31 =	vsub.f32 v31, v32;
	v29 =	vsub.f32 v29, v30  }
0x55: {  	s2 =	simm.s32 $0xFFFFFF90;
	v55 =	vld [tilespmem:s26+$0x1880];
	v37 =	vsub.f32 v35, v37;
	v40 =	vsub.f32 v40, v43  }
0x56: {  	v45 =	vsub.f32 v45, v47;
	v28 =	vmul.f32 v26, v26;
	v32 =	vmul.f32 v59, v59;
	v6 =	vld [tilespmem:s2+$0x180]  }
0x57: {  	v43 =	vsub.f32 v54, v63;
	v35 =	vmul.f32 v61, v61;
	v26 =	vmul.f32 v37, v37;
	v8 =	vld [tilespmem:s2+$0x200]  }
0x58: {  	v31 =	vmul.f32 v31, v31;
	v42 =	vsub.f32 v60, v62;
	v7 =	vld [tilespmem:s2+$0x1180];
	v41 =	vsub.f32 v41, v58  }
0x59: {  	v43 =	vmul.f32 v43, v43;
	v9 =	vld [tilespmem:s2+$0x1200];
	v36 =	vmul.f32 v29, v29;
	v29 =	vsub.f32 v51, v53  }
0x5a: {  	v44 =	vld [tilespmem:s26+$0x880];
	vm1 =	veq.f32 v14, $0.0e+00;
	v57 =	vmul.f32 v42, v42;
	v56 =	vmul.f32 v41, v41  }
0x5b: {  	v59 =	vld [tilespmem:s26+$0x1480];
	vm0 =	vgt.f32 v14, $0.0e+00;
	v23 =	vsub.f32 v3, v14;
	v29 =	vmul.f32 v29, v29;
	v60 =	vpop (erf)  }
0x5c: {  	v61 =	vld [tilespmem:s26+$0x1400];
	v25 =	vmul.f32 $5.000000000e-01, v6;
	v52 =	vmul.f32 v8, v6;
	v37 =	vadd.f32 v57, v56;
	v62 =	vpop (erf)  }
0x5d: {  	v58 =	vsub.f32 v49, v50;
	v38 =	vmul.f32 v60, v38;
	v39 =	vmul.f32 v62, v39  }
0x5e: {  	v49 =	vmul.f32 v40, v40;
	v12 =	vmul.f32 v9, v7;
	v29 =	vadd.f32 v29, v37  }
0x5f: {  	v42 =	vsub.f32 v44, v55;
	v44 =	vmul.f32 v45, v45;
	vm2 =	vgt.f32 v39, v38  }
0x60: {  	v63 =	vmul.f32 v58, v58;
	v29 =	vadd.f32 v43, v29;
	v39 =	vsel vm2, v33, v19  }
0x61: {  	v37 =	vsel vm2, v34, v20;
	v38 =	vsel vm2, v59, v21;
	v40 =	vsel vm2, v61, v10  }
0x62: {  	v19 =	vld [tilespmem:s26+$0x800];
	v10 =	vshra.s32 v37, $0x1;
	v33 =	vmul.f32 $5.000000000e-01, v37;
	v21 =	vshra.s32 v39, $0x1  }
0x63: {  	v20 =	vld [tilespmem:s26+$0x1800];
	v57 =	vshra.s32 v38, $0x1;
	v45 =	vmul.f32 $5.000000000e-01, v38;
	v46 =	vmul.f32 $5.000000000e-01, v39  }
0x64: {  	v58 =	vshra.s32 v40, $0x1;
	v48 =	vmul.f32 $5.000000000e-01, v40;
	v21 =	vsub.s32 $0x5F3759DF, v21  }
0x65: {  	v50 =	vld [tilespmem:s26+$0xF00];
	v47 =	vsub.s32 $0x5F3759DF, v58;
	v34 =	vsub.s32 $0x5F3759DF, v57;
	v59 =	vmul.f32 v21, v46  }
0x66: {  	v43 =	vld [tilespmem:s26+$0x1F00];
	v10 =	vsub.s32 $0x5F3759DF, v10;
	v60 =	vmul.f32 v47, v48;
	v55 =	vmul.f32 v34, v45  }
0x67: {  	v56 =	vld [tilespmem:s26+$0x1A00];
	v29 =	vadd.f32 v63, v29;
	v61 =	vmul.f32 v10, v33;
	v51 =	vmul.f32 v21, v59  }
0x68: {  	v19 =	vsub.f32 v19, v20;
	v20 =	vld [tilespmem:s26+$0xA00];
	v53 =	vmul.f32 v47, v60;
	v63 =	vmul.f32 v34, v55  }
0x69: {  	v42 =	vmul.f32 v42, v42;
	v57 =	vld [tilespmem:s26+$0x1980];
	v62 =	vmul.f32 v10, v61;
	v51 =	vsub.f32 $1.500000000e+00, v51  }
0x6a: {  	v60 =	vld [tilespmem:s26+$0x980];
	v53 =	vsub.f32 $1.500000000e+00, v53;
	v19 =	vmul.f32 v19, v19;
	v54 =	vsub.f32 $1.500000000e+00, v63  }
0x6b: {  	v41 =	vsub.f32 v50, v43;
	v58 =	vsub.f32 $1.500000000e+00, v62;
	v62 =	vld [tilespmem:s26+$0x1E00];
	v21 =	vmul.f32 v21, v51  }
0x6c: {  	v43 =	vmul.f32 v47, v53;
	v19 =	vadd.f32 v19, v29;
	v29 =	vmul.f32 v34, v54;
	v34 =	vld [tilespmem:s26+$0xE00]  }
0x6d: {  	v30 =	vmul.f32 $5.000000000e-01, v7;
	v10 =	vmul.f32 v10, v58;
	v20 =	vsub.f32 v20, v56  }
0x6e: {  	v4 =	vld [tilespmem:s26+$0x500];
	v47 =	vmul.f32 v21, v46;
	v61 =	vmul.f32 v43, v48;
	v19 =	vadd.f32 v42, v19  }
0x6f: {  	v15 =	vld [tilespmem:s26+$0x1500];
	v59 =	vsub.f32 v60, v57;
	v63 =	vmul.f32 v10, v33;
	v58 =	vmul.f32 v29, v45  }
0x70: {  	v60 =	vld [tilespmem:s26+$0xB00];
	v47 =	vmul.f32 v47, v21;
	v50 =	vmul.f32 v61, v43;
	v19 =	vadd.f32 v44, v19  }
0x71: {  	v61 =	vld [tilespmem:s26+$0x1B00];
	v51 =	vmul.f32 v63, v10;
	v53 =	vmul.f32 v58, v29;
	v42 =	vsub.f32 v34, v62  }
0x72: {  	v54 =	vmul.f32 v59, v59;
	v47 =	vsub.f32 $1.500000000e+00, v47;
	v50 =	vsub.f32 $1.500000000e+00, v50  }
0x73: {  	v20 =	vmul.f32 v20, v20;
	v51 =	vsub.f32 $1.500000000e+00, v51;
	v53 =	vsub.f32 $1.500000000e+00, v53  }
0x74: {  	v19 =	vadd.f32 v54, v19;
	v62 =	vmul.f32 v47, v21;
	v43 =	vmul.f32 v50, v43  }
0x75: {  	v24 =	vsub.f32 v4, v15;
	v63 =	vmul.f32 v51, v10;
	v29 =	vmul.f32 v53, v29  }
0x76: {  	v20 =	vadd.f32 v20, v19;
	v10 =	vsub.f32 v60, v61;
	v57 =	vmul.f32 v62, v46  }
0x77: {  	v18 =	vsel vm2, v22, v18;
	v50 =	vmul.f32 v43, v48;
	v51 =	vmul.f32 v63, v33  }
0x78: {  	v53 =	vmul.f32 v29, v45;
	v49 =	vadd.f32 v49, v20;
	v59 =	vmul.f32 v10, v10  }
0x79: {  	v55 =	vsel vm2, v4, v3;
	v4 =	vld [tilespmem:s2+$0x500];
	v44 =	vmul.f32 v57, v62;
	v50 =	vmul.f32 v50, v43  }
0x7a: {  	v58 =	vld [tilespmem:s26+$0x1300];
	v51 =	vmul.f32 v51, v63;
	v53 =	vmul.f32 v53, v29;
	v60 =	vadd.f32 v59, v49  }
0x7b: {  	v13 =	vsel vm2, v16, v13;
	v3 =	vld [tilespmem:s2+$0x1280];
	v44 =	vsub.f32 $1.500000000e+00, v44;
	v50 =	vsub.f32 $1.500000000e+00, v50  }
0x7c: {  	v14 =	vsel vm2, v15, v14;
	v19 =	vld [tilespmem:s2+$0xE80];
	v51 =	vsub.f32 $1.500000000e+00, v51;
	v53 =	vsub.f32 $1.500000000e+00, v53  }
0x7d: {  	v20 =	vld [tilespmem:s2+$0x1E80];
	v34 =	vadd.f32 v26, v60;
	v22 =	vmul.f32 v44, v62;
	v43 =	vmul.f32 v50, v43  }
0x7e: {  	v10 =	vld [tilespmem:s2+$0x280];
	v60 =	vsub.f32 v55, v14;
	v61 =	vmul.f32 v51, v63;
	v62 =	vmul.f32 v53, v29  }
0x7f: {  	v63 =	vld [tilespmem:s26+$0x1380];
	v29 =	vsel vm2, v58, v5;
	v46 =	vmul.f32 v22, v46;
	v48 =	vmul.f32 v43, v48  }
0x80: {  	v26 =	vld [tilespmem:s2+$0xD80];
	v53 =	vadd.f32 v31, v34;
	v33 =	vmul.f32 v61, v33;
	v45 =	vmul.f32 v62, v45  }
0x81: {  	v14 =	vld [tilespmem:s2+$0x100];
	v18 =	vsub.f32 v18, v29;
	v46 =	vmul.f32 v46, v22;
	v48 =	vmul.f32 v48, v43  }
0x82: {  	v5 =	vld [tilespmem:s2+$0x1500];
	v57 =	vadd.f32 v36, v53;
	v33 =	vmul.f32 v33, v61;
	v45 =	vmul.f32 v45, v62  }
0x83: {  	v42 =	vmul.f32 v42, v42;
	v29 =	vld [tilespmem:s2+$0x1D80];
	v16 =	vsub.f32 $1.500000000e+00, v46;
	v54 =	vsub.f32 $1.500000000e+00, v48  }
0x84: {  	v31 =	vld [tilespmem:s2+$0xD00];
	v11 =	vsel vm2, v63, v11;
	v56 =	vsub.f32 $1.500000000e+00, v33;
	v45 =	vsub.f32 $1.500000000e+00, v45  }
0x85: {  	v34 =	vld [tilespmem:s2+$0x1D00];
	v35 =	vadd.f32 v35, v57;
	v16 =	vmul.f32 v16, v22;
	v22 =	vmul.f32 v54, v43  }
0x86: {  	v36 =	vld [tilespmem:s2+$0x1C80];
	v49 =	vsub.f32 v13, v11;
	v44 =	vmul.f32 v56, v61;
	v45 =	vmul.f32 v45, v62  }
0x87: {  	v2 =	vimm.f32 $0.0e+00;
	v13 =	vld [tilespmem:s2+$0x1080];
	v15 =	vmul.f32 v16, v39;
	v16 =	vmul.f32 v22, v40  }
0x88: {  	v18 =	vmul.f32 v18, v18;
	v33 =	vld [tilespmem:s2+$0xC80];
	v35 =	vadd.f32 v28, v35;
	v58 =	vmul.f32 v49, v49  }
0x89: {  	v11 =	vld [tilespmem:s2+$0x1100];
	v59 =	vmul.f32 v44, v37;
	v38 =	vmul.f32 v45, v38;
	v15 =	vsub.f32 v15, v16  }
0x8a: {  	v21 =	vadd.f32 v12, v52;
	v28 =	vld [tilespmem:s2+$0x480];
	v61 =	vmul.f32 v60, v60;
	v62 =	vadd.f32 v42, v35  }
0x8b: {  	v18 =	vadd.f32 v58, v18;
	v16 =	vld [tilespmem:s2+$0x80];
	v40 =	vsub.f32 v59, v38;
	v15 =	vmul.f32 v15, v15  }
0x8c: {  	v27 =	vmul.f32 $5.000000000e-01, v9;
	v35 =	vld [tilespmem:s2+$0x1C00];
	v39 =	vsub.f32 v13, v30;
	v42 =	vadd.f32 v30, v13  }
0x8d: {  	v22 =	vld [tilespmem:s2+$0x400];
	v30 =	vadd.f32 v61, v61;
	v40 =	vmul.f32 v40, v40;
	v15 =	vadd.f32 v15, v18  }
0x8e: {  	v17 =	vmul.f32 $5.000000000e-01, v8;
	v37 =	vld [tilespmem:s2+$0xC00];
	v45 =	vadd.f32 v32, v62;
	v32 =	vadd.f32 v27, v11  }
0x8f: {  	v41 =	vmul.f32 v41, v41;
	v38 =	vsub.f32 v11, v27;
	v18 =	vld [tilespmem:s2+$0x300];
	v63 =	vadd.f32 v15, v40  }
0x90: {  	v46 =	vmul.f32 $5.000000000e-01, v28;
	v44 =	vsub.f32 v16, v25;
	v15 =	vld [tilespmem:s2+$0x380];
	v40 =	vmul.f32 v23, v23  }
0x91: {  	v27 =	vld [tilespmem:s2+$0xB80];
	v23 =	vadd.f32 v41, v45;
	v41 =	vmul.f32 v24, v24;
	v24 =	vadd.f32 v63, v30  }
0x92: {  	s0 =	simm.s32 $0xFFFFFE80;
	v43 =	vmul.f32 $5.000000000e-01, v22;
	v25 =	vadd.f32 v25, v16;
	v45 =	vsub.f32 v14, v17;
	v30 =	vld [tilespmem:s2+$0x1B80]  }
.LBB2_3:
0x93: {  	p1 =	sne.s32 s0, $0xFFFFFFC0;
	v47 =	vld [tilespmem:s2+$0xA80];
	v48 =	vsel vm0, $0x3F800000, v0;
	v40 =	vadd.f32 v41, v40;
	v23 =	vadd.f32 v24, v23  }
0x94: {  	v17 =	vadd.f32 v17, v14;
	v49 =	vsel vm1, $0x3F800000, v0;
	v41 =	vld [tilespmem:s2+$0x1A80];
	v24 =	vsub.f32 v18, v43  }
0x95: {  	v50 =	vld [tilespmem:s2+$0x900];
	v51 =	vsub.f32 v15, v46;
	v23 =	vmul.f32 v23, v48;
	v40 =	vmul.f32 v40, v49  }
0x96: {  	v43 =	vadd.f32 v43, v18;
	v46 =	vadd.f32 v46, v15;
	v49 =	vmul.f32 v28, v22;
	v48 =	vld [tilespmem:s2+$0x1900]  }
0x97: {  	v44 =	vmax.f32 v44, v39;
	v45 =	vmax.f32 v45, v38;
	v52 =	vld [tilespmem:s2+$0x780];
	v23 =	vadd.f32 v23, v40  }
0x98: {  	v25 =	vmin.f32 v25, v42;
	v17 =	vmin.f32 v17, v32;
	v24 =	vmax.f32 v24, v39;
	v40 =	vld [tilespmem:s2+$0x1780]  }
0x99: {  	s26 =	sshra.s32 s0, $0x2;
	v42 =	vmin.f32 v43, v42;
	v38 =	vmax.f32 v51, v38;
	v39 =	vld [tilespmem:s2+$0x680];
	v2 =	vadd.f32 v23, v2  }
0x9a: {  	vm0 =	vlt.f32 v25, v44;
	vm1 =	vlt.f32 v17, v45;
	v17 =	vmin.f32 v46, v32;
	v43 =	vld [tilespmem:s26+$0x180]  }
0x9b: {  	vm0 =	vmand vm0, vm1;
	vm1 =	vlt.f32 v42, v24;
	vm2 =	vlt.f32 v17, v38;
	v44 =	vld [tilespmem:s26+$0x200]  }
0x9c: {  	v12 =	vadd.f32 v12, v49;
	v38 =	vsel vm0, $0x3F800000, v0;
	vm0 =	vmand vm1, vm2;
	v42 =	vld [tilespmem:s26+$0x1180]  }
0x9d: {  	v17 =	vsub.f32 v21, v38;
	v21 =	vsel vm0, $0x3F800000, v0;
	v45 =	vld [tilespmem:s26+$0x1200]  }
0x9e: {  	v23 =	vsub.f32 v10, v3;
	vm0 =	vgt.f32 v3, $0.0e+00;
	v12 =	vsub.f32 v12, v21;
	v32 =	vld [tilespmem:s2+$0x580]  }
0x9f: {  	v19 =	vsub.f32 v19, v20;
	v24 =	vsub.f32 v4, v5;
	v46 =	vld [tilespmem:s2+$0x1580];
	(erf) = vrcp.f32 v17  }
0xa0: {  	v31 =	vsub.f32 v31, v34;
	v26 =	vsub.f32 v26, v29;
	v49 =	vld [tilespmem:s2+$0x600];
	(erf) = vrcp.f32 v12  }
0xa1: {  	v34 =	vsub.f32 v37, v35;
	v33 =	vsub.f32 v33, v36;
	vm1 =	veq.f32 v3, $0.0e+00;
	v29 =	vld [tilespmem:s2+$0x1600]  }
0xa2: {  	v53 =	vsub.f32 v27, v30;
	v20 =	vmul.f32 v44, v43;
	v12 =	vmul.f32 v45, v42;
	v51 =	vld [tilespmem:s2+$0x1680]  }
0xa3: {  	v41 =	vsub.f32 v47, v41;
	v30 =	vmul.f32 $5.000000000e-01, v42;
	v27 =	vmul.f32 $5.000000000e-01, v45;
	v54 =	vld [tilespmem:s2+$0x700]  }
0xa4: {  	v48 =	vsub.f32 v50, v48;
	v25 =	vmul.f32 $5.000000000e-01, v43;
	v17 =	vmul.f32 $5.000000000e-01, v44;
	v47 =	vld [tilespmem:s2+$0x1700]  }
0xa5: {  	v35 =	vmul.f32 v26, v26;
	v46 =	vsub.f32 v32, v46;
	v32 =	vmul.f32 v19, v19;
	v50 =	vld [tilespmem:s2+$0x880]  }
0xa6: {  	v36 =	vmul.f32 v33, v33;
	v37 =	vmul.f32 v31, v31;
	v19 =	vsub.f32 v49, v29;
	v29 =	vld [tilespmem:s2+$0x1880]  }
0xa7: {  	v31 =	vmul.f32 v34, v34;
	v26 =	vmul.f32 v53, v53;
	v33 =	vsub.f32 v39, v51  }
0xa8: {  	v40 =	vsub.f32 v52, v40;
	v39 =	vmul.f32 v46, v46;
	v19 =	vmul.f32 v19, v19;
	v46 =	vld [tilespmem:s2+$0x1480];
	v49 =	vpop (erf)  }
0xa9: {  	v34 =	vmul.f32 v41, v41;
	v33 =	vmul.f32 v33, v33;
	v47 =	vsub.f32 v54, v47;
	v41 =	vld [tilespmem:s2+$0x1400];
	v51 =	vpop (erf)  }
0xaa: {  	v38 =	vmul.f32 v49, v38;
	v19 =	vadd.f32 v19, v39;
	v21 =	vmul.f32 v51, v21  }
0xab: {  	v48 =	vmul.f32 v48, v48;
	v40 =	vmul.f32 v40, v40;
	v49 =	vsub.f32 v50, v29  }
0xac: {  	v47 =	vmul.f32 v47, v47;
	v19 =	vadd.f32 v33, v19;
	vm2 =	vgt.f32 v21, v38  }
0xad: {  	v22 =	vsel vm2, v22, v6;
	v28 =	vsel vm2, v28, v8;
	v38 =	vsel vm2, v46, v9;
	v6 =	vmovc v43  }
0xae: {  	v8 =	vmovc v44;
	v21 =	vld [tilespmem:s2+$0x800];
	v39 =	vsel vm2, v41, v7;
	v41 =	vshra.s32 v28, $0x1;
	v29 =	vmul.f32 $5.000000000e-01, v28;
	v7 =	vmovc v42  }
0xaf: {  	v9 =	vmovc v45;
	v43 =	vshra.s32 v22, $0x1;
	v44 =	vshra.s32 v38, $0x1;
	v33 =	vmul.f32 $5.000000000e-01, v38;
	v42 =	vld [tilespmem:s2+$0x1800]  }
0xb0: {  	v45 =	vmul.f32 $5.000000000e-01, v22;
	v46 =	vshra.s32 v39, $0x1;
	v50 =	vmul.f32 $5.000000000e-01, v39  }
0xb1: {  	v43 =	vsub.s32 $0x5F3759DF, v43;
	v41 =	vsub.s32 $0x5F3759DF, v41;
	v46 =	vsub.s32 $0x5F3759DF, v46  }
0xb2: {  	v44 =	vsub.s32 $0x5F3759DF, v44;
	v52 =	vmul.f32 v43, v45;
	v53 =	vmul.f32 v46, v50;
	v51 =	vld [tilespmem:s2+$0xF00]  }
0xb3: {  	v19 =	vadd.f32 v47, v19;
	v54 =	vmul.f32 v41, v29;
	v55 =	vmul.f32 v44, v33;
	v47 =	vld [tilespmem:s2+$0x1F00]  }
0xb4: {  	v52 =	vmul.f32 v43, v52;
	v53 =	vmul.f32 v46, v53;
	v21 =	vsub.f32 v21, v42;
	v42 =	vld [tilespmem:s2+$0xA00]  }
0xb5: {  	v19 =	vadd.f32 v40, v19;
	v40 =	vmul.f32 v41, v54;
	v54 =	vmul.f32 v44, v55;
	v56 =	vld [tilespmem:s2+$0x1A00]  }
0xb6: {  	v49 =	vmul.f32 v49, v49;
	v52 =	vsub.f32 $1.500000000e+00, v52;
	v53 =	vsub.f32 $1.500000000e+00, v53;
	v55 =	vld [tilespmem:s2+$0x980]  }
0xb7: {  	v58 =	vsub.f32 $1.500000000e+00, v40;
	v54 =	vsub.f32 $1.500000000e+00, v54;
	v21 =	vmul.f32 v21, v21;
	v57 =	vld [tilespmem:s2+$0x1980]  }
0xb8: {  	v43 =	vmul.f32 v43, v52;
	v46 =	vmul.f32 v46, v53;
	v40 =	vsub.f32 v51, v47  }
0xb9: {  	v19 =	vadd.f32 v21, v19;
	v21 =	vmul.f32 v41, v58;
	v41 =	vmul.f32 v44, v54  }
0xba: {  	v47 =	vmul.f32 v43, v45;
	v51 =	vmul.f32 v46, v50;
	v42 =	vsub.f32 v42, v56;
	v44 =	vld [tilespmem:s2+$0xE00]  }
0xbb: {  	v19 =	vadd.f32 v49, v19;
	v52 =	vmul.f32 v21, v29;
	v53 =	vmul.f32 v41, v33;
	v49 =	vld [tilespmem:s2+$0x1E00]  }
0xbc: {  	v47 =	vmul.f32 v47, v43;
	v51 =	vmul.f32 v51, v46;
	v54 =	vsub.f32 v55, v57;
	v55 =	vld [tilespmem:s2+$0xB00]  }
0xbd: {  	v19 =	vadd.f32 v48, v19;
	v52 =	vmul.f32 v52, v21;
	v53 =	vmul.f32 v53, v41;
	v48 =	vld [tilespmem:s2+$0x1B00]  }
0xbe: {  	v42 =	vmul.f32 v42, v42;
	v47 =	vsub.f32 $1.500000000e+00, v47;
	v51 =	vsub.f32 $1.500000000e+00, v51  }
0xbf: {  	v54 =	vmul.f32 v54, v54;
	v52 =	vsub.f32 $1.500000000e+00, v52;
	v53 =	vsub.f32 $1.500000000e+00, v53  }
0xc0: {  	v43 =	vmul.f32 v47, v43;
	v46 =	vmul.f32 v51, v46;
	v44 =	vsub.f32 v44, v49  }
0xc1: {  	v19 =	vadd.f32 v54, v19;
	v47 =	vmul.f32 v52, v21;
	v41 =	vmul.f32 v53, v41  }
0xc2: {  	v49 =	vmul.f32 v43, v45;
	v51 =	vmul.f32 v46, v50;
	v48 =	vsub.f32 v55, v48  }
0xc3: {  	v42 =	vadd.f32 v42, v19;
	v52 =	vmul.f32 v47, v29;
	v53 =	vmul.f32 v41, v33  }
0xc4: {  	v21 =	vadd.f32 v12, v20;
	v49 =	vmul.f32 v49, v43;
	v51 =	vmul.f32 v51, v46;
	v19 =	vld [tilespmem:s26+$0xE80]  }
0xc5: {  	v34 =	vadd.f32 v34, v42;
	v52 =	vmul.f32 v52, v47;
	v53 =	vmul.f32 v53, v41;
	v42 =	vld [tilespmem:s2+$0x1300]  }
0xc6: {  	v48 =	vmul.f32 v48, v48;
	v49 =	vsub.f32 $1.500000000e+00, v49;
	v51 =	vsub.f32 $1.500000000e+00, v51;
	v20 =	vld [tilespmem:s26+$0x1E80]  }
0xc7: {  	v54 =	vsel vm2, v4, v10;
	v52 =	vsub.f32 $1.500000000e+00, v52;
	v53 =	vsub.f32 $1.500000000e+00, v53;
	v10 =	vld [tilespmem:s26+$0x280]  }
0xc8: {  	v16 =	vsel vm2, v18, v16;
	v18 =	vmul.f32 v49, v43;
	v43 =	vmul.f32 v51, v46;
	v4 =	vld [tilespmem:s26+$0x500]  }
0xc9: {  	v34 =	vadd.f32 v48, v34;
	v47 =	vmul.f32 v52, v47;
	v41 =	vmul.f32 v53, v41;
	v46 =	vld [tilespmem:s26+$0x1280]  }
0xca: {  	v48 =	vld [tilespmem:s2+$0x1380];
	v13 =	vsel vm2, v42, v13;
	v42 =	vmul.f32 v18, v45;
	v45 =	vmul.f32 v43, v50;
	s2 =	smov.u32 s26  }
0xcb: {  	v34 =	vadd.f32 v26, v34;
	v50 =	vmul.f32 v47, v29;
	v33 =	vmul.f32 v41, v33;
	v49 =	vld [tilespmem:s2+$0x1500]  }
0xcc: {  	v16 =	vsub.f32 v16, v13;
	v26 =	vld [tilespmem:s2+$0xD80];
	v13 =	vmul.f32 v42, v18;
	v42 =	vmul.f32 v45, v43  }
0xcd: {  	v45 =	vadd.f32 v31, v34;
	v50 =	vmul.f32 v50, v47;
	v33 =	vmul.f32 v33, v41;
	v29 =	vld [tilespmem:s2+$0x1D80]  }
0xce: {  	v14 =	vsel vm2, v15, v14;
	v31 =	vld [tilespmem:s2+$0xD00];
	v13 =	vsub.f32 $1.500000000e+00, v13;
	v15 =	vsub.f32 $1.500000000e+00, v42  }
0xcf: {  	v42 =	vsub.f32 $1.500000000e+00, v50;
	v34 =	vld [tilespmem:s2+$0x1D00];
	v11 =	vsel vm2, v48, v11;
	v48 =	vsub.f32 $1.500000000e+00, v33  }
0xd0: {  	v33 =	vld [tilespmem:s2+$0xC80];
	v14 =	vsub.f32 v14, v11;
	v18 =	vmul.f32 v13, v18;
	v15 =	vmul.f32 v15, v43  }
0xd1: {  	v43 =	vadd.f32 v36, v45;
	v42 =	vmul.f32 v42, v47;
	v13 =	vld [tilespmem:s2+$0x1080];
	v41 =	vmul.f32 v48, v41  }
0xd2: {  	v45 =	vsel vm2, v5, v3;
	v3 =	vmovc v46;
	v11 =	vld [tilespmem:s2+$0x1100];
	v18 =	vmul.f32 v18, v22;
	v15 =	vmul.f32 v15, v39  }
0xd3: {  	v16 =	vmul.f32 v16, v16;
	v5 =	vmovc v49;
	v39 =	vadd.f32 v37, v43;
	v14 =	vmul.f32 v14, v14;
	v36 =	vld [tilespmem:s2+$0x1C80]  }
0xd4: {  	v22 =	vld [tilespmem:s2+$0x400];
	v15 =	vsub.f32 v18, v15;
	v18 =	vmul.f32 v42, v28;
	v28 =	vmul.f32 v41, v38  }
0xd5: {  	v41 =	vmul.f32 v44, v44;
	v42 =	vsub.f32 v54, v45;
	v43 =	vadd.f32 v14, v16;
	v37 =	vld [tilespmem:s2+$0xC00]  }
0xd6: {  	v35 =	vadd.f32 v35, v39;
	v16 =	vld [tilespmem:s2+$0x80];
	v15 =	vmul.f32 v15, v15;
	v18 =	vsub.f32 v18, v28  }
0xd7: {  	v39 =	vsub.f32 v13, v30;
	v44 =	vmul.f32 v42, v42;
	v14 =	vld [tilespmem:s2+$0x100];
	v38 =	vsub.f32 v11, v27  }
0xd8: {  	v41 =	vadd.f32 v41, v35;
	v28 =	vld [tilespmem:s2+$0x480];
	v15 =	vadd.f32 v15, v43;
	v45 =	vmul.f32 v18, v18  }
.Ltmp0:
0xd9: {  	v42 =	vadd.f32 v30, v13;
	v30 =	vadd.f32 v44, v44;
	v35 =	vld [tilespmem:s2+$0x1C00];
	v43 =	vmul.f32 $5.000000000e-01, v22;
	(pc) =	sbr.rel @p1 .LBB2_3-.Ltmp0, $4  }
0xda: {  	v46 =	vmul.f32 v40, v40;
	v41 =	vadd.f32 v32, v41;
	v18 =	vld [tilespmem:s2+$0x300];
	v45 =	vadd.f32 v15, v45  }
0xdb: {  	v40 =	vmul.f32 v23, v23;
	v32 =	vadd.f32 v27, v11;
	v15 =	vld [tilespmem:s2+$0x380];
	v44 =	vsub.f32 v16, v25  }
0xdc: {  	v23 =	vadd.f32 v46, v41;
	v41 =	vmul.f32 v24, v24;
	v27 =	vld [tilespmem:s2+$0xB80];
	v24 =	vadd.f32 v45, v30  }
0xdd: {  	s0 =	sadd.s32 $0x40, s0;
	v25 =	vadd.f32 v25, v16;
	v45 =	vsub.f32 v14, v17;
	v30 =	vld [tilespmem:s2+$0x1B80];
	v46 =	vmul.f32 $5.000000000e-01, v28  }
0xde: {  	v49 =	vld [tilespmem:s2+$0xA80]  }
0xdf: {  	v17 =	vadd.f32 v17, v14;
	v50 =	vmul.f32 v28, v22;
	v51 =	vld [tilespmem:s2+$0x1A80]  }
0xe0: {  	v44 =	vmax.f32 v44, v39;
	v52 =	vld [tilespmem:s2+$0x900];
	v26 =	vsub.f32 v26, v29;
	v47 =	vsub.f32 v18, v43  }
0xe1: {  	v54 =	vld [tilespmem:s2+$0x1900];
	v62 =	vadd.f32 v43, v18;
	v45 =	vmax.f32 v45, v38;
	v25 =	vmin.f32 v25, v42  }
0xe2: {  	v55 =	vld [tilespmem:s2+$0x780];
	v48 =	vsub.f32 v15, v46;
	v63 =	vadd.f32 v46, v15;
	v17 =	vmin.f32 v17, v32  }
0xe3: {  	v57 =	vld [tilespmem:s2+$0x1780];
	vm2 =	vlt.f32 v25, v44;
	v47 =	vmax.f32 v47, v39;
	v53 =	vmin.f32 v62, v42  }
0xe4: {  	v58 =	vld [tilespmem:s2+$0x680];
	vm3 =	vlt.f32 v17, v45;
	v48 =	vmax.f32 v48, v38;
	v17 =	vmin.f32 v63, v32  }
0xe5: {  	v60 =	vld [tilespmem:s2+$0x1600];
	vm2 =	vmand vm2, vm3;
	vm3 =	vlt.f32 v53, v47;
	vm4 =	vlt.f32 v17, v48  }
0xe6: {  	v29 =	vld [tilespmem:s2+$0x1680];
	v12 =	vadd.f32 v12, v50;
	v56 =	vsel vm2, $0x3F800000, v0;
	vm2 =	vmand vm3, vm4  }
0xe7: {  	v25 =	vld [tilespmem:s2+$0x1580];
	v17 =	vsub.f32 v21, v56;
	v59 =	vsel vm2, $0x3F800000, v0  }
0xe8: {  	v62 =	vld [tilespmem:s2+$0x700];
	v12 =	vsub.f32 v12, v59  }
0xe9: {  	v21 =	vld [tilespmem:s2+$0x580];
	(erf) = vrcp.f32 v17  }
0xea: {  	v17 =	vld [tilespmem:s2+$0x600];
	(erf) = vrcp.f32 v12  }
0xeb: {  	v31 =	vsub.f32 v31, v34;
	v61 =	vsub.f32 v37, v35;
	v63 =	vld [tilespmem:s2+$0x1700]  }
0xec: {  	v33 =	vsub.f32 v33, v36;
	v19 =	vsub.f32 v19, v20;
	v47 =	vld [tilespmem:s2+$0x880]  }
0xed: {  	v27 =	vsub.f32 v27, v30;
	v30 =	vsub.f32 v49, v51;
	v48 =	vld [tilespmem:s2+$0x1880]  }
0xee: {  	v45 =	vsub.f32 v52, v54;
	v32 =	vsub.f32 v55, v57  }
0xef: {  	v46 =	vsub.f32 v21, v25;
	v21 =	vmul.f32 v26, v26;
	v26 =	vsub.f32 v17, v60  }
0xf0: {  	v50 =	vld [tilespmem:s2+$0x1480];
	v36 =	vmul.f32 v30, v30;
	v35 =	vsub.f32 v62, v63;
	v17 =	vmul.f32 v31, v31  }
0xf1: {  	v63 =	vld [tilespmem:s2+$0x1A00];
	v31 =	vsub.f32 v58, v29;
	v49 =	vmul.f32 v46, v46;
	v26 =	vmul.f32 v26, v26  }
0xf2: {  	v32 =	vmul.f32 v32, v32;
	v37 =	vmul.f32 v45, v45;
	v54 =	vsub.f32 v47, v48;
	v60 =	vld [tilespmem:s2+$0xA00];
	v51 =	vpop (erf)  }
0xf3: {  	v52 =	vld [tilespmem:s2+$0x1400];
	v25 =	vmul.f32 v33, v33;
	v31 =	vmul.f32 v31, v31;
	v26 =	vadd.f32 v26, v49;
	v30 =	vpop (erf)  }
0xf4: {  	v12 =	vadd.f32 v41, v40;
	v53 =	vmul.f32 v51, v56;
	v30 =	vmul.f32 v30, v59  }
0xf5: {  	v35 =	vmul.f32 v35, v35;
	v38 =	vmul.f32 v54, v54;
	v31 =	vadd.f32 v31, v26  }
0xf6: {  	v29 =	vmul.f32 v27, v27;
	v27 =	vmul.f32 v61, v61;
	vm2 =	vgt.f32 v30, v53  }
0xf7: {  	v60 =	vsub.f32 v60, v63;
	v31 =	vadd.f32 v35, v31;
	v30 =	vsel vm2, v22, v6  }
0xf8: {  	v6 =	vsel vm2, v28, v8;
	v8 =	vsel vm2, v50, v9;
	v9 =	vsel vm2, v52, v7  }
0xf9: {  	v55 =	vld [tilespmem:s2+$0x1800];
	v32 =	vadd.f32 v32, v31;
	v7 =	vshra.s32 v6, $0x1;
	v33 =	vmul.f32 $5.000000000e-01, v6  }
0xfa: {  	v22 =	vld [tilespmem:s2+$0x800];
	v28 =	vshra.s32 v30, $0x1;
	v56 =	vshra.s32 v8, $0x1;
	v40 =	vmul.f32 $5.000000000e-01, v8  }
0xfb: {  	v49 =	vld [tilespmem:s2+$0x1300];
	v41 =	vmul.f32 $5.000000000e-01, v30;
	v57 =	vshra.s32 v9, $0x1;
	v43 =	vmul.f32 $5.000000000e-01, v9  }
0xfc: {  	v44 =	vsub.s32 $0x5F3759DF, v28;
	v42 =	vsub.s32 $0x5F3759DF, v57;
	v7 =	vsub.s32 $0x5F3759DF, v7  }
0xfd: {  	v46 =	vld [tilespmem:s2+$0x980];
	v39 =	vsub.s32 $0x5F3759DF, v56;
	v58 =	vmul.f32 v44, v41;
	v59 =	vmul.f32 v42, v43  }
0xfe: {  	v26 =	vld [tilespmem:s2+$0xF00];
	v16 =	vsel vm2, v18, v16;
	v61 =	vmul.f32 v7, v33;
	v62 =	vmul.f32 v39, v40  }
0xff: {  	v53 =	vld [tilespmem:s2+$0x1380];
	v22 =	vsub.f32 v22, v55;
	v55 =	vmul.f32 v44, v58;
	v56 =	vmul.f32 v42, v59  }
0x100: {  	v50 =	vld [tilespmem:s2+$0xE00];
	v13 =	vsel vm2, v49, v13;
	v31 =	vmul.f32 v7, v61;
	v57 =	vmul.f32 v39, v62  }
0x101: {  	s0 =	sadd.s32 s9, s31;
	v52 =	vld [tilespmem:s2+$0x1E00];
	v14 =	vsel vm2, v15, v14;
	v34 =	vsub.f32 $1.500000000e+00, v55;
	v45 =	vsub.f32 $1.500000000e+00, v56  }
0x102: {  	s0 =	smin.u32 s0, $0x187;
	v28 =	vld [tilespmem:s2+$0x1F00];
	v22 =	vmul.f32 v22, v22;
	v59 =	vsub.f32 $1.500000000e+00, v31;
	v35 =	vsub.f32 $1.500000000e+00, v57  }
0x103: {  	s7 =	smulhi.u32 $0x924924A, s0;
	v58 =	vld [tilespmem:s2+$0x1980];
	v31 =	vsub.f32 v10, v3;
	v10 =	vsel vm2, v4, v10;
	v34 =	vmul.f32 v44, v34  }
0x104: {  	v4 =	vsub.f32 v4, v5;
	v42 =	vmul.f32 v42, v45;
	v44 =	vld [tilespmem:s2+$0xB00];
	v7 =	vmul.f32 v7, v59  }
0x105: {  	s8 =	sshrl.u32 s0, $0x1;
	s0 =	sshll.u32 s0, $0xA;
	v22 =	vadd.f32 v22, v32;
	v32 =	vmul.f32 v39, v35;
	v35 =	vld [tilespmem:s2+$0x1B00];
	s2 =	smul.u32 $0xFFFFFFF2, s7;
	v39 =	vmul.f32 v60, v60  }
0x106: {  	s26 =	sshll.u32 s8, $0xB;
	_ =	swait.ge [sflag:s24], $0xF00;
	s7 =	smul.u32 $0x1C000, s7;
	v60 =	vsub.f32 v50, v52;
	v61 =	vmul.f32 v34, v41;
	v62 =	vmul.f32 v42, v43  }
0x107: {  	s0 =	ssub.s32 s0, s26;
	[sflag:s24] =	ssyncset.done $0x0;
	v22 =	vadd.f32 v38, v22;
	v63 =	vmul.f32 v7, v33;
	v56 =	vmul.f32 v32, v40;
	s2 =	sadd.s32 s8, s2  }
0x108: {  	v46 =	vsub.f32 v46, v58;
	[sflag:s24] =	ssyncadd.s32 $0xFFFFF100;
	s0 =	sadd.s32 s7, s0;
	s2 =	sshll.u32 s2, $0xD;
	v45 =	vmul.f32 v61, v34;
	v47 =	vmul.f32 v62, v42  }
0x109: {  	_ =	swait.ge [sflag:s25], $0xF00;
	v22 =	vadd.f32 v37, v22;
	v57 =	vmul.f32 v63, v7;
	v58 =	vmul.f32 v56, v32;
	s0 =	sadd.s32 s2, s0  }
0x10a: {  	v55 =	vsel vm2, v53, v11;
	[sflag:s25] =	ssyncset.done $0x0;
	s0 =	sshrl.u32 s0, $0x3;
	v45 =	vsub.f32 $1.500000000e+00, v45;
	v47 =	vsub.f32 $1.500000000e+00, v47  }
0x10b: {  	v46 =	vmul.f32 v46, v46;
	[sflag:s25] =	ssyncadd.s32 $0xFFFFF100;
	v37 =	vsub.f32 $1.500000000e+00, v57;
	v38 =	vsub.f32 $1.500000000e+00, v58;
	s8 =	sadd.s32 s1, s0  }
0x10c: {  	v56 =	vsel vm2, v5, v3;
	[tilespmem:s4], [sflag:$0x1] =	stream.strided.gather [hbm4b:s8+s13], $0xC00, s14, s13, $0x38;
	v20 =	vmul.f32 v45, v34;
	v59 =	vmul.f32 v47, v42;
	[tilespmem:$0x4080] =	vst v63  }
0x10d: {  	v22 =	vadd.f32 v46, v22;
	s2 =	sadd.s32 $0x300, s8;
	v7 =	vmul.f32 v37, v7;
	v32 =	vmul.f32 v38, v32  }
0x10e: {  	v35 =	vsub.f32 v44, v35;
	[tilespmem:s15], [sflag:$0x1] =	stream.linear.gather [hbm4b:s2+s4], $0x300, $0x38;
	v61 =	vmul.f32 v20, v41;
	v42 =	vmul.f32 v59, v43;
	[tilespmem:$0x4080] =	vst v63  }
0x10f: {  	s0 =	sadd.s32 s3, s0;
	v22 =	vadd.f32 v39, v22;
	v62 =	vmul.f32 v7, v33;
	v63 =	vmul.f32 v32, v40  }
0x110: {  	v10 =	vsub.f32 v10, v56;
	[tilespmem:s16], [sflag:$0x2] =	stream.strided.gather [hbm4b:s0+s13], $0xC00, s14, s13, $0x38;
	v38 =	vmul.f32 v61, v20;
	v42 =	vmul.f32 v42, v59;
	[tilespmem:$0x4080] =	vst v63  }
0x111: {  	s26 =	simm.s32 $0xFFFFFF80;
	v22 =	vadd.f32 v36, v22;
	s0 =	sadd.s32 $0x300, s0;
	v48 =	vmul.f32 v62, v7;
	v50 =	vmul.f32 v63, v32  }
0x112: {  	v10 =	vmul.f32 v10, v10;
	[tilespmem:s17], [sflag:$0x2] =	stream.linear.gather [hbm4b:s0+s4], $0x300, $0x38;
	v38 =	vsub.f32 $1.500000000e+00, v38;
	v42 =	vsub.f32 $1.500000000e+00, v42;
	[tilespmem:$0x4080] =	vst v63  }
0x113: {  	v35 =	vmul.f32 v35, v35;
	v36 =	vsub.f32 $1.500000000e+00, v48;
	v39 =	vsub.f32 $1.500000000e+00, v50;
	v11 =	vld [tilespmem:s26+$0x2E80]  }
0x114: {  	v5 =	vadd.f32 v10, v10;
	v10 =	vld [tilespmem:s26+$0x3080];
	v18 =	vmul.f32 v38, v20;
	v34 =	vmul.f32 v42, v59  }
0x115: {  	v44 =	vld [tilespmem:s26+$0x3A80];
	v20 =	vadd.f32 v35, v22;
	v7 =	vmul.f32 v36, v7;
	v32 =	vmul.f32 v39, v32  }
0x116: {  	v13 =	vsub.f32 v16, v13;
	v46 =	vld [tilespmem:s26+$0x2900];
	v22 =	vmul.f32 v18, v41;
	v51 =	vmul.f32 v34, v43  }
0x117: {  	v48 =	vld [tilespmem:s26+$0x3900];
	v29 =	vadd.f32 v29, v20;
	v33 =	vmul.f32 v7, v33;
	v52 =	vmul.f32 v32, v40  }
0x118: {  	v14 =	vsub.f32 v14, v55;
	v50 =	vld [tilespmem:s26+$0x2780];
	v16 =	vmul.f32 v22, v18;
	v35 =	vmul.f32 v51, v34  }
0x119: {  	v55 =	vld [tilespmem:s26+$0x2700];
	v54 =	vadd.f32 v27, v29;
	v33 =	vmul.f32 v33, v7;
	v36 =	vmul.f32 v52, v32  }
0x11a: {  	v13 =	vmul.f32 v13, v13;
	v38 =	vld [tilespmem:s26+$0x3B80];
	v15 =	vsub.f32 $1.500000000e+00, v16;
	v16 =	vsub.f32 $1.500000000e+00, v35  }
0x11b: {  	v14 =	vmul.f32 v14, v14;
	v20 =	vld [tilespmem:s26+$0x2180];
	v33 =	vsub.f32 $1.500000000e+00, v33;
	v36 =	vsub.f32 $1.500000000e+00, v36  }
0x11c: {  	v41 =	vld [tilespmem:s26+$0x2A80];
	v25 =	vadd.f32 v25, v54;
	v15 =	vmul.f32 v15, v18;
	v18 =	vmul.f32 v16, v34  }
0x11d: {  	v22 =	vld [tilespmem:s26+$0x2200];
	v33 =	vmul.f32 v33, v7;
	v32 =	vmul.f32 v36, v32  }
0x11e: {  	v27 =	vld [tilespmem:s26+$0x3180];
	v25 =	vadd.f32 v17, v25;
	v30 =	vmul.f32 v15, v30;
	v18 =	vmul.f32 v18, v9  }
0x11f: {  	v13 =	vadd.f32 v14, v13;
	v29 =	vld [tilespmem:s26+$0x3200];
	v6 =	vmul.f32 v33, v6;
	v8 =	vmul.f32 v32, v8  }
0x120: {  	v51 =	vld [tilespmem:s26+$0x3780];
	v14 =	vadd.f32 v21, v25;
	v18 =	vsub.f32 v30, v18;
	v30 =	vmul.f32 v60, v60  }
0x121: {  	v52 =	vld [tilespmem:s26+$0x2680];
	v21 =	vsel vm1, $0x3F800000, v0;
	v6 =	vsub.f32 v6, v8;
	v8 =	vmul.f32 v19, v19  }
0x122: {  	v35 =	vld [tilespmem:s26+$0x2480];
	v19 =	vsub.f32 v26, v28;
	v18 =	vmul.f32 v18, v18;
	v14 =	vadd.f32 v30, v14  }
0x123: {  	v16 =	vld [tilespmem:s26+$0x3E80];
	v12 =	vmul.f32 v12, v21;
	v6 =	vmul.f32 v6, v6  }
0x124: {  	v21 =	vld [tilespmem:s26+$0x2400];
	v13 =	vadd.f32 v18, v13;
	v8 =	vadd.f32 v8, v14;
	v14 =	vmul.f32 v19, v19  }
0x125: {  	v4 =	vmul.f32 v4, v4;
	v7 =	vld [tilespmem:s26+$0x2280];
	v19 =	vadd.f32 v24, v23;
	v23 =	vmul.f32 v31, v31  }
0x126: {  	vm1 =	veq.f32 v3, $0.0e+00;
	v6 =	vadd.f32 v13, v6;
	v8 =	vadd.f32 v14, v8;
	v14 =	vld [tilespmem:s26+$0x2100]  }
0x127: {  	v18 =	vsel vm0, $0x3F800000, v0;
	vm0 =	vgt.f32 v3, $0.0e+00;
	v3 =	vadd.f32 v4, v23;
	v23 =	vld [tilespmem:s26+$0x2300]  }
0x128: {  	v17 =	vld [tilespmem:s26+$0x3500];
	v25 =	vmul.f32 $5.000000000e-01, v22;
	v61 =	vmul.f32 $5.000000000e-01, v35;
	v5 =	vadd.f32 v6, v5  }
0x129: {  	v46 =	vsub.f32 v46, v48;
	v34 =	vld [tilespmem:s26+$0x2C00];
	v58 =	vmul.f32 $5.000000000e-01, v21;
	v6 =	vmul.f32 v19, v18  }
0x12a: {  	v18 =	vld [tilespmem:s26+$0x2380];
	v4 =	vadd.f32 v5, v8;
	v5 =	vsel vm0, $0x3F800000, v0;
	v8 =	vsel vm1, $0x3F800000, v0  }
0x12b: {  	v19 =	vld [tilespmem:s26+$0x2080];
	v6 =	vadd.f32 v6, v12;
	v3 =	vmul.f32 v3, v8;
	v60 =	vsub.f32 v14, v25  }
0x12c: {  	v36 =	vld [tilespmem:s26+$0x2B80];
	v25 =	vadd.f32 v25, v14;
	v62 =	vsub.f32 v23, v58;
	v4 =	vmul.f32 v4, v5  }
0x12d: {  	v9 =	vld [tilespmem:s26+$0x2500];
	v8 =	vmul.f32 v29, v27;
	v39 =	vadd.f32 v58, v23;
	v2 =	vadd.f32 v6, v2  }
0x12e: {  	v13 =	vld [tilespmem:s26+$0x3100];
	v5 =	vmul.f32 $5.000000000e-01, v27;
	v6 =	vmul.f32 $5.000000000e-01, v20;
	v3 =	vadd.f32 v4, v3  }
0x12f: {  	v15 =	vld [tilespmem:s26+$0x3280];
	v63 =	vsub.f32 v18, v61;
	v43 =	vadd.f32 v61, v18;
	v4 =	vmul.f32 v22, v20  }
0x130: {  	v32 =	vld [tilespmem:s26+$0x2D80];
	v59 =	vsub.f32 v19, v6;
	v2 =	vadd.f32 v3, v2  }
0x131: {  	v33 =	vld [tilespmem:s26+$0x3D80];
	v3 =	vmul.f32 $5.000000000e-01, v29;
	v24 =	vadd.f32 v8, v4;
	v4 =	vsub.f32 v10, v5  }
0x132: {  	v26 =	vld [tilespmem:s26+$0x2D00];
	v56 =	vmul.f32 v35, v21;
	v6 =	vadd.f32 v6, v19;
	v5 =	vadd.f32 v5, v10  }
0x133: {  	v28 =	vld [tilespmem:s26+$0x3D00];
	v57 =	vsub.f32 v13, v3;
	v3 =	vadd.f32 v3, v13;
	v40 =	vmax.f32 v59, v4  }
0x134: {  	v30 =	vld [tilespmem:s26+$0x2C80];
	v6 =	vmin.f32 v6, v5;
	v45 =	vmax.f32 v62, v4;
	v5 =	vmin.f32 v39, v5  }
0x135: {  	v31 =	vld [tilespmem:s26+$0x3C80];
	vm0 =	vlt.f32 v6, v40;
	v42 =	vmax.f32 v60, v57;
	v25 =	vmin.f32 v25, v3  }
0x136: {  	s31 =	simm.s32 $0xFFFFFF90;
	v12 =	vld [tilespmem:s26+$0x3C00];
	v37 =	vmax.f32 v63, v57;
	v3 =	vmin.f32 v43, v3;
	vm1 =	vlt.f32 v25, v42  }
0x137: {  	v4 =	vld [tilespmem:s31+$0x2180];
	vm2 =	vlt.f32 v3, v37;
	vm0 =	vmand vm0, vm1;
	vm1 =	vlt.f32 v5, v45  }
0x138: {  	v59 =	vld [tilespmem:s26+$0x3580];
	v25 =	vadd.f32 v8, v56;
	v39 =	vsel vm0, $0x3F800000, v0;
	vm0 =	vmand vm1, vm2  }
0x139: {  	v41 =	vsub.f32 v41, v44;
	v62 =	vld [tilespmem:s26+$0x3600];
	v57 =	vsub.f32 v24, v39;
	v40 =	vsel vm0, $0x3F800000, v0  }
0x13a: {  	v11 =	vsub.f32 v11, v16;
	v60 =	vld [tilespmem:s26+$0x2600];
	v58 =	vsub.f32 v25, v40  }
0x13b: {  	v54 =	vsub.f32 v36, v38;
	v32 =	vsub.f32 v32, v33;
	v42 =	vld [tilespmem:s26+$0x2580];
	(erf) = vrcp.f32 v57  }
0x13c: {  	v61 =	vsub.f32 v26, v28;
	v34 =	vsub.f32 v34, v12;
	v6 =	vld [tilespmem:s31+$0x2200];
	(erf) = vrcp.f32 v58  }
0x13d: {  	v33 =	vmul.f32 v11, v11;
	v36 =	vmul.f32 v32, v32;
	v30 =	vsub.f32 v30, v31;
	v63 =	vld [tilespmem:s26+$0x3680]  }
0x13e: {  	v38 =	vmul.f32 v61, v61;
	v32 =	vmul.f32 v34, v34;
	v3 =	vimm.f32 $0.0e+00;
	v57 =	vld [tilespmem:s26+$0x3700]  }
0x13f: {  	v8 =	vld [tilespmem:s31+$0x3200];
	v37 =	vmul.f32 v30, v30;
	v30 =	vmul.f32 v54, v54;
	vm1 =	veq.f32 v15, $0.0e+00  }
0x140: {  	v5 =	vld [tilespmem:s31+$0x3180];
	v26 =	vmul.f32 $5.000000000e-01, v4;
	v11 =	vsub.f32 v60, v62;
	v42 =	vsub.f32 v42, v59  }
0x141: {  	v43 =	vld [tilespmem:s26+$0x3880];
	vm0 =	vgt.f32 v15, $0.0e+00;
	v24 =	vsub.f32 v7, v15;
	v49 =	vmul.f32 v6, v4  }
0x142: {  	v45 =	vld [tilespmem:s26+$0x2880];
	v58 =	vsub.f32 v52, v63;
	v11 =	vmul.f32 v11, v11;
	v59 =	vmul.f32 v42, v42  }
0x143: {  	v60 =	vsub.f32 v50, v51;
	v51 =	vmul.f32 v41, v41;
	v44 =	vsub.f32 v55, v57  }
0x144: {  	v61 =	vld [tilespmem:s26+$0x3480];
	v28 =	vmul.f32 $5.000000000e-01, v8;
	v47 =	vmul.f32 v58, v58;
	v11 =	vadd.f32 v11, v59;
	v62 =	vpop (erf)  }
0x145: {  	v25 =	vsub.f32 v9, v17;
	v12 =	vmul.f32 v8, v5;
	v63 =	vld [tilespmem:s26+$0x3400];
	v44 =	vmul.f32 v44, v44;
	v56 =	vpop (erf)  }
0x146: {  	v11 =	vadd.f32 v47, v11;
	v57 =	vmul.f32 v62, v39;
	v58 =	vmul.f32 v56, v40  }
0x147: {  	v31 =	vmul.f32 $5.000000000e-01, v5;
	v43 =	vsub.f32 v45, v43;
	v45 =	vmul.f32 v46, v46  }
0x148: {  	v42 =	vmul.f32 v60, v60;
	v11 =	vadd.f32 v44, v11;
	vm2 =	vgt.f32 v58, v57  }
0x149: {  	v52 =	vld [tilespmem:s26+$0x2F00];
	v40 =	vsel vm2, v21, v20;
	v39 =	vsel vm2, v35, v22;
	v29 =	vsel vm2, v61, v29  }
0x14a: {  	v44 =	vld [tilespmem:s26+$0x3F00];
	v41 =	vsel vm2, v63, v27;
	v21 =	vshra.s32 v39, $0x1;
	v27 =	vmul.f32 $5.000000000e-01, v39  }
0x14b: {  	v20 =	vld [tilespmem:s26+$0x2800];
	v59 =	vshra.s32 v40, $0x1;
	v60 =	vshra.s32 v29, $0x1;
	v46 =	vmul.f32 $5.000000000e-01, v29  }
0x14c: {  	v22 =	vld [tilespmem:s26+$0x3800];
	v47 =	vmul.f32 $5.000000000e-01, v40;
	v61 =	vshra.s32 v41, $0x1;
	v50 =	vmul.f32 $5.000000000e-01, v41  }
0x14d: {  	v34 =	vsub.s32 $0x5F3759DF, v59;
	v48 =	vsub.s32 $0x5F3759DF, v61;
	v21 =	vsub.s32 $0x5F3759DF, v21  }
0x14e: {  	v35 =	vsub.s32 $0x5F3759DF, v60;
	v62 =	vmul.f32 v34, v47;
	v63 =	vmul.f32 v48, v50  }
0x14f: {  	v11 =	vadd.f32 v42, v11;
	v60 =	vmul.f32 v21, v27;
	v56 =	vmul.f32 v35, v46  }
0x150: {  	v57 =	vld [tilespmem:s26+$0x3A00];
	v42 =	vsub.f32 v52, v44;
	v53 =	vmul.f32 v34, v62;
	v54 =	vmul.f32 v48, v63  }
0x151: {  	v20 =	vsub.f32 v20, v22;
	v22 =	vld [tilespmem:s26+$0x2A00];
	v61 =	vmul.f32 v21, v60;
	v62 =	vmul.f32 v35, v56  }
0x152: {  	v43 =	vmul.f32 v43, v43;
	v58 =	vld [tilespmem:s26+$0x3980];
	v53 =	vsub.f32 $1.500000000e+00, v53;
	v54 =	vsub.f32 $1.500000000e+00, v54  }
0x153: {  	v63 =	vld [tilespmem:s26+$0x2980];
	v20 =	vmul.f32 v20, v20;
	v59 =	vsub.f32 $1.500000000e+00, v61;
	v55 =	vsub.f32 $1.500000000e+00, v62  }
0x154: {  	v56 =	vsel vm2, v9, v7;
	v34 =	vmul.f32 v34, v53;
	v44 =	vmul.f32 v48, v54  }
0x155: {  	v11 =	vadd.f32 v20, v11;
	v20 =	vmul.f32 v21, v59;
	v21 =	vmul.f32 v35, v55  }
0x156: {  	v35 =	vld [tilespmem:s26+$0x2E00];
	v22 =	vsub.f32 v22, v57;
	v48 =	vmul.f32 v34, v47;
	v52 =	vmul.f32 v44, v50  }
0x157: {  	v11 =	vadd.f32 v43, v11;
	v43 =	vld [tilespmem:s26+$0x3E00];
	v60 =	vmul.f32 v20, v27;
	v61 =	vmul.f32 v21, v46  }
0x158: {  	v59 =	vld [tilespmem:s26+$0x3B00];
	v62 =	vsub.f32 v63, v58;
	v48 =	vmul.f32 v48, v34;
	v52 =	vmul.f32 v52, v44  }
0x159: {  	v63 =	vld [tilespmem:s26+$0x2B00];
	v11 =	vadd.f32 v45, v11;
	v53 =	vmul.f32 v60, v20;
	v54 =	vmul.f32 v61, v21  }
0x15a: {  	v22 =	vmul.f32 v22, v22;
	v48 =	vsub.f32 $1.500000000e+00, v48;
	v52 =	vsub.f32 $1.500000000e+00, v52  }
0x15b: {  	v55 =	vmul.f32 v62, v62;
	v53 =	vsub.f32 $1.500000000e+00, v53;
	v54 =	vsub.f32 $1.500000000e+00, v54  }
0x15c: {  	v43 =	vsub.f32 v35, v43;
	v34 =	vmul.f32 v48, v34;
	v35 =	vmul.f32 v52, v44  }
0x15d: {  	v11 =	vadd.f32 v55, v11;
	v60 =	vmul.f32 v53, v20;
	v61 =	vmul.f32 v54, v21  }
0x15e: {  	v45 =	vsub.f32 v63, v59;
	v21 =	vmul.f32 v34, v47;
	v52 =	vmul.f32 v35, v50  }
0x15f: {  	v63 =	vld [tilespmem:s26+$0x3300];
	v11 =	vadd.f32 v22, v11;
	v53 =	vmul.f32 v60, v27;
	v54 =	vmul.f32 v61, v46  }
0x160: {  	v22 =	vadd.f32 v12, v49;
	v62 =	vmul.f32 v21, v34;
	v52 =	vmul.f32 v52, v35  }
0x161: {  	v9 =	vld [tilespmem:s31+$0x2500];
	v51 =	vadd.f32 v51, v11;
	v53 =	vmul.f32 v53, v60;
	v54 =	vmul.f32 v54, v61  }
0x162: {  	v19 =	vsel vm2, v23, v19;
	v7 =	vld [tilespmem:s31+$0x3280];
	v49 =	vsub.f32 $1.500000000e+00, v62;
	v52 =	vsub.f32 $1.500000000e+00, v52  }
0x163: {  	v20 =	vld [tilespmem:s31+$0x2E80];
	v45 =	vmul.f32 v45, v45;
	v53 =	vsub.f32 $1.500000000e+00, v53;
	v54 =	vsub.f32 $1.500000000e+00, v54  }
0x164: {  	v11 =	vld [tilespmem:s31+$0x2280];
	v57 =	vsel vm2, v63, v10;
	v23 =	vmul.f32 v49, v34;
	v49 =	vmul.f32 v52, v35  }
0x165: {  	v10 =	vld [tilespmem:s31+$0x3500];
	v52 =	vadd.f32 v45, v51;
	v44 =	vmul.f32 v53, v60;
	v45 =	vmul.f32 v54, v61  }
0x166: {  	v14 =	vsel vm2, v18, v14;
	v54 =	vld [tilespmem:s26+$0x3380];
	v47 =	vmul.f32 v23, v47;
	v50 =	vmul.f32 v49, v50  }
0x167: {  	v21 =	vld [tilespmem:s31+$0x3E80];
	v34 =	vadd.f32 v30, v52;
	v58 =	vmul.f32 v44, v27;
	v46 =	vmul.f32 v45, v46  }
0x168: {  	v19 =	vsub.f32 v19, v57;
	v35 =	vld [tilespmem:s31+$0x3D00];
	v59 =	vmul.f32 v47, v23;
	v60 =	vmul.f32 v50, v49  }
0x169: {  	v27 =	vld [tilespmem:s31+$0x2D80];
	v61 =	vadd.f32 v32, v34;
	v62 =	vmul.f32 v58, v44;
	v46 =	vmul.f32 v46, v45  }
0x16a: {  	v19 =	vmul.f32 v19, v19;
	v30 =	vld [tilespmem:s31+$0x3D80];
	v18 =	vsub.f32 $1.500000000e+00, v59;
	v47 =	vsub.f32 $1.500000000e+00, v60  }
0x16b: {  	v32 =	vld [tilespmem:s31+$0x2D00];
	v13 =	vsel vm2, v54, v13;
	v63 =	vsub.f32 $1.500000000e+00, v62;
	v46 =	vsub.f32 $1.500000000e+00, v46  }
0x16c: {  	v34 =	vld [tilespmem:s31+$0x2C80];
	v54 =	vsub.f32 v14, v13;
	v18 =	vmul.f32 v18, v23;
	v23 =	vmul.f32 v47, v49  }
0x16d: {  	v14 =	vld [tilespmem:s31+$0x3080];
	v55 =	vadd.f32 v37, v61;
	v44 =	vmul.f32 v63, v44;
	v45 =	vmul.f32 v46, v45  }
0x16e: {  	v15 =	vsel vm2, v17, v15;
	v13 =	vld [tilespmem:s31+$0x3100];
	v17 =	vmul.f32 v18, v40;
	v18 =	vmul.f32 v23, v41  }
0x16f: {  	v37 =	vld [tilespmem:s31+$0x3C80];
	v59 =	vsub.f32 v56, v15;
	v57 =	vadd.f32 v38, v55;
	v58 =	vmul.f32 v54, v54  }
0x170: {  	v15 =	vld [tilespmem:s31+$0x2100];
	v39 =	vmul.f32 v44, v39;
	v29 =	vmul.f32 v45, v29;
	v17 =	vsub.f32 v17, v18  }
0x171: {  	v43 =	vmul.f32 v43, v43;
	v23 =	vld [tilespmem:s31+$0x2400];
	v19 =	vadd.f32 v58, v19;
	v36 =	vadd.f32 v36, v57  }
0x172: {  	v40 =	vsub.f32 v14, v31;
	v18 =	vld [tilespmem:s31+$0x2080];
	v60 =	vsub.f32 v39, v29;
	v17 =	vmul.f32 v17, v17  }
0x173: {  	v38 =	vld [tilespmem:s31+$0x2C00];
	v61 =	vmul.f32 v59, v59;
	v39 =	vsub.f32 v13, v28;
	v62 =	vadd.f32 v43, v36  }
0x174: {  	v29 =	vld [tilespmem:s31+$0x2480];
	v43 =	vadd.f32 v31, v14;
	v41 =	vmul.f32 v60, v60;
	v17 =	vadd.f32 v17, v19  }
0x175: {  	v16 =	vmul.f32 $5.000000000e-01, v6;
	v36 =	vld [tilespmem:s31+$0x3C00];
	v31 =	vadd.f32 v61, v61;
	v46 =	vadd.f32 v33, v62  }
0x176: {  	v42 =	vmul.f32 v42, v42;
	v33 =	vadd.f32 v28, v13;
	v19 =	vld [tilespmem:s31+$0x2300];
	v63 =	vadd.f32 v17, v41  }
0x177: {  	v44 =	vmul.f32 $5.000000000e-01, v23;
	v45 =	vsub.f32 v18, v26;
	v17 =	vld [tilespmem:s31+$0x2380];
	v41 =	vmul.f32 v24, v24  }
0x178: {  	v28 =	vld [tilespmem:s31+$0x2B80];
	v24 =	vadd.f32 v42, v46;
	v42 =	vmul.f32 v25, v25;
	v25 =	vadd.f32 v63, v31  }
0x179: {  	s0 =	simm.s32 $0xFFFFFE80;
	v26 =	vadd.f32 v26, v18;
	v47 =	vmul.f32 $5.000000000e-01, v29;
	v46 =	vsub.f32 v15, v16;
	v31 =	vld [tilespmem:s31+$0x3B80]  }
.LBB2_5:
0x17a: {  	p1 =	sne.s32 s0, $0xFFFFFFC0;
	v48 =	vld [tilespmem:s31+$0x2A80];
	v49 =	vsel vm0, $0x3F800000, v0;
	v41 =	vadd.f32 v42, v41;
	v24 =	vadd.f32 v25, v24  }
0x17b: {  	v16 =	vadd.f32 v16, v15;
	v50 =	vsel vm1, $0x3F800000, v0;
	v42 =	vld [tilespmem:s31+$0x3A80];
	v25 =	vsub.f32 v19, v44  }
0x17c: {  	v51 =	vld [tilespmem:s31+$0x2900];
	v52 =	vsub.f32 v17, v47;
	v24 =	vmul.f32 v24, v49;
	v41 =	vmul.f32 v41, v50  }
0x17d: {  	v44 =	vadd.f32 v44, v19;
	v47 =	vadd.f32 v47, v17;
	v50 =	vmul.f32 v29, v23;
	v49 =	vld [tilespmem:s31+$0x3900]  }
0x17e: {  	v45 =	vmax.f32 v45, v40;
	v46 =	vmax.f32 v46, v39;
	v53 =	vld [tilespmem:s31+$0x2780];
	v24 =	vadd.f32 v24, v41  }
0x17f: {  	v26 =	vmin.f32 v26, v43;
	v16 =	vmin.f32 v16, v33;
	v25 =	vmax.f32 v25, v40;
	v41 =	vld [tilespmem:s31+$0x3780]  }
0x180: {  	s2 =	sshra.s32 s0, $0x2;
	v43 =	vmin.f32 v44, v43;
	v39 =	vmax.f32 v52, v39;
	v40 =	vld [tilespmem:s31+$0x2680];
	v3 =	vadd.f32 v24, v3  }
0x181: {  	vm0 =	vlt.f32 v26, v45;
	vm1 =	vlt.f32 v16, v46;
	v16 =	vmin.f32 v47, v33;
	v44 =	vld [tilespmem:s2+$0x2180]  }
0x182: {  	vm0 =	vmand vm0, vm1;
	vm1 =	vlt.f32 v43, v25;
	vm2 =	vlt.f32 v16, v39;
	v45 =	vld [tilespmem:s2+$0x2200]  }
0x183: {  	v12 =	vadd.f32 v12, v50;
	v39 =	vsel vm0, $0x3F800000, v0;
	vm0 =	vmand vm1, vm2;
	v43 =	vld [tilespmem:s2+$0x3180]  }
0x184: {  	v16 =	vsub.f32 v22, v39;
	v22 =	vsel vm0, $0x3F800000, v0;
	v46 =	vld [tilespmem:s2+$0x3200]  }
0x185: {  	v24 =	vsub.f32 v11, v7;
	vm0 =	vgt.f32 v7, $0.0e+00;
	v12 =	vsub.f32 v12, v22;
	v33 =	vld [tilespmem:s31+$0x2580]  }
0x186: {  	v20 =	vsub.f32 v20, v21;
	v25 =	vsub.f32 v9, v10;
	v47 =	vld [tilespmem:s31+$0x3580];
	(erf) = vrcp.f32 v16  }
0x187: {  	v32 =	vsub.f32 v32, v35;
	v27 =	vsub.f32 v27, v30;
	v50 =	vld [tilespmem:s31+$0x2600];
	(erf) = vrcp.f32 v12  }
0x188: {  	v35 =	vsub.f32 v38, v36;
	v34 =	vsub.f32 v34, v37;
	vm1 =	veq.f32 v7, $0.0e+00;
	v30 =	vld [tilespmem:s31+$0x3600]  }
0x189: {  	v54 =	vsub.f32 v28, v31;
	v21 =	vmul.f32 v45, v44;
	v12 =	vmul.f32 v46, v43;
	v52 =	vld [tilespmem:s31+$0x3680]  }
0x18a: {  	v42 =	vsub.f32 v48, v42;
	v31 =	vmul.f32 $5.000000000e-01, v43;
	v28 =	vmul.f32 $5.000000000e-01, v46;
	v55 =	vld [tilespmem:s31+$0x2700]  }
0x18b: {  	v49 =	vsub.f32 v51, v49;
	v26 =	vmul.f32 $5.000000000e-01, v44;
	v16 =	vmul.f32 $5.000000000e-01, v45;
	v48 =	vld [tilespmem:s31+$0x3700]  }
0x18c: {  	v36 =	vmul.f32 v27, v27;
	v47 =	vsub.f32 v33, v47;
	v33 =	vmul.f32 v20, v20;
	v51 =	vld [tilespmem:s31+$0x2880]  }
0x18d: {  	v37 =	vmul.f32 v34, v34;
	v38 =	vmul.f32 v32, v32;
	v20 =	vsub.f32 v50, v30;
	v30 =	vld [tilespmem:s31+$0x3880]  }
0x18e: {  	v32 =	vmul.f32 v35, v35;
	v27 =	vmul.f32 v54, v54;
	v34 =	vsub.f32 v40, v52  }
0x18f: {  	v41 =	vsub.f32 v53, v41;
	v40 =	vmul.f32 v47, v47;
	v20 =	vmul.f32 v20, v20;
	v47 =	vld [tilespmem:s31+$0x3480];
	v50 =	vpop (erf)  }
0x190: {  	v35 =	vmul.f32 v42, v42;
	v34 =	vmul.f32 v34, v34;
	v48 =	vsub.f32 v55, v48;
	v42 =	vld [tilespmem:s31+$0x3400];
	v52 =	vpop (erf)  }
0x191: {  	v39 =	vmul.f32 v50, v39;
	v20 =	vadd.f32 v20, v40;
	v22 =	vmul.f32 v52, v22  }
0x192: {  	v49 =	vmul.f32 v49, v49;
	v41 =	vmul.f32 v41, v41;
	v50 =	vsub.f32 v51, v30  }
0x193: {  	v48 =	vmul.f32 v48, v48;
	v20 =	vadd.f32 v34, v20;
	vm2 =	vgt.f32 v22, v39  }
0x194: {  	v23 =	vsel vm2, v23, v4;
	v29 =	vsel vm2, v29, v6;
	v39 =	vsel vm2, v47, v8;
	v4 =	vmovc v44  }
0x195: {  	v6 =	vmovc v45;
	v22 =	vld [tilespmem:s31+$0x2800];
	v40 =	vsel vm2, v42, v5;
	v42 =	vshra.s32 v29, $0x1;
	v30 =	vmul.f32 $5.000000000e-01, v29;
	v5 =	vmovc v43  }
0x196: {  	v8 =	vmovc v46;
	v44 =	vshra.s32 v23, $0x1;
	v45 =	vshra.s32 v39, $0x1;
	v34 =	vmul.f32 $5.000000000e-01, v39;
	v43 =	vld [tilespmem:s31+$0x3800]  }
0x197: {  	v46 =	vmul.f32 $5.000000000e-01, v23;
	v47 =	vshra.s32 v40, $0x1;
	v51 =	vmul.f32 $5.000000000e-01, v40  }
0x198: {  	v44 =	vsub.s32 $0x5F3759DF, v44;
	v42 =	vsub.s32 $0x5F3759DF, v42;
	v47 =	vsub.s32 $0x5F3759DF, v47  }
0x199: {  	v45 =	vsub.s32 $0x5F3759DF, v45;
	v53 =	vmul.f32 v44, v46;
	v54 =	vmul.f32 v47, v51;
	v52 =	vld [tilespmem:s31+$0x2F00]  }
0x19a: {  	v20 =	vadd.f32 v48, v20;
	v55 =	vmul.f32 v42, v30;
	v56 =	vmul.f32 v45, v34;
	v48 =	vld [tilespmem:s31+$0x3F00]  }
0x19b: {  	v53 =	vmul.f32 v44, v53;
	v54 =	vmul.f32 v47, v54;
	v22 =	vsub.f32 v22, v43;
	v43 =	vld [tilespmem:s31+$0x2A00]  }
0x19c: {  	v20 =	vadd.f32 v41, v20;
	v41 =	vmul.f32 v42, v55;
	v55 =	vmul.f32 v45, v56;
	v57 =	vld [tilespmem:s31+$0x3A00]  }
0x19d: {  	v50 =	vmul.f32 v50, v50;
	v53 =	vsub.f32 $1.500000000e+00, v53;
	v54 =	vsub.f32 $1.500000000e+00, v54;
	v56 =	vld [tilespmem:s31+$0x2980]  }
0x19e: {  	v59 =	vsub.f32 $1.500000000e+00, v41;
	v55 =	vsub.f32 $1.500000000e+00, v55;
	v22 =	vmul.f32 v22, v22;
	v58 =	vld [tilespmem:s31+$0x3980]  }
0x19f: {  	v44 =	vmul.f32 v44, v53;
	v47 =	vmul.f32 v47, v54;
	v41 =	vsub.f32 v52, v48  }
0x1a0: {  	v20 =	vadd.f32 v22, v20;
	v22 =	vmul.f32 v42, v59;
	v42 =	vmul.f32 v45, v55  }
0x1a1: {  	v48 =	vmul.f32 v44, v46;
	v52 =	vmul.f32 v47, v51;
	v43 =	vsub.f32 v43, v57;
	v45 =	vld [tilespmem:s31+$0x2E00]  }
0x1a2: {  	v20 =	vadd.f32 v50, v20;
	v53 =	vmul.f32 v22, v30;
	v54 =	vmul.f32 v42, v34;
	v50 =	vld [tilespmem:s31+$0x3E00]  }
0x1a3: {  	v48 =	vmul.f32 v48, v44;
	v52 =	vmul.f32 v52, v47;
	v55 =	vsub.f32 v56, v58;
	v56 =	vld [tilespmem:s31+$0x2B00]  }
0x1a4: {  	v20 =	vadd.f32 v49, v20;
	v53 =	vmul.f32 v53, v22;
	v54 =	vmul.f32 v54, v42;
	v49 =	vld [tilespmem:s31+$0x3B00]  }
0x1a5: {  	v43 =	vmul.f32 v43, v43;
	v48 =	vsub.f32 $1.500000000e+00, v48;
	v52 =	vsub.f32 $1.500000000e+00, v52  }
0x1a6: {  	v55 =	vmul.f32 v55, v55;
	v53 =	vsub.f32 $1.500000000e+00, v53;
	v54 =	vsub.f32 $1.500000000e+00, v54  }
0x1a7: {  	v44 =	vmul.f32 v48, v44;
	v47 =	vmul.f32 v52, v47;
	v45 =	vsub.f32 v45, v50  }
0x1a8: {  	v20 =	vadd.f32 v55, v20;
	v48 =	vmul.f32 v53, v22;
	v42 =	vmul.f32 v54, v42  }
0x1a9: {  	v50 =	vmul.f32 v44, v46;
	v52 =	vmul.f32 v47, v51;
	v49 =	vsub.f32 v56, v49  }
0x1aa: {  	v43 =	vadd.f32 v43, v20;
	v53 =	vmul.f32 v48, v30;
	v54 =	vmul.f32 v42, v34  }
0x1ab: {  	v22 =	vadd.f32 v12, v21;
	v50 =	vmul.f32 v50, v44;
	v52 =	vmul.f32 v52, v47;
	v20 =	vld [tilespmem:s2+$0x2E80]  }
0x1ac: {  	v35 =	vadd.f32 v35, v43;
	v53 =	vmul.f32 v53, v48;
	v54 =	vmul.f32 v54, v42;
	v43 =	vld [tilespmem:s31+$0x3300]  }
0x1ad: {  	v49 =	vmul.f32 v49, v49;
	v50 =	vsub.f32 $1.500000000e+00, v50;
	v52 =	vsub.f32 $1.500000000e+00, v52;
	v21 =	vld [tilespmem:s2+$0x3E80]  }
0x1ae: {  	v55 =	vsel vm2, v9, v11;
	v53 =	vsub.f32 $1.500000000e+00, v53;
	v54 =	vsub.f32 $1.500000000e+00, v54;
	v11 =	vld [tilespmem:s2+$0x2280]  }
0x1af: {  	v18 =	vsel vm2, v19, v18;
	v19 =	vmul.f32 v50, v44;
	v44 =	vmul.f32 v52, v47;
	v9 =	vld [tilespmem:s2+$0x2500]  }
0x1b0: {  	v35 =	vadd.f32 v49, v35;
	v48 =	vmul.f32 v53, v48;
	v42 =	vmul.f32 v54, v42;
	v47 =	vld [tilespmem:s2+$0x3280]  }
0x1b1: {  	v49 =	vld [tilespmem:s31+$0x3380];
	v14 =	vsel vm2, v43, v14;
	v43 =	vmul.f32 v19, v46;
	v46 =	vmul.f32 v44, v51;
	s31 =	smov.u32 s2  }
0x1b2: {  	v35 =	vadd.f32 v27, v35;
	v51 =	vmul.f32 v48, v30;
	v34 =	vmul.f32 v42, v34;
	v50 =	vld [tilespmem:s31+$0x3500]  }
0x1b3: {  	v18 =	vsub.f32 v18, v14;
	v27 =	vld [tilespmem:s31+$0x2D80];
	v14 =	vmul.f32 v43, v19;
	v43 =	vmul.f32 v46, v44  }
0x1b4: {  	v46 =	vadd.f32 v32, v35;
	v51 =	vmul.f32 v51, v48;
	v34 =	vmul.f32 v34, v42;
	v30 =	vld [tilespmem:s31+$0x3D80]  }
0x1b5: {  	v15 =	vsel vm2, v17, v15;
	v32 =	vld [tilespmem:s31+$0x2D00];
	v14 =	vsub.f32 $1.500000000e+00, v14;
	v17 =	vsub.f32 $1.500000000e+00, v43  }
0x1b6: {  	v43 =	vsub.f32 $1.500000000e+00, v51;
	v35 =	vld [tilespmem:s31+$0x3D00];
	v13 =	vsel vm2, v49, v13;
	v49 =	vsub.f32 $1.500000000e+00, v34  }
0x1b7: {  	v34 =	vld [tilespmem:s31+$0x2C80];
	v15 =	vsub.f32 v15, v13;
	v19 =	vmul.f32 v14, v19;
	v17 =	vmul.f32 v17, v44  }
0x1b8: {  	v44 =	vadd.f32 v37, v46;
	v43 =	vmul.f32 v43, v48;
	v14 =	vld [tilespmem:s31+$0x3080];
	v42 =	vmul.f32 v49, v42  }
0x1b9: {  	v46 =	vsel vm2, v10, v7;
	v7 =	vmovc v47;
	v13 =	vld [tilespmem:s31+$0x3100];
	v19 =	vmul.f32 v19, v23;
	v17 =	vmul.f32 v17, v40  }
0x1ba: {  	v18 =	vmul.f32 v18, v18;
	v10 =	vmovc v50;
	v40 =	vadd.f32 v38, v44;
	v15 =	vmul.f32 v15, v15;
	v37 =	vld [tilespmem:s31+$0x3C80]  }
0x1bb: {  	v23 =	vld [tilespmem:s31+$0x2400];
	v17 =	vsub.f32 v19, v17;
	v19 =	vmul.f32 v43, v29;
	v29 =	vmul.f32 v42, v39  }
0x1bc: {  	v42 =	vmul.f32 v45, v45;
	v43 =	vsub.f32 v55, v46;
	v44 =	vadd.f32 v15, v18;
	v38 =	vld [tilespmem:s31+$0x2C00]  }
0x1bd: {  	v36 =	vadd.f32 v36, v40;
	v18 =	vld [tilespmem:s31+$0x2080];
	v17 =	vmul.f32 v17, v17;
	v19 =	vsub.f32 v19, v29  }
0x1be: {  	v40 =	vsub.f32 v14, v31;
	v45 =	vmul.f32 v43, v43;
	v15 =	vld [tilespmem:s31+$0x2100];
	v39 =	vsub.f32 v13, v28  }
0x1bf: {  	v42 =	vadd.f32 v42, v36;
	v29 =	vld [tilespmem:s31+$0x2480];
	v17 =	vadd.f32 v17, v44;
	v46 =	vmul.f32 v19, v19  }
.Ltmp1:
0x1c0: {  	v43 =	vadd.f32 v31, v14;
	v31 =	vadd.f32 v45, v45;
	v36 =	vld [tilespmem:s31+$0x3C00];
	v44 =	vmul.f32 $5.000000000e-01, v23;
	(pc) =	sbr.rel @p1 .LBB2_5-.Ltmp1, $4  }
0x1c1: {  	v47 =	vmul.f32 v41, v41;
	v42 =	vadd.f32 v33, v42;
	v19 =	vld [tilespmem:s31+$0x2300];
	v46 =	vadd.f32 v17, v46  }
0x1c2: {  	v41 =	vmul.f32 v24, v24;
	v33 =	vadd.f32 v28, v13;
	v17 =	vld [tilespmem:s31+$0x2380];
	v45 =	vsub.f32 v18, v26  }
0x1c3: {  	v24 =	vadd.f32 v47, v42;
	v42 =	vmul.f32 v25, v25;
	v28 =	vld [tilespmem:s31+$0x2B80];
	v25 =	vadd.f32 v46, v31  }
0x1c4: {  	s0 =	sadd.s32 $0x40, s0;
	v26 =	vadd.f32 v26, v18;
	v46 =	vsub.f32 v15, v16;
	v31 =	vld [tilespmem:s31+$0x3B80];
	v47 =	vmul.f32 $5.000000000e-01, v29  }
0x1c5: {  	v16 =	vadd.f32 v16, v15;
	v45 =	vmax.f32 v45, v40  }
0x1c6: {  	v50 =	vld [tilespmem:s31+$0x2A80];
	v51 =	vmul.f32 v29, v23;
	v48 =	vsub.f32 v19, v44;
	v61 =	vadd.f32 v44, v19  }
0x1c7: {  	v54 =	vld [tilespmem:s31+$0x3A80];
	v46 =	vmax.f32 v46, v39;
	v26 =	vmin.f32 v26, v43;
	v49 =	vsub.f32 v17, v47  }
0x1c8: {  	v57 =	vld [tilespmem:s31+$0x3900];
	v62 =	vadd.f32 v47, v17;
	v16 =	vmin.f32 v16, v33;
	vm2 =	vlt.f32 v26, v45  }
0x1c9: {  	v60 =	vld [tilespmem:s31+$0x2580];
	v12 =	vadd.f32 v12, v51;
	v63 =	vmax.f32 v48, v40;
	v56 =	vmin.f32 v61, v43  }
0x1ca: {  	v53 =	vld [tilespmem:s31+$0x2700];
	vm3 =	vlt.f32 v16, v46;
	v55 =	vmax.f32 v49, v39;
	v58 =	vmin.f32 v62, v33  }
0x1cb: {  	v51 =	vld [tilespmem:s31+$0x3680];
	vm2 =	vmand vm2, vm3;
	vm11 =	vlt.f32 v56, v63;
	vm4 =	vlt.f32 v58, v55  }
0x1cc: {  	v61 =	vld [tilespmem:s31+$0x3580];
	v39 =	vsel vm2, $0x3F800000, v0;
	vm12 =	vmand vm11, vm4  }
0x1cd: {  	v49 =	vld [tilespmem:s31+$0x2900];
	v59 =	vsub.f32 v22, v39;
	v45 =	vsel vm12, $0x3F800000, v0  }
0x1ce: {  	v52 =	vsub.f32 v38, v36;
	v62 =	vld [tilespmem:s31+$0x2600];
	v12 =	vsub.f32 v12, v45  }
0x1cf: {  	v63 =	vld [tilespmem:s31+$0x3600];
	(erf) = vrcp.f32 v59  }
0x1d0: {  	v47 =	vsub.f32 v27, v30;
	v30 =	vmul.f32 v52, v52;
	v52 =	vld [tilespmem:s31+$0x2800];
	(erf) = vrcp.f32 v12  }
0x1d1: {  	v43 =	vld [tilespmem:s31+$0x2680]  }
0x1d2: {  	v34 =	vsub.f32 v34, v37;
	v55 =	vld [tilespmem:s31+$0x3700]  }
0x1d3: {  	v40 =	vld [tilespmem:s31+$0x3780];
	v56 =	vsub.f32 v49, v57;
	v57 =	vsub.f32 v60, v61  }
0x1d4: {  	v33 =	vld [tilespmem:s31+$0x2780];
	v12 =	vadd.f32 v42, v41;
	v41 =	vsub.f32 v62, v63  }
0x1d5: {  	v32 =	vsub.f32 v32, v35;
	v26 =	vmul.f32 v34, v34;
	v46 =	vld [tilespmem:s31+$0x3400];
	v28 =	vsub.f32 v28, v31  }
0x1d6: {  	v58 =	vld [tilespmem:s31+$0x2880];
	v27 =	vsub.f32 v43, v51;
	v60 =	vmul.f32 v57, v57;
	v61 =	vmul.f32 v41, v41  }
0x1d7: {  	v16 =	vmul.f32 v47, v47;
	v54 =	vsub.f32 v50, v54;
	v59 =	vld [tilespmem:s31+$0x3880];
	v35 =	vsub.f32 v53, v55  }
0x1d8: {  	v22 =	vmul.f32 v32, v32;
	v62 =	vld [tilespmem:s31+$0x3480];
	v27 =	vmul.f32 v27, v27;
	v32 =	vadd.f32 v61, v60;
	v63 =	vpop (erf)  }
0x1d9: {  	v31 =	vmul.f32 v54, v54;
	v33 =	vsub.f32 v33, v40;
	v53 =	vld [tilespmem:s31+$0x3800];
	v51 =	vmul.f32 v35, v35;
	v47 =	vpop (erf)  }
0x1da: {  	v27 =	vadd.f32 v27, v32;
	v48 =	vmul.f32 v63, v39;
	v49 =	vmul.f32 v47, v45  }
0x1db: {  	v33 =	vmul.f32 v33, v33;
	v37 =	vmul.f32 v56, v56  }
0x1dc: {  	v50 =	vsub.f32 v58, v59;
	v27 =	vadd.f32 v51, v27;
	vm13 =	vgt.f32 v49, v48  }
0x1dd: {  	v23 =	vsel vm13, v23, v4;
	v4 =	vsel vm13, v29, v6;
	v6 =	vsel vm13, v62, v8  }
0x1de: {  	v5 =	vsel vm13, v46, v5;
	v8 =	vsub.f32 v52, v53;
	v29 =	vshra.s32 v4, $0x1  }
0x1df: {  	v34 =	vmul.f32 $5.000000000e-01, v4;
	v54 =	vshra.s32 v23, $0x1;
	v38 =	vshra.s32 v6, $0x1  }
0x1e0: {  	v39 =	vmul.f32 $5.000000000e-01, v6;
	v41 =	vmul.f32 $5.000000000e-01, v23;
	v55 =	vshra.s32 v5, $0x1  }
0x1e1: {  	v43 =	vmul.f32 $5.000000000e-01, v5;
	v36 =	vsub.s32 $0x5F3759DF, v54;
	v42 =	vsub.s32 $0x5F3759DF, v55  }
0x1e2: {  	v63 =	vld [tilespmem:s31+$0x3980];
	v29 =	vsub.s32 $0x5F3759DF, v29;
	v8 =	vmul.f32 v8, v8;
	v56 =	vmul.f32 v36, v41  }
0x1e3: {  	v62 =	vld [tilespmem:s31+$0x2980];
	v38 =	vsub.s32 $0x5F3759DF, v38;
	v57 =	vmul.f32 v42, v43;
	v58 =	vmul.f32 v29, v34  }
0x1e4: {  	v27 =	vadd.f32 v33, v27;
	v59 =	vmul.f32 v38, v39;
	v44 =	vmul.f32 v36, v56  }
0x1e5: {  	v60 =	vld [tilespmem:s31+$0x2A00];
	v45 =	vmul.f32 v42, v57;
	v32 =	vmul.f32 v29, v58  }
0x1e6: {  	v61 =	vld [tilespmem:s31+$0x3A00];
	v8 =	vadd.f32 v8, v27;
	v46 =	vmul.f32 v38, v59;
	v44 =	vsub.f32 $1.500000000e+00, v44  }
0x1e7: {  	v40 =	vmul.f32 v50, v50;
	v48 =	vld [tilespmem:s31+$0x3B00];
	v45 =	vsub.f32 $1.500000000e+00, v45;
	v32 =	vsub.f32 $1.500000000e+00, v32  }
0x1e8: {  	v59 =	vsub.f32 v62, v63;
	v63 =	vld [tilespmem:s31+$0x2B00];
	v46 =	vsub.f32 $1.500000000e+00, v46;
	v36 =	vmul.f32 v36, v44  }
0x1e9: {  	v42 =	vmul.f32 v42, v45;
	v27 =	vmul.f32 v29, v32  }
0x1ea: {  	v8 =	vadd.f32 v40, v8;
	v52 =	vmul.f32 v38, v46;
	v45 =	vmul.f32 v59, v59  }
0x1eb: {  	v53 =	vsub.f32 v60, v61;
	v54 =	vmul.f32 v36, v41;
	v55 =	vmul.f32 v42, v43  }
0x1ec: {  	v8 =	vadd.f32 v37, v8;
	v56 =	vmul.f32 v27, v34;
	v57 =	vmul.f32 v52, v39  }
0x1ed: {  	v40 =	vsub.f32 v63, v48;
	v33 =	vmul.f32 v54, v36;
	v35 =	vmul.f32 v55, v42  }
0x1ee: {  	v8 =	vadd.f32 v45, v8;
	v61 =	vmul.f32 v56, v27;
	v62 =	vmul.f32 v57, v52  }
0x1ef: {  	v32 =	vmul.f32 v53, v53;
	v33 =	vsub.f32 $1.500000000e+00, v33;
	v35 =	vsub.f32 $1.500000000e+00, v35  }
0x1f0: {  	v40 =	vmul.f32 v40, v40;
	v37 =	vsub.f32 $1.500000000e+00, v61;
	v38 =	vsub.f32 $1.500000000e+00, v62  }
0x1f1: {  	v50 =	vmul.f32 v33, v36;
	v51 =	vmul.f32 v35, v42  }
0x1f2: {  	v8 =	vadd.f32 v32, v8;
	v27 =	vmul.f32 v37, v27;
	v29 =	vmul.f32 v38, v52  }
0x1f3: {  	v20 =	vsub.f32 v20, v21;
	v60 =	vld [tilespmem:s31+$0x3E00];
	v36 =	vmul.f32 v50, v41;
	v53 =	vmul.f32 v51, v43  }
0x1f4: {  	v58 =	vld [tilespmem:s31+$0x2E00];
	v8 =	vadd.f32 v31, v8;
	v54 =	vmul.f32 v27, v34;
	v38 =	vmul.f32 v29, v39  }
0x1f5: {  	v49 =	vsub.f32 v11, v7;
	v36 =	vmul.f32 v36, v50;
	v37 =	vmul.f32 v53, v51  }
0x1f6: {  	v55 =	vld [tilespmem:s31+$0x3300];
	v8 =	vadd.f32 v40, v8;
	v32 =	vmul.f32 v54, v27;
	v38 =	vmul.f32 v38, v29  }
0x1f7: {  	v28 =	vmul.f32 v28, v28;
	v36 =	vsub.f32 $1.500000000e+00, v36;
	v37 =	vsub.f32 $1.500000000e+00, v37  }
0x1f8: {  	v18 =	vsel vm13, v19, v18;
	v32 =	vsub.f32 $1.500000000e+00, v32;
	v38 =	vsub.f32 $1.500000000e+00, v38  }
0x1f9: {  	v52 =	vsub.f32 v58, v60;
	v57 =	vmul.f32 v36, v50;
	v58 =	vmul.f32 v37, v51  }
0x1fa: {  	v8 =	vadd.f32 v28, v8;
	v27 =	vmul.f32 v32, v27;
	v29 =	vmul.f32 v38, v29  }
0x1fb: {  	v59 =	vld [tilespmem:s31+$0x3380];
	v14 =	vsel vm13, v55, v14;
	v60 =	vmul.f32 v57, v41;
	v33 =	vmul.f32 v58, v43  }
0x1fc: {  	v8 =	vadd.f32 v30, v8;
	v61 =	vmul.f32 v27, v34;
	v62 =	vmul.f32 v29, v39  }
0x1fd: {  	v14 =	vsub.f32 v18, v14;
	v63 =	vmul.f32 v60, v57;
	v33 =	vmul.f32 v33, v58  }
0x1fe: {  	v8 =	vadd.f32 v26, v8;
	v28 =	vmul.f32 v61, v27;
	v36 =	vmul.f32 v62, v29  }
0x1ff: {  	v46 =	vsel vm13, v10, v7;
	v38 =	vsub.f32 $1.500000000e+00, v63;
	v39 =	vsub.f32 $1.500000000e+00, v33  }
0x200: {  	v13 =	vsel vm13, v59, v13;
	v28 =	vsub.f32 $1.500000000e+00, v28;
	v30 =	vsub.f32 $1.500000000e+00, v36  }
0x201: {  	v37 =	vsel vm13, v17, v15;
	v40 =	vmul.f32 v38, v57;
	v41 =	vmul.f32 v39, v58  }
0x202: {  	v45 =	vld [tilespmem:s31+$0x3F00];
	v13 =	vsub.f32 v37, v13;
	v43 =	vmul.f32 v28, v27;
	v44 =	vmul.f32 v30, v29  }
0x203: {  	v56 =	vsel vm13, v9, v11;
	v42 =	vld [tilespmem:s31+$0x2F00];
	v15 =	vmul.f32 v40, v23;
	v5 =	vmul.f32 v41, v5  }
0x204: {  	v14 =	vmul.f32 v14, v14;
	v8 =	vadd.f32 v22, v8;
	v13 =	vmul.f32 v13, v13  }
0x205: {  	v4 =	vmul.f32 v43, v4;
	v6 =	vmul.f32 v44, v6;
	v5 =	vsub.f32 v15, v5  }
0x206: {  	v11 =	vsub.f32 v56, v46;
	v47 =	vmul.f32 v52, v52;
	v8 =	vadd.f32 v16, v8  }
0x207: {  	v13 =	vadd.f32 v13, v14;
	v4 =	vsub.f32 v4, v6;
	v5 =	vmul.f32 v5, v5  }
0x208: {  	v48 =	vmul.f32 v20, v20;
	v11 =	vmul.f32 v11, v11;
	v50 =	vsub.f32 v42, v45  }
0x209: {  	v8 =	vadd.f32 v47, v8;
	v4 =	vmul.f32 v4, v4;
	v5 =	vadd.f32 v5, v13  }
0x20a: {  	vm14 =	vgt.f32 v7, $0.0e+00;
	v52 =	vsub.f32 v9, v10;
	v53 =	vadd.f32 v11, v11  }
0x20b: {  	v54 =	vmul.f32 v50, v50;
	v6 =	vadd.f32 v48, v8;
	v4 =	vadd.f32 v5, v4  }
0x20c: {  	v56 =	vsel vm1, $0x3F800000, v0;
	v55 =	vadd.f32 v25, v24;
	v57 =	vmul.f32 v49, v49  }
0x20d: {  	v58 =	vmul.f32 v52, v52;
	v6 =	vadd.f32 v54, v6;
	v4 =	vadd.f32 v4, v53  }
0x20e: {  	vm15 =	veq.f32 v7, $0.0e+00;
	v59 =	vmul.f32 v12, v56;
	v51 =	vsel vm0, $0x3F800000, v0  }
0x20f: {  	v60 =	vadd.f32 v58, v57;
	v5 =	vmul.f32 v55, v51;
	v4 =	vadd.f32 v4, v6  }
0x210: {  	v61 =	vsel vm14, $0x3F800000, v0;
	v62 =	vsel vm15, $0x3F800000, v0  }
0x211: {  	s30 =	sadd.s32 $0x1, s30;
	v63 =	vmul.f32 v60, v62;
	v5 =	vadd.f32 v5, v59;
	v4 =	vmul.f32 v4, v61  }
0x212: {  	p1 =	sne.s32 s30, $0x6  }
.Ltmp2:
0x213: {  	v3 =	vadd.f32 v5, v3;
	v4 =	vadd.f32 v4, v63;
	(pc) =	sbr.rel @p1 .LBB2_2-.Ltmp2, $3  }
0x214: {  	_ = 	snop  }
0x215: {  	v1 =	vadd.f32 v2, v1;
	v3 =	vadd.f32 v4, v3;
	_ =	sdelay $0x1  }
0x216: {  	v1 =	vadd.f32 v3, v1  }
0x217: {  	_ =	swait.ge [sflag:s18], $0xF00  }
0x218: {  	[sflag:s18] =	ssyncset.done $0x0  }
0x219: {  	[sflag:s18] =	ssyncadd.s32 $0xFFFFF100  }
0x21a: {  	_ =	swait.ge [sflag:s19], $0xF00  }
0x21b: {  	[sflag:s19] =	ssyncset.done $0x0  }
0x21c: {  	s0 =	simm.s32 $0xFFFFFF80;
	[sflag:s19] =	ssyncadd.s32 $0xFFFFF100  }
0x21d: {  	v19 =	vld [tilespmem:s0+$0x180]  }
0x21e: {  	v20 =	vld [tilespmem:s0+$0x200]  }
0x21f: {  	v10 =	vld [tilespmem:s0+$0x1180]  }
0x220: {  	v21 =	vld [tilespmem:s0+$0x1200]  }
0x221: {  	v11 =	vld [tilespmem:s0+$0xE80]  }
0x222: {  	v15 =	vld [tilespmem:s0+$0x1E80]  }
0x223: {  	v6 =	vld [tilespmem:s0+$0x280]  }
0x224: {  	v14 =	vld [tilespmem:s0+$0x1280]  }
0x225: {  	v25 =	vld [tilespmem:s0+$0xD80]  }
0x226: {  	v26 =	vld [tilespmem:s0+$0x1D80]  }
0x227: {  	v27 =	vld [tilespmem:s0+$0xD00]  }
0x228: {  	v28 =	vld [tilespmem:s0+$0x1D00]  }
0x229: {  	v29 =	vld [tilespmem:s0+$0xC80]  }
0x22a: {  	v9 =	vld [tilespmem:s0+$0x1080]  }
0x22b: {  	v12 =	vld [tilespmem:s0+$0x1100]  }
0x22c: {  	v30 =	vld [tilespmem:s0+$0x1C80]  }
0x22d: {  	v33 =	vld [tilespmem:s0+$0x400]  }
0x22e: {  	v31 =	vld [tilespmem:s0+$0xC00]  }
0x22f: {  	v18 =	vld [tilespmem:s0+$0x80]  }
0x230: {  	v13 =	vld [tilespmem:s0+$0x100]  }
0x231: {  	v34 =	vld [tilespmem:s0+$0x480]  }
0x232: {  	v32 =	vld [tilespmem:s0+$0x1C00];
	v2 =	vmul.f32 v21, v10;
	v3 =	vmul.f32 v20, v19  }
0x233: {  	v22 =	vld [tilespmem:s0+$0x300];
	v4 =	vmul.f32 $5.000000000e-01, v10;
	v5 =	vmul.f32 $5.000000000e-01, v21  }
0x234: {  	v17 =	vld [tilespmem:s0+$0x380];
	v7 =	vmul.f32 $5.000000000e-01, v19;
	v23 =	vadd.f32 v2, v3  }
0x235: {  	v35 =	vld [tilespmem:s0+$0xB80];
	v24 =	vmul.f32 $5.000000000e-01, v20;
	v3 =	vsub.f32 v9, v4;
	v36 =	vsub.f32 v12, v5  }
0x236: {  	v37 =	vld [tilespmem:s0+$0x1B80];
	v38 =	vmul.f32 $5.000000000e-01, v33;
	v4 =	vadd.f32 v4, v9;
	v5 =	vadd.f32 v5, v12  }
0x237: {  	v40 =	vld [tilespmem:s0+$0xA80];
	v42 =	vmul.f32 $5.000000000e-01, v34;
	v39 =	vsub.f32 v18, v7;
	v41 =	vsub.f32 v13, v24  }
0x238: {  	v43 =	vld [tilespmem:s0+$0x1A80];
	v7 =	vadd.f32 v7, v18;
	v24 =	vadd.f32 v24, v13  }
0x239: {  	v45 =	vld [tilespmem:s0+$0x900];
	v48 =	vmul.f32 v34, v33;
	v44 =	vsub.f32 v22, v38;
	v46 =	vsub.f32 v17, v42  }
0x23a: {  	v47 =	vld [tilespmem:s0+$0x1900];
	v38 =	vadd.f32 v38, v22;
	v42 =	vadd.f32 v42, v17;
	v39 =	vmax.f32 v39, v3  }
0x23b: {  	v49 =	vld [tilespmem:s0+$0x780];
	v41 =	vmax.f32 v41, v36;
	v7 =	vmin.f32 v7, v4;
	v24 =	vmin.f32 v24, v5  }
0x23c: {  	v50 =	vld [tilespmem:s0+$0x1780];
	v44 =	vmax.f32 v44, v3;
	v36 =	vmax.f32 v46, v36;
	v4 =	vmin.f32 v38, v4  }
0x23d: {  	v51 =	vld [tilespmem:s0+$0x680];
	vm0 =	vlt.f32 v7, v39;
	vm1 =	vlt.f32 v24, v41;
	v7 =	vmin.f32 v42, v5  }
0x23e: {  	v58 =	vld [tilespmem:s0+$0x1580];
	vm0 =	vmand vm0, vm1;
	vm1 =	vlt.f32 v4, v44;
	vm2 =	vlt.f32 v7, v36  }
0x23f: {  	v60 =	vld [tilespmem:s0+$0x600];
	v24 =	vadd.f32 v2, v48;
	v38 =	vsel vm0, $0x3F800000, v0;
	vm0 =	vmand vm1, vm2  }
0x240: {  	v62 =	vld [tilespmem:s0+$0x1600];
	v56 =	vsub.f32 v23, v38;
	v39 =	vsel vm0, $0x3F800000, v0  }
0x241: {  	v54 =	vld [tilespmem:s0+$0x700];
	v57 =	vsub.f32 v24, v39  }
0x242: {  	v63 =	vld [tilespmem:s0+$0x1700];
	v59 =	vsub.f32 v11, v15;
	(erf) = vrcp.f32 v56  }
0x243: {  	v61 =	vsub.f32 v27, v28;
	v26 =	vsub.f32 v25, v26;
	v41 =	vld [tilespmem:s0+$0x580];
	(erf) = vrcp.f32 v57  }
0x244: {  	v53 =	vld [tilespmem:s0+$0x1680];
	v31 =	vsub.f32 v31, v32;
	v29 =	vsub.f32 v29, v30  }
0x245: {  	s30 =	simm.s32 $0xFFFFFF90;
	v55 =	vld [tilespmem:s0+$0x1880];
	v37 =	vsub.f32 v35, v37;
	v40 =	vsub.f32 v40, v43  }
0x246: {  	v45 =	vsub.f32 v45, v47;
	v28 =	vmul.f32 v26, v26;
	v32 =	vmul.f32 v59, v59;
	v3 =	vld [tilespmem:s30+$0x180]  }
0x247: {  	v43 =	vsub.f32 v54, v63;
	v35 =	vmul.f32 v61, v61;
	v26 =	vmul.f32 v37, v37;
	v5 =	vld [tilespmem:s30+$0x200]  }
0x248: {  	v31 =	vmul.f32 v31, v31;
	v42 =	vsub.f32 v60, v62;
	v4 =	vld [tilespmem:s30+$0x1180];
	v41 =	vsub.f32 v41, v58  }
0x249: {  	v43 =	vmul.f32 v43, v43;
	v7 =	vld [tilespmem:s30+$0x1200];
	v36 =	vmul.f32 v29, v29;
	v29 =	vsub.f32 v51, v53  }
0x24a: {  	v44 =	vld [tilespmem:s0+$0x880];
	vm1 =	veq.f32 v14, $0.0e+00;
	v57 =	vmul.f32 v42, v42;
	v56 =	vmul.f32 v41, v41  }
0x24b: {  	v59 =	vld [tilespmem:s0+$0x1480];
	vm0 =	vgt.f32 v14, $0.0e+00;
	v23 =	vsub.f32 v6, v14;
	v29 =	vmul.f32 v29, v29;
	v60 =	vpop (erf)  }
0x24c: {  	v61 =	vld [tilespmem:s0+$0x1400];
	v25 =	vmul.f32 $5.000000000e-01, v3;
	v52 =	vmul.f32 v5, v3;
	v37 =	vadd.f32 v57, v56;
	v62 =	vpop (erf)  }
0x24d: {  	v58 =	vsub.f32 v49, v50;
	v38 =	vmul.f32 v60, v38;
	v39 =	vmul.f32 v62, v39  }
0x24e: {  	v49 =	vmul.f32 v40, v40;
	v11 =	vmul.f32 v7, v4;
	v29 =	vadd.f32 v29, v37  }
0x24f: {  	v42 =	vsub.f32 v44, v55;
	v44 =	vmul.f32 v45, v45;
	vm2 =	vgt.f32 v39, v38  }
0x250: {  	v63 =	vmul.f32 v58, v58;
	v29 =	vadd.f32 v43, v29;
	v39 =	vsel vm2, v33, v19  }
0x251: {  	v37 =	vsel vm2, v34, v20;
	v38 =	vsel vm2, v59, v21;
	v40 =	vsel vm2, v61, v10  }
0x252: {  	v19 =	vld [tilespmem:s0+$0x800];
	v10 =	vshra.s32 v37, $0x1;
	v33 =	vmul.f32 $5.000000000e-01, v37;
	v21 =	vshra.s32 v39, $0x1  }
0x253: {  	v20 =	vld [tilespmem:s0+$0x1800];
	v57 =	vshra.s32 v38, $0x1;
	v45 =	vmul.f32 $5.000000000e-01, v38;
	v46 =	vmul.f32 $5.000000000e-01, v39  }
0x254: {  	v58 =	vshra.s32 v40, $0x1;
	v48 =	vmul.f32 $5.000000000e-01, v40;
	v21 =	vsub.s32 $0x5F3759DF, v21  }
0x255: {  	v50 =	vld [tilespmem:s0+$0xF00];
	v47 =	vsub.s32 $0x5F3759DF, v58;
	v34 =	vsub.s32 $0x5F3759DF, v57;
	v59 =	vmul.f32 v21, v46  }
0x256: {  	v43 =	vld [tilespmem:s0+$0x1F00];
	v10 =	vsub.s32 $0x5F3759DF, v10;
	v60 =	vmul.f32 v47, v48;
	v55 =	vmul.f32 v34, v45  }
0x257: {  	v56 =	vld [tilespmem:s0+$0x1A00];
	v29 =	vadd.f32 v63, v29;
	v61 =	vmul.f32 v10, v33;
	v51 =	vmul.f32 v21, v59  }
0x258: {  	v19 =	vsub.f32 v19, v20;
	v20 =	vld [tilespmem:s0+$0xA00];
	v53 =	vmul.f32 v47, v60;
	v63 =	vmul.f32 v34, v55  }
0x259: {  	v42 =	vmul.f32 v42, v42;
	v57 =	vld [tilespmem:s0+$0x1980];
	v62 =	vmul.f32 v10, v61;
	v51 =	vsub.f32 $1.500000000e+00, v51  }
0x25a: {  	v60 =	vld [tilespmem:s0+$0x980];
	v53 =	vsub.f32 $1.500000000e+00, v53;
	v19 =	vmul.f32 v19, v19;
	v54 =	vsub.f32 $1.500000000e+00, v63  }
0x25b: {  	v41 =	vsub.f32 v50, v43;
	v58 =	vsub.f32 $1.500000000e+00, v62;
	v62 =	vld [tilespmem:s0+$0x1E00];
	v21 =	vmul.f32 v21, v51  }
0x25c: {  	v43 =	vmul.f32 v47, v53;
	v19 =	vadd.f32 v19, v29;
	v29 =	vmul.f32 v34, v54;
	v34 =	vld [tilespmem:s0+$0xE00]  }
0x25d: {  	v30 =	vmul.f32 $5.000000000e-01, v4;
	v10 =	vmul.f32 v10, v58;
	v20 =	vsub.f32 v20, v56  }
0x25e: {  	v8 =	vld [tilespmem:s0+$0x500];
	v47 =	vmul.f32 v21, v46;
	v61 =	vmul.f32 v43, v48;
	v19 =	vadd.f32 v42, v19  }
0x25f: {  	v16 =	vld [tilespmem:s0+$0x1500];
	v59 =	vsub.f32 v60, v57;
	v63 =	vmul.f32 v10, v33;
	v58 =	vmul.f32 v29, v45  }
0x260: {  	v60 =	vld [tilespmem:s0+$0xB00];
	v47 =	vmul.f32 v47, v21;
	v50 =	vmul.f32 v61, v43;
	v19 =	vadd.f32 v44, v19  }
0x261: {  	v61 =	vld [tilespmem:s0+$0x1B00];
	v51 =	vmul.f32 v63, v10;
	v53 =	vmul.f32 v58, v29;
	v42 =	vsub.f32 v34, v62  }
0x262: {  	v54 =	vmul.f32 v59, v59;
	v47 =	vsub.f32 $1.500000000e+00, v47;
	v50 =	vsub.f32 $1.500000000e+00, v50  }
0x263: {  	v20 =	vmul.f32 v20, v20;
	v51 =	vsub.f32 $1.500000000e+00, v51;
	v53 =	vsub.f32 $1.500000000e+00, v53  }
0x264: {  	v19 =	vadd.f32 v54, v19;
	v62 =	vmul.f32 v47, v21;
	v43 =	vmul.f32 v50, v43  }
0x265: {  	v24 =	vsub.f32 v8, v16;
	v63 =	vmul.f32 v51, v10;
	v29 =	vmul.f32 v53, v29  }
0x266: {  	v20 =	vadd.f32 v20, v19;
	v10 =	vsub.f32 v60, v61;
	v57 =	vmul.f32 v62, v46  }
0x267: {  	v18 =	vsel vm2, v22, v18;
	v50 =	vmul.f32 v43, v48;
	v51 =	vmul.f32 v63, v33  }
0x268: {  	v53 =	vmul.f32 v29, v45;
	v49 =	vadd.f32 v49, v20;
	v59 =	vmul.f32 v10, v10  }
0x269: {  	v55 =	vsel vm2, v8, v6;
	v8 =	vld [tilespmem:s30+$0x500];
	v44 =	vmul.f32 v57, v62;
	v50 =	vmul.f32 v50, v43  }
0x26a: {  	v58 =	vld [tilespmem:s0+$0x1300];
	v51 =	vmul.f32 v51, v63;
	v53 =	vmul.f32 v53, v29;
	v60 =	vadd.f32 v59, v49  }
0x26b: {  	v13 =	vsel vm2, v17, v13;
	v6 =	vld [tilespmem:s30+$0x1280];
	v44 =	vsub.f32 $1.500000000e+00, v44;
	v50 =	vsub.f32 $1.500000000e+00, v50  }
0x26c: {  	v14 =	vsel vm2, v16, v14;
	v19 =	vld [tilespmem:s30+$0xE80];
	v51 =	vsub.f32 $1.500000000e+00, v51;
	v53 =	vsub.f32 $1.500000000e+00, v53  }
0x26d: {  	v20 =	vld [tilespmem:s30+$0x1E80];
	v34 =	vadd.f32 v26, v60;
	v22 =	vmul.f32 v44, v62;
	v43 =	vmul.f32 v50, v43  }
0x26e: {  	v10 =	vld [tilespmem:s30+$0x280];
	v60 =	vsub.f32 v55, v14;
	v61 =	vmul.f32 v51, v63;
	v62 =	vmul.f32 v53, v29  }
0x26f: {  	v63 =	vld [tilespmem:s0+$0x1380];
	v29 =	vsel vm2, v58, v9;
	v46 =	vmul.f32 v22, v46;
	v48 =	vmul.f32 v43, v48  }
0x270: {  	v26 =	vld [tilespmem:s30+$0xD80];
	v53 =	vadd.f32 v31, v34;
	v33 =	vmul.f32 v61, v33;
	v45 =	vmul.f32 v62, v45  }
0x271: {  	v14 =	vld [tilespmem:s30+$0x100];
	v18 =	vsub.f32 v18, v29;
	v46 =	vmul.f32 v46, v22;
	v48 =	vmul.f32 v48, v43  }
0x272: {  	v9 =	vld [tilespmem:s30+$0x1500];
	v57 =	vadd.f32 v36, v53;
	v33 =	vmul.f32 v33, v61;
	v45 =	vmul.f32 v45, v62  }
0x273: {  	v42 =	vmul.f32 v42, v42;
	v29 =	vld [tilespmem:s30+$0x1D80];
	v17 =	vsub.f32 $1.500000000e+00, v46;
	v54 =	vsub.f32 $1.500000000e+00, v48  }
0x274: {  	v31 =	vld [tilespmem:s30+$0xD00];
	v12 =	vsel vm2, v63, v12;
	v56 =	vsub.f32 $1.500000000e+00, v33;
	v45 =	vsub.f32 $1.500000000e+00, v45  }
0x275: {  	v34 =	vld [tilespmem:s30+$0x1D00];
	v35 =	vadd.f32 v35, v57;
	v17 =	vmul.f32 v17, v22;
	v22 =	vmul.f32 v54, v43  }
0x276: {  	v36 =	vld [tilespmem:s30+$0x1C80];
	v49 =	vsub.f32 v13, v12;
	v44 =	vmul.f32 v56, v61;
	v45 =	vmul.f32 v45, v62  }
0x277: {  	v2 =	vimm.f32 $0.0e+00;
	v13 =	vld [tilespmem:s30+$0x1080];
	v16 =	vmul.f32 v17, v39;
	v17 =	vmul.f32 v22, v40  }
0x278: {  	v18 =	vmul.f32 v18, v18;
	v33 =	vld [tilespmem:s30+$0xC80];
	v35 =	vadd.f32 v28, v35;
	v58 =	vmul.f32 v49, v49  }
0x279: {  	v12 =	vld [tilespmem:s30+$0x1100];
	v59 =	vmul.f32 v44, v37;
	v38 =	vmul.f32 v45, v38;
	v16 =	vsub.f32 v16, v17  }
0x27a: {  	v21 =	vadd.f32 v11, v52;
	v28 =	vld [tilespmem:s30+$0x480];
	v61 =	vmul.f32 v60, v60;
	v62 =	vadd.f32 v42, v35  }
0x27b: {  	v18 =	vadd.f32 v58, v18;
	v17 =	vld [tilespmem:s30+$0x80];
	v40 =	vsub.f32 v59, v38;
	v16 =	vmul.f32 v16, v16  }
0x27c: {  	v27 =	vmul.f32 $5.000000000e-01, v7;
	v35 =	vld [tilespmem:s30+$0x1C00];
	v39 =	vsub.f32 v13, v30;
	v42 =	vadd.f32 v30, v13  }
0x27d: {  	v22 =	vld [tilespmem:s30+$0x400];
	v30 =	vadd.f32 v61, v61;
	v40 =	vmul.f32 v40, v40;
	v16 =	vadd.f32 v16, v18  }
0x27e: {  	v15 =	vmul.f32 $5.000000000e-01, v5;
	v37 =	vld [tilespmem:s30+$0xC00];
	v45 =	vadd.f32 v32, v62;
	v32 =	vadd.f32 v27, v12  }
0x27f: {  	v41 =	vmul.f32 v41, v41;
	v38 =	vsub.f32 v12, v27;
	v18 =	vld [tilespmem:s30+$0x300];
	v63 =	vadd.f32 v16, v40  }
0x280: {  	v46 =	vmul.f32 $5.000000000e-01, v28;
	v44 =	vsub.f32 v17, v25;
	v16 =	vld [tilespmem:s30+$0x380];
	v40 =	vmul.f32 v23, v23  }
0x281: {  	v27 =	vld [tilespmem:s30+$0xB80];
	v23 =	vadd.f32 v41, v45;
	v41 =	vmul.f32 v24, v24;
	v24 =	vadd.f32 v63, v30  }
0x282: {  	s0 =	simm.s32 $0xFFFFFE80;
	v43 =	vmul.f32 $5.000000000e-01, v22;
	v25 =	vadd.f32 v25, v17;
	v45 =	vsub.f32 v14, v15;
	v30 =	vld [tilespmem:s30+$0x1B80]  }
.LBB2_8:
0x283: {  	p1 =	sne.s32 s0, $0xFFFFFFC0;
	v47 =	vld [tilespmem:s30+$0xA80];
	v48 =	vsel vm0, $0x3F800000, v0;
	v40 =	vadd.f32 v41, v40;
	v23 =	vadd.f32 v24, v23  }
0x284: {  	v15 =	vadd.f32 v15, v14;
	v49 =	vsel vm1, $0x3F800000, v0;
	v41 =	vld [tilespmem:s30+$0x1A80];
	v24 =	vsub.f32 v18, v43  }
0x285: {  	v50 =	vld [tilespmem:s30+$0x900];
	v51 =	vsub.f32 v16, v46;
	v23 =	vmul.f32 v23, v48;
	v40 =	vmul.f32 v40, v49  }
0x286: {  	v43 =	vadd.f32 v43, v18;
	v46 =	vadd.f32 v46, v16;
	v49 =	vmul.f32 v28, v22;
	v48 =	vld [tilespmem:s30+$0x1900]  }
0x287: {  	v44 =	vmax.f32 v44, v39;
	v45 =	vmax.f32 v45, v38;
	v52 =	vld [tilespmem:s30+$0x780];
	v23 =	vadd.f32 v23, v40  }
0x288: {  	v25 =	vmin.f32 v25, v42;
	v15 =	vmin.f32 v15, v32;
	v24 =	vmax.f32 v24, v39;
	v40 =	vld [tilespmem:s30+$0x1780]  }
0x289: {  	s2 =	sshra.s32 s0, $0x2;
	v42 =	vmin.f32 v43, v42;
	v38 =	vmax.f32 v51, v38;
	v39 =	vld [tilespmem:s30+$0x680];
	v2 =	vadd.f32 v23, v2  }
0x28a: {  	vm0 =	vlt.f32 v25, v44;
	vm1 =	vlt.f32 v15, v45;
	v15 =	vmin.f32 v46, v32;
	v43 =	vld [tilespmem:s2+$0x180]  }
0x28b: {  	vm0 =	vmand vm0, vm1;
	vm1 =	vlt.f32 v42, v24;
	vm2 =	vlt.f32 v15, v38;
	v44 =	vld [tilespmem:s2+$0x200]  }
0x28c: {  	v11 =	vadd.f32 v11, v49;
	v38 =	vsel vm0, $0x3F800000, v0;
	vm0 =	vmand vm1, vm2;
	v42 =	vld [tilespmem:s2+$0x1180]  }
0x28d: {  	v15 =	vsub.f32 v21, v38;
	v21 =	vsel vm0, $0x3F800000, v0;
	v45 =	vld [tilespmem:s2+$0x1200]  }
0x28e: {  	v23 =	vsub.f32 v10, v6;
	vm0 =	vgt.f32 v6, $0.0e+00;
	v11 =	vsub.f32 v11, v21;
	v32 =	vld [tilespmem:s30+$0x580]  }
0x28f: {  	v19 =	vsub.f32 v19, v20;
	v24 =	vsub.f32 v8, v9;
	v46 =	vld [tilespmem:s30+$0x1580];
	(erf) = vrcp.f32 v15  }
0x290: {  	v31 =	vsub.f32 v31, v34;
	v26 =	vsub.f32 v26, v29;
	v49 =	vld [tilespmem:s30+$0x600];
	(erf) = vrcp.f32 v11  }
0x291: {  	v34 =	vsub.f32 v37, v35;
	v33 =	vsub.f32 v33, v36;
	vm1 =	veq.f32 v6, $0.0e+00;
	v29 =	vld [tilespmem:s30+$0x1600]  }
0x292: {  	v53 =	vsub.f32 v27, v30;
	v20 =	vmul.f32 v44, v43;
	v11 =	vmul.f32 v45, v42;
	v51 =	vld [tilespmem:s30+$0x1680]  }
0x293: {  	v41 =	vsub.f32 v47, v41;
	v30 =	vmul.f32 $5.000000000e-01, v42;
	v27 =	vmul.f32 $5.000000000e-01, v45;
	v54 =	vld [tilespmem:s30+$0x700]  }
0x294: {  	v48 =	vsub.f32 v50, v48;
	v25 =	vmul.f32 $5.000000000e-01, v43;
	v15 =	vmul.f32 $5.000000000e-01, v44;
	v47 =	vld [tilespmem:s30+$0x1700]  }
0x295: {  	v35 =	vmul.f32 v26, v26;
	v46 =	vsub.f32 v32, v46;
	v32 =	vmul.f32 v19, v19;
	v50 =	vld [tilespmem:s30+$0x880]  }
0x296: {  	v36 =	vmul.f32 v33, v33;
	v37 =	vmul.f32 v31, v31;
	v19 =	vsub.f32 v49, v29;
	v29 =	vld [tilespmem:s30+$0x1880]  }
0x297: {  	v31 =	vmul.f32 v34, v34;
	v26 =	vmul.f32 v53, v53;
	v33 =	vsub.f32 v39, v51  }
0x298: {  	v40 =	vsub.f32 v52, v40;
	v39 =	vmul.f32 v46, v46;
	v19 =	vmul.f32 v19, v19;
	v46 =	vld [tilespmem:s30+$0x1480];
	v49 =	vpop (erf)  }
0x299: {  	v34 =	vmul.f32 v41, v41;
	v33 =	vmul.f32 v33, v33;
	v47 =	vsub.f32 v54, v47;
	v41 =	vld [tilespmem:s30+$0x1400];
	v51 =	vpop (erf)  }
0x29a: {  	v38 =	vmul.f32 v49, v38;
	v19 =	vadd.f32 v19, v39;
	v21 =	vmul.f32 v51, v21  }
0x29b: {  	v48 =	vmul.f32 v48, v48;
	v40 =	vmul.f32 v40, v40;
	v49 =	vsub.f32 v50, v29  }
0x29c: {  	v47 =	vmul.f32 v47, v47;
	v19 =	vadd.f32 v33, v19;
	vm2 =	vgt.f32 v21, v38  }
0x29d: {  	v22 =	vsel vm2, v22, v3;
	v28 =	vsel vm2, v28, v5;
	v38 =	vsel vm2, v46, v7;
	v3 =	vmovc v43  }
0x29e: {  	v5 =	vmovc v44;
	v21 =	vld [tilespmem:s30+$0x800];
	v39 =	vsel vm2, v41, v4;
	v41 =	vshra.s32 v28, $0x1;
	v29 =	vmul.f32 $5.000000000e-01, v28;
	v4 =	vmovc v42  }
0x29f: {  	v7 =	vmovc v45;
	v43 =	vshra.s32 v22, $0x1;
	v44 =	vshra.s32 v38, $0x1;
	v33 =	vmul.f32 $5.000000000e-01, v38;
	v42 =	vld [tilespmem:s30+$0x1800]  }
0x2a0: {  	v45 =	vmul.f32 $5.000000000e-01, v22;
	v46 =	vshra.s32 v39, $0x1;
	v50 =	vmul.f32 $5.000000000e-01, v39  }
0x2a1: {  	v43 =	vsub.s32 $0x5F3759DF, v43;
	v41 =	vsub.s32 $0x5F3759DF, v41;
	v46 =	vsub.s32 $0x5F3759DF, v46  }
0x2a2: {  	v44 =	vsub.s32 $0x5F3759DF, v44;
	v52 =	vmul.f32 v43, v45;
	v53 =	vmul.f32 v46, v50;
	v51 =	vld [tilespmem:s30+$0xF00]  }
0x2a3: {  	v19 =	vadd.f32 v47, v19;
	v54 =	vmul.f32 v41, v29;
	v55 =	vmul.f32 v44, v33;
	v47 =	vld [tilespmem:s30+$0x1F00]  }
0x2a4: {  	v52 =	vmul.f32 v43, v52;
	v53 =	vmul.f32 v46, v53;
	v21 =	vsub.f32 v21, v42;
	v42 =	vld [tilespmem:s30+$0xA00]  }
0x2a5: {  	v19 =	vadd.f32 v40, v19;
	v40 =	vmul.f32 v41, v54;
	v54 =	vmul.f32 v44, v55;
	v56 =	vld [tilespmem:s30+$0x1A00]  }
0x2a6: {  	v49 =	vmul.f32 v49, v49;
	v52 =	vsub.f32 $1.500000000e+00, v52;
	v53 =	vsub.f32 $1.500000000e+00, v53;
	v55 =	vld [tilespmem:s30+$0x980]  }
0x2a7: {  	v58 =	vsub.f32 $1.500000000e+00, v40;
	v54 =	vsub.f32 $1.500000000e+00, v54;
	v21 =	vmul.f32 v21, v21;
	v57 =	vld [tilespmem:s30+$0x1980]  }
0x2a8: {  	v43 =	vmul.f32 v43, v52;
	v46 =	vmul.f32 v46, v53;
	v40 =	vsub.f32 v51, v47  }
0x2a9: {  	v19 =	vadd.f32 v21, v19;
	v21 =	vmul.f32 v41, v58;
	v41 =	vmul.f32 v44, v54  }
0x2aa: {  	v47 =	vmul.f32 v43, v45;
	v51 =	vmul.f32 v46, v50;
	v42 =	vsub.f32 v42, v56;
	v44 =	vld [tilespmem:s30+$0xE00]  }
0x2ab: {  	v19 =	vadd.f32 v49, v19;
	v52 =	vmul.f32 v21, v29;
	v53 =	vmul.f32 v41, v33;
	v49 =	vld [tilespmem:s30+$0x1E00]  }
0x2ac: {  	v47 =	vmul.f32 v47, v43;
	v51 =	vmul.f32 v51, v46;
	v54 =	vsub.f32 v55, v57;
	v55 =	vld [tilespmem:s30+$0xB00]  }
0x2ad: {  	v19 =	vadd.f32 v48, v19;
	v52 =	vmul.f32 v52, v21;
	v53 =	vmul.f32 v53, v41;
	v48 =	vld [tilespmem:s30+$0x1B00]  }
0x2ae: {  	v42 =	vmul.f32 v42, v42;
	v47 =	vsub.f32 $1.500000000e+00, v47;
	v51 =	vsub.f32 $1.500000000e+00, v51  }
0x2af: {  	v54 =	vmul.f32 v54, v54;
	v52 =	vsub.f32 $1.500000000e+00, v52;
	v53 =	vsub.f32 $1.500000000e+00, v53  }
0x2b0: {  	v43 =	vmul.f32 v47, v43;
	v46 =	vmul.f32 v51, v46;
	v44 =	vsub.f32 v44, v49  }
0x2b1: {  	v19 =	vadd.f32 v54, v19;
	v47 =	vmul.f32 v52, v21;
	v41 =	vmul.f32 v53, v41  }
0x2b2: {  	v49 =	vmul.f32 v43, v45;
	v51 =	vmul.f32 v46, v50;
	v48 =	vsub.f32 v55, v48  }
0x2b3: {  	v42 =	vadd.f32 v42, v19;
	v52 =	vmul.f32 v47, v29;
	v53 =	vmul.f32 v41, v33  }
0x2b4: {  	v21 =	vadd.f32 v11, v20;
	v49 =	vmul.f32 v49, v43;
	v51 =	vmul.f32 v51, v46;
	v19 =	vld [tilespmem:s2+$0xE80]  }
0x2b5: {  	v34 =	vadd.f32 v34, v42;
	v52 =	vmul.f32 v52, v47;
	v53 =	vmul.f32 v53, v41;
	v42 =	vld [tilespmem:s30+$0x1300]  }
0x2b6: {  	v48 =	vmul.f32 v48, v48;
	v49 =	vsub.f32 $1.500000000e+00, v49;
	v51 =	vsub.f32 $1.500000000e+00, v51;
	v20 =	vld [tilespmem:s2+$0x1E80]  }
0x2b7: {  	v54 =	vsel vm2, v8, v10;
	v52 =	vsub.f32 $1.500000000e+00, v52;
	v53 =	vsub.f32 $1.500000000e+00, v53;
	v10 =	vld [tilespmem:s2+$0x280]  }
0x2b8: {  	v17 =	vsel vm2, v18, v17;
	v18 =	vmul.f32 v49, v43;
	v43 =	vmul.f32 v51, v46;
	v8 =	vld [tilespmem:s2+$0x500]  }
0x2b9: {  	v34 =	vadd.f32 v48, v34;
	v47 =	vmul.f32 v52, v47;
	v41 =	vmul.f32 v53, v41;
	v46 =	vld [tilespmem:s2+$0x1280]  }
0x2ba: {  	v48 =	vld [tilespmem:s30+$0x1380];
	v13 =	vsel vm2, v42, v13;
	v42 =	vmul.f32 v18, v45;
	v45 =	vmul.f32 v43, v50;
	s30 =	smov.u32 s2  }
0x2bb: {  	v34 =	vadd.f32 v26, v34;
	v50 =	vmul.f32 v47, v29;
	v33 =	vmul.f32 v41, v33;
	v49 =	vld [tilespmem:s30+$0x1500]  }
0x2bc: {  	v17 =	vsub.f32 v17, v13;
	v26 =	vld [tilespmem:s30+$0xD80];
	v13 =	vmul.f32 v42, v18;
	v42 =	vmul.f32 v45, v43  }
0x2bd: {  	v45 =	vadd.f32 v31, v34;
	v50 =	vmul.f32 v50, v47;
	v33 =	vmul.f32 v33, v41;
	v29 =	vld [tilespmem:s30+$0x1D80]  }
0x2be: {  	v14 =	vsel vm2, v16, v14;
	v31 =	vld [tilespmem:s30+$0xD00];
	v13 =	vsub.f32 $1.500000000e+00, v13;
	v16 =	vsub.f32 $1.500000000e+00, v42  }
0x2bf: {  	v42 =	vsub.f32 $1.500000000e+00, v50;
	v34 =	vld [tilespmem:s30+$0x1D00];
	v12 =	vsel vm2, v48, v12;
	v48 =	vsub.f32 $1.500000000e+00, v33  }
0x2c0: {  	v33 =	vld [tilespmem:s30+$0xC80];
	v14 =	vsub.f32 v14, v12;
	v18 =	vmul.f32 v13, v18;
	v16 =	vmul.f32 v16, v43  }
0x2c1: {  	v43 =	vadd.f32 v36, v45;
	v42 =	vmul.f32 v42, v47;
	v13 =	vld [tilespmem:s30+$0x1080];
	v41 =	vmul.f32 v48, v41  }
0x2c2: {  	v45 =	vsel vm2, v9, v6;
	v6 =	vmovc v46;
	v12 =	vld [tilespmem:s30+$0x1100];
	v18 =	vmul.f32 v18, v22;
	v16 =	vmul.f32 v16, v39  }
0x2c3: {  	v17 =	vmul.f32 v17, v17;
	v9 =	vmovc v49;
	v39 =	vadd.f32 v37, v43;
	v14 =	vmul.f32 v14, v14;
	v36 =	vld [tilespmem:s30+$0x1C80]  }
0x2c4: {  	v22 =	vld [tilespmem:s30+$0x400];
	v16 =	vsub.f32 v18, v16;
	v18 =	vmul.f32 v42, v28;
	v28 =	vmul.f32 v41, v38  }
0x2c5: {  	v41 =	vmul.f32 v44, v44;
	v42 =	vsub.f32 v54, v45;
	v43 =	vadd.f32 v14, v17;
	v37 =	vld [tilespmem:s30+$0xC00]  }
0x2c6: {  	v35 =	vadd.f32 v35, v39;
	v17 =	vld [tilespmem:s30+$0x80];
	v16 =	vmul.f32 v16, v16;
	v18 =	vsub.f32 v18, v28  }
0x2c7: {  	v39 =	vsub.f32 v13, v30;
	v44 =	vmul.f32 v42, v42;
	v14 =	vld [tilespmem:s30+$0x100];
	v38 =	vsub.f32 v12, v27  }
0x2c8: {  	v41 =	vadd.f32 v41, v35;
	v28 =	vld [tilespmem:s30+$0x480];
	v16 =	vadd.f32 v16, v43;
	v45 =	vmul.f32 v18, v18  }
.Ltmp3:
0x2c9: {  	v42 =	vadd.f32 v30, v13;
	v30 =	vadd.f32 v44, v44;
	v35 =	vld [tilespmem:s30+$0x1C00];
	v43 =	vmul.f32 $5.000000000e-01, v22;
	(pc) =	sbr.rel @p1 .LBB2_8-.Ltmp3, $4  }
0x2ca: {  	v46 =	vmul.f32 v40, v40;
	v41 =	vadd.f32 v32, v41;
	v18 =	vld [tilespmem:s30+$0x300];
	v45 =	vadd.f32 v16, v45  }
0x2cb: {  	v40 =	vmul.f32 v23, v23;
	v32 =	vadd.f32 v27, v12;
	v16 =	vld [tilespmem:s30+$0x380];
	v44 =	vsub.f32 v17, v25  }
0x2cc: {  	v23 =	vadd.f32 v46, v41;
	v41 =	vmul.f32 v24, v24;
	v27 =	vld [tilespmem:s30+$0xB80];
	v24 =	vadd.f32 v45, v30  }
0x2cd: {  	s0 =	sadd.s32 $0x40, s0;
	v25 =	vadd.f32 v25, v17;
	v45 =	vsub.f32 v14, v15;
	v30 =	vld [tilespmem:s30+$0x1B80];
	v46 =	vmul.f32 $5.000000000e-01, v28  }
0x2ce: {  	v15 =	vadd.f32 v15, v14  }
0x2cf: {  	v49 =	vld [tilespmem:s30+$0xA80];
	v44 =	vmax.f32 v44, v39;
	v50 =	vmul.f32 v28, v22;
	v47 =	vsub.f32 v18, v43  }
0x2d0: {  	v55 =	vld [tilespmem:s30+$0x1A80];
	v52 =	vadd.f32 v43, v18;
	v45 =	vmax.f32 v45, v38;
	v25 =	vmin.f32 v25, v42  }
0x2d1: {  	v58 =	vld [tilespmem:s30+$0x1900];
	v48 =	vsub.f32 v16, v46;
	v53 =	vadd.f32 v46, v16;
	v15 =	vmin.f32 v15, v32  }
0x2d2: {  	v61 =	vld [tilespmem:s30+$0x580];
	vm2 =	vlt.f32 v25, v44;
	v54 =	vmax.f32 v47, v39;
	v57 =	vmin.f32 v52, v42  }
0x2d3: {  	v62 =	vld [tilespmem:s30+$0x1580];
	vm3 =	vlt.f32 v15, v45;
	v56 =	vmax.f32 v48, v38;
	v59 =	vmin.f32 v53, v32  }
0x2d4: {  	v63 =	vld [tilespmem:s30+$0x600];
	vm2 =	vmand vm2, vm3;
	vm11 =	vlt.f32 v57, v54;
	vm4 =	vlt.f32 v59, v56  }
0x2d5: {  	v11 =	vadd.f32 v11, v50;
	v50 =	vld [tilespmem:s30+$0x1600];
	v38 =	vsel vm2, $0x3F800000, v0;
	vm12 =	vmand vm11, vm4  }
0x2d6: {  	v46 =	vld [tilespmem:s30+$0x1400];
	v60 =	vsub.f32 v21, v38;
	v44 =	vsel vm12, $0x3F800000, v0  }
0x2d7: {  	v48 =	vld [tilespmem:s30+$0x900];
	v11 =	vsub.f32 v11, v44  }
0x2d8: {  	v42 =	vld [tilespmem:s30+$0x680];
	(erf) = vrcp.f32 v60  }
0x2d9: {  	v52 =	vld [tilespmem:s30+$0x1680];
	(erf) = vrcp.f32 v11  }
0x2da: {  	v31 =	vsub.f32 v31, v34;
	v51 =	vsub.f32 v26, v29;
	v54 =	vld [tilespmem:s30+$0x700]  }
0x2db: {  	v33 =	vsub.f32 v33, v36;
	v53 =	vsub.f32 v37, v35;
	v56 =	vld [tilespmem:s30+$0x1700]  }
0x2dc: {  	v39 =	vld [tilespmem:s30+$0x1780];
	v57 =	vsub.f32 v48, v58;
	v58 =	vsub.f32 v61, v62  }
0x2dd: {  	v32 =	vld [tilespmem:s30+$0x780];
	v11 =	vadd.f32 v41, v40;
	v40 =	vsub.f32 v63, v50  }
0x2de: {  	v25 =	vmul.f32 v33, v33;
	v27 =	vsub.f32 v27, v30;
	v59 =	vld [tilespmem:s30+$0x880];
	v29 =	vmul.f32 v53, v53  }
0x2df: {  	v53 =	vld [tilespmem:s30+$0x1800];
	v26 =	vsub.f32 v42, v52;
	v61 =	vmul.f32 v58, v58;
	v62 =	vmul.f32 v40, v40  }
0x2e0: {  	v15 =	vmul.f32 v51, v51;
	v55 =	vsub.f32 v49, v55;
	v60 =	vld [tilespmem:s30+$0x1880];
	v34 =	vsub.f32 v54, v56  }
0x2e1: {  	v21 =	vmul.f32 v31, v31;
	v63 =	vld [tilespmem:s30+$0x1480];
	v26 =	vmul.f32 v26, v26;
	v31 =	vadd.f32 v62, v61;
	v45 =	vpop (erf)  }
0x2e2: {  	v30 =	vmul.f32 v55, v55;
	v52 =	vld [tilespmem:s30+$0x800];
	v32 =	vsub.f32 v32, v39;
	v51 =	vmul.f32 v34, v34;
	v47 =	vpop (erf)  }
0x2e3: {  	v26 =	vadd.f32 v26, v31;
	v48 =	vmul.f32 v45, v38;
	v49 =	vmul.f32 v47, v44  }
0x2e4: {  	v32 =	vmul.f32 v32, v32;
	v36 =	vmul.f32 v57, v57  }
0x2e5: {  	v50 =	vsub.f32 v59, v60;
	v26 =	vadd.f32 v51, v26;
	vm13 =	vgt.f32 v49, v48  }
0x2e6: {  	v22 =	vsel vm13, v22, v3;
	v3 =	vsel vm13, v28, v5;
	v5 =	vsel vm13, v63, v7  }
0x2e7: {  	v4 =	vsel vm13, v46, v4;
	v7 =	vsub.f32 v52, v53;
	v28 =	vshra.s32 v3, $0x1  }
0x2e8: {  	v33 =	vmul.f32 $5.000000000e-01, v3;
	v54 =	vshra.s32 v22, $0x1;
	v37 =	vshra.s32 v5, $0x1  }
0x2e9: {  	v38 =	vmul.f32 $5.000000000e-01, v5;
	v40 =	vmul.f32 $5.000000000e-01, v22;
	v55 =	vshra.s32 v4, $0x1  }
0x2ea: {  	v42 =	vmul.f32 $5.000000000e-01, v4;
	v35 =	vsub.s32 $0x5F3759DF, v54;
	v41 =	vsub.s32 $0x5F3759DF, v55  }
0x2eb: {  	v62 =	vld [tilespmem:s30+$0x980];
	v28 =	vsub.s32 $0x5F3759DF, v28;
	v7 =	vmul.f32 v7, v7;
	v56 =	vmul.f32 v35, v40  }
0x2ec: {  	v63 =	vld [tilespmem:s30+$0x1980];
	v37 =	vsub.s32 $0x5F3759DF, v37;
	v57 =	vmul.f32 v41, v42;
	v58 =	vmul.f32 v28, v33  }
0x2ed: {  	v26 =	vadd.f32 v32, v26;
	v59 =	vmul.f32 v37, v38;
	v43 =	vmul.f32 v35, v56  }
0x2ee: {  	v60 =	vld [tilespmem:s30+$0xA00];
	v44 =	vmul.f32 v41, v57;
	v31 =	vmul.f32 v28, v58  }
0x2ef: {  	v61 =	vld [tilespmem:s30+$0x1A00];
	v7 =	vadd.f32 v7, v26;
	v45 =	vmul.f32 v37, v59;
	v43 =	vsub.f32 $1.500000000e+00, v43  }
0x2f0: {  	v39 =	vmul.f32 v50, v50;
	v49 =	vld [tilespmem:s30+$0x1B00];
	v44 =	vsub.f32 $1.500000000e+00, v44;
	v31 =	vsub.f32 $1.500000000e+00, v31  }
0x2f1: {  	v59 =	vsub.f32 v62, v63;
	v63 =	vld [tilespmem:s30+$0xB00];
	v45 =	vsub.f32 $1.500000000e+00, v45;
	v35 =	vmul.f32 v35, v43  }
0x2f2: {  	v41 =	vmul.f32 v41, v44;
	v26 =	vmul.f32 v28, v31  }
0x2f3: {  	v7 =	vadd.f32 v39, v7;
	v52 =	vmul.f32 v37, v45;
	v44 =	vmul.f32 v59, v59  }
0x2f4: {  	v53 =	vsub.f32 v60, v61;
	v54 =	vmul.f32 v35, v40;
	v55 =	vmul.f32 v41, v42  }
0x2f5: {  	v7 =	vadd.f32 v36, v7;
	v56 =	vmul.f32 v26, v33;
	v57 =	vmul.f32 v52, v38  }
0x2f6: {  	v39 =	vsub.f32 v63, v49;
	v32 =	vmul.f32 v54, v35;
	v34 =	vmul.f32 v55, v41  }
0x2f7: {  	v7 =	vadd.f32 v44, v7;
	v61 =	vmul.f32 v56, v26;
	v62 =	vmul.f32 v57, v52  }
0x2f8: {  	v31 =	vmul.f32 v53, v53;
	v32 =	vsub.f32 $1.500000000e+00, v32;
	v34 =	vsub.f32 $1.500000000e+00, v34  }
0x2f9: {  	v39 =	vmul.f32 v39, v39;
	v36 =	vsub.f32 $1.500000000e+00, v61;
	v37 =	vsub.f32 $1.500000000e+00, v62  }
0x2fa: {  	v50 =	vmul.f32 v32, v35;
	v51 =	vmul.f32 v34, v41  }
0x2fb: {  	v7 =	vadd.f32 v31, v7;
	v26 =	vmul.f32 v36, v26;
	v28 =	vmul.f32 v37, v52  }
0x2fc: {  	v19 =	vsub.f32 v19, v20;
	v60 =	vld [tilespmem:s30+$0x1E00];
	v35 =	vmul.f32 v50, v40;
	v53 =	vmul.f32 v51, v42  }
0x2fd: {  	v58 =	vld [tilespmem:s30+$0xE00];
	v7 =	vadd.f32 v30, v7;
	v54 =	vmul.f32 v26, v33;
	v37 =	vmul.f32 v28, v38  }
0x2fe: {  	v48 =	vsub.f32 v10, v6;
	v35 =	vmul.f32 v35, v50;
	v36 =	vmul.f32 v53, v51  }
0x2ff: {  	v55 =	vld [tilespmem:s30+$0x1300];
	v7 =	vadd.f32 v39, v7;
	v31 =	vmul.f32 v54, v26;
	v37 =	vmul.f32 v37, v28  }
0x300: {  	v27 =	vmul.f32 v27, v27;
	v35 =	vsub.f32 $1.500000000e+00, v35;
	v36 =	vsub.f32 $1.500000000e+00, v36  }
0x301: {  	v17 =	vsel vm13, v18, v17;
	v31 =	vsub.f32 $1.500000000e+00, v31;
	v37 =	vsub.f32 $1.500000000e+00, v37  }
0x302: {  	v52 =	vsub.f32 v58, v60;
	v57 =	vmul.f32 v35, v50;
	v58 =	vmul.f32 v36, v51  }
0x303: {  	v7 =	vadd.f32 v27, v7;
	v26 =	vmul.f32 v31, v26;
	v28 =	vmul.f32 v37, v28  }
0x304: {  	v59 =	vld [tilespmem:s30+$0x1380];
	v13 =	vsel vm13, v55, v13;
	v60 =	vmul.f32 v57, v40;
	v32 =	vmul.f32 v58, v42  }
0x305: {  	v7 =	vadd.f32 v29, v7;
	v61 =	vmul.f32 v26, v33;
	v62 =	vmul.f32 v28, v38  }
0x306: {  	v13 =	vsub.f32 v17, v13;
	v63 =	vmul.f32 v60, v57;
	v35 =	vmul.f32 v32, v58  }
0x307: {  	v7 =	vadd.f32 v25, v7;
	v27 =	vmul.f32 v61, v26;
	v36 =	vmul.f32 v62, v28  }
0x308: {  	v46 =	vsel vm13, v9, v6;
	v38 =	vsub.f32 $1.500000000e+00, v63;
	v39 =	vsub.f32 $1.500000000e+00, v35  }
0x309: {  	v12 =	vsel vm13, v59, v12;
	v27 =	vsub.f32 $1.500000000e+00, v27;
	v29 =	vsub.f32 $1.500000000e+00, v36  }
0x30a: {  	v37 =	vsel vm13, v16, v14;
	v40 =	vmul.f32 v38, v57;
	v41 =	vmul.f32 v39, v58  }
0x30b: {  	v12 =	vsub.f32 v37, v12;
	v43 =	vmul.f32 v27, v26;
	v44 =	vmul.f32 v29, v28  }
0x30c: {  	v45 =	vld [tilespmem:s30+$0x1F00];
	v56 =	vsel vm13, v8, v10;
	v14 =	vmul.f32 v40, v22;
	v4 =	vmul.f32 v41, v4  }
0x30d: {  	v13 =	vmul.f32 v13, v13;
	v7 =	vadd.f32 v21, v7;
	v42 =	vld [tilespmem:s30+$0xF00];
	v12 =	vmul.f32 v12, v12  }
0x30e: {  	v3 =	vmul.f32 v43, v3;
	v5 =	vmul.f32 v44, v5;
	v4 =	vsub.f32 v14, v4  }
0x30f: {  	v10 =	vsub.f32 v56, v46;
	v47 =	vmul.f32 v52, v52;
	v7 =	vadd.f32 v15, v7  }
0x310: {  	v12 =	vadd.f32 v12, v13;
	v3 =	vsub.f32 v3, v5;
	v4 =	vmul.f32 v4, v4  }
0x311: {  	v49 =	vmul.f32 v19, v19;
	v10 =	vmul.f32 v10, v10;
	v7 =	vadd.f32 v47, v7  }
0x312: {  	v50 =	vsub.f32 v42, v45;
	v3 =	vmul.f32 v3, v3;
	v4 =	vadd.f32 v4, v12  }
0x313: {  	vm14 =	vgt.f32 v6, $0.0e+00;
	v52 =	vsub.f32 v8, v9;
	v53 =	vadd.f32 v10, v10  }
0x314: {  	v54 =	vmul.f32 v50, v50;
	v5 =	vadd.f32 v49, v7;
	v3 =	vadd.f32 v4, v3  }
0x315: {  	v56 =	vsel vm1, $0x3F800000, v0;
	v55 =	vadd.f32 v24, v23;
	v57 =	vmul.f32 v48, v48  }
0x316: {  	v58 =	vmul.f32 v52, v52;
	v5 =	vadd.f32 v54, v5;
	v3 =	vadd.f32 v3, v53  }
0x317: {  	vm15 =	veq.f32 v6, $0.0e+00;
	v59 =	vmul.f32 v11, v56;
	v51 =	vsel vm0, $0x3F800000, v0  }
0x318: {  	v60 =	vadd.f32 v58, v57;
	v4 =	vmul.f32 v55, v51;
	v3 =	vadd.f32 v3, v5  }
0x319: {  	v61 =	vsel vm14, $0x3F800000, v0;
	v62 =	vsel vm15, $0x3F800000, v0  }
0x31a: {  	v63 =	vmul.f32 v60, v62;
	v4 =	vadd.f32 v4, v59;
	v3 =	vmul.f32 v3, v61;
	_ =	sdelay $0x1  }
0x31b: {  	[tilespmem:$0x4010] =	vst v0;
	v2 =	vadd.f32 v4, v2;
	v3 =	vadd.f32 v3, v63  }
0x31c: {  	[tilespmem:$0x4020] =	vst v0  }
0x31d: {  	[tilespmem:$0x4030] =	vst v0;
	v2 =	vadd.f32 v3, v2  }
0x31e: {  	[tilespmem:$0x4040] =	vst v0  }
0x31f: {  	[tilespmem:$0x4050] =	vst v0;
	v2 =	vpsel !p0, $0x0, v2  }
0x320: {  	s29 =	sadd.s32 $0x1, s29;
	[tilespmem:$0x4060] =	vst v0;
	v1 =	vadd.f32 v2, v1  }
0x321: {  	p1 =	sne.s32 s29, s11;
	[tilespmem:$0x4070] =	vst v0  }
.Ltmp4:
0x322: {  	s0 =	simm.s32 $0x4000;
	[tilespmem:$0x4000] =	vst v1;
	(pc) =	sbr.rel @p1 .LBB2_1-.Ltmp4, $4  }
0x323: {  	[hbm4b:s10+s4] =	stream.linear.scatter [tilespmem:s0], [sflag:$0x5], $0x80, $0x38;
	[tilespmem:$0x4080] =	vst v63  }
0x324: {  	_ =	swait.ge [sflag:s28], $0x80  }
0x325: {  	[sflag:s28] =	ssyncset.done $0x0  }
0x326: {  	[sflag:s28] =	ssyncadd.s32 $0xFFFFFF80  }
0x327: {  	_ =	sfence.sel $0x180000  }
0x328: {  	[bflag:$0x0] =	sbarrier.arrive $0xFFFF  }
0x329: {  	_ =	strace $0x90000047  }
0x32a: {  	s0 =	stileid.u32;
	[bflag:$0x2] =	sbarrier.arrive $0xFFFF  }
0x32b: {  	p0 =	sne.s32 s0, $0x0;
	s0 =	rddreg [dreg:$0x3]  }
0x32c: {  	s0 =	sadd.s32 @!p0 $0x100000, s0  }
0x32d: {  	[sflag:s0] =	ssyncadd.tile.s32 @!p0 $0x1;
	_ =	shalt  }
.Lfunc_end2:
_tile_overlayer_lowered:
.L_overlay_start_2:
0x32e: {  	(tag) =	ssettag $0x2  }
0x32f: {  	s0 =	rddreg [dreg:$0x0];
	s2 =	stileid.u32  }
0x330: {  	s1 =	rddreg [dreg:$0x1];
	p0 =	sne.s32 s2, $0x0  }
0x331: {  	s3 =	rddreg [dreg:$0x2];
	[bflag:$0x3] =	sbarrier.arrive $0xFFFF;
	s2 =	simm.s32 @!p0 $0x1C05  }
0x332: {  	[timem:s3], [sflag:s2] =	dma.local @!p0 [hbm:s0], s1  }
0x333: {  	s0 =	simm.s32 @!p0 $0x5  }
0x334: {  	_ =	swait.ge @!p0 [sflag:s0], s1  }
0x335: {  	s1 =	ssub.s32 @!p0 $0x0, s1;
	[sflag:s0] =	ssyncset.done @!p0 $0x0  }
0x336: {  	[sflag:s0] =	ssyncadd.s32 @!p0 s1  }
0x337: {  	[bflag:$0x3] =	sbarrier.arrive $0xFFFF  }
0x338: {  	_ =	shalt  }

</sc_bundles>
